<compile_context>
chip_gen: v7x
topology: tpu7x:2x2x1
jax: 0.10.2.dev20260603
libtpu: 0.0.44.dev20260713+nightly
codegen_flags: <defaults>
</compile_context>

<pallas_src>
import functools

import jax
import jax.numpy as jnp
from jax import lax
from jax.experimental import pallas as pl
from jax.experimental.pallas import tpu as pltpu
from jax.experimental.pallas import tpu_sc as plsc

_B = 8
_T = 512
_E = 512
_H = 512
_G = 4 * _H
_CH = 64
_NK = _T // _CH


def _sc_gather(tokens, dst, emb):
    info = plsc.get_sparse_core_info()
    nw = info.num_cores * info.num_subcores
    total = tokens.shape[0]
    rpw = total // nw
    rows = _B * _T
    mesh = plsc.VectorSubcoreMesh(core_axis_name="c", subcore_axis_name="s")

    @functools.partial(
        pl.kernel,
        mesh=mesh,
        out_type=jax.ShapeDtypeStruct((rows, _E), jnp.float32),
        scratch_types=[
            pltpu.VMEM((rpw,), jnp.int32),
            pltpu.VMEM((rpw,), jnp.int32),
            pltpu.VMEM((rpw, _E), jnp.float32),
            pltpu.SemaphoreType.DMA,
            pltpu.SemaphoreType.DMA,
        ],
    )
    def gather_kernel(tok_hbm, dst_hbm, emb_hbm, x_hbm,
                      tid_v, dst_v, rows_v, sem1, sem2):
        wid = lax.axis_index("s") * info.num_cores + lax.axis_index("c")
        base = wid * rpw
        pltpu.sync_copy(tok_hbm.at[pl.ds(base, rpw)], tid_v)
        pltpu.sync_copy(dst_hbm.at[pl.ds(base, rpw)], dst_v)
        pltpu.async_copy(emb_hbm.at[tid_v], rows_v, sem1).wait()
        pltpu.async_copy(rows_v, x_hbm.at[dst_v], sem2).wait()

    return gather_kernel(tokens, dst, emb)


def _gates1(x, wt, bsum):
    rows, k = x.shape
    blk = 512
    nblk = rows // blk

    def body(x_ref, w_ref, b_ref, gf_ref, gb_ref):
        xb = x_ref[...].astype(jnp.bfloat16)
        gf_ref[...] = (jnp.dot(xb, w_ref[0], preferred_element_type=jnp.float32)
                       + b_ref[0:1, :])
        gb_ref[...] = (jnp.dot(xb, w_ref[1], preferred_element_type=jnp.float32)
                       + b_ref[1:2, :])

    return pl.pallas_call(
        body,
        grid=(nblk,),
        in_specs=[
            pl.BlockSpec((blk, k), lambda i: (i, 0)),
            pl.BlockSpec((2, k, _G), lambda i: (0, 0, 0)),
            pl.BlockSpec((2, _G), lambda i: (0, 0)),
        ],
        out_specs=[
            pl.BlockSpec((blk, _G), lambda i: (i, 0)),
            pl.BlockSpec((blk, _G), lambda i: (i, 0)),
        ],
        out_shape=[
            jax.ShapeDtypeStruct((rows, _G), jnp.float32),
            jax.ShapeDtypeStruct((rows, _G), jnp.float32),
        ],
    )(x, wt, bsum)


def _gates2(xa, xb, wta, wtb, bsum):
    rows, k = xa.shape
    blk = 512
    nblk = rows // blk

    def body(xa_ref, xb_ref, wa_ref, wb_ref, b_ref, gf_ref, gb_ref):
        a = xa_ref[...].astype(jnp.bfloat16)
        b = xb_ref[...].astype(jnp.bfloat16)
        gf_ref[...] = (jnp.dot(a, wa_ref[0], preferred_element_type=jnp.float32)
                       + jnp.dot(b, wb_ref[0], preferred_element_type=jnp.float32)
                       + b_ref[0:1, :])
        gb_ref[...] = (jnp.dot(a, wa_ref[1], preferred_element_type=jnp.float32)
                       + jnp.dot(b, wb_ref[1], preferred_element_type=jnp.float32)
                       + b_ref[1:2, :])

    return pl.pallas_call(
        body,
        grid=(nblk,),
        in_specs=[
            pl.BlockSpec((blk, k), lambda i: (i, 0)),
            pl.BlockSpec((blk, k), lambda i: (i, 0)),
            pl.BlockSpec((2, k, _G), lambda i: (0, 0, 0)),
            pl.BlockSpec((2, k, _G), lambda i: (0, 0, 0)),
            pl.BlockSpec((2, _G), lambda i: (0, 0)),
        ],
        out_specs=[
            pl.BlockSpec((blk, _G), lambda i: (i, 0)),
            pl.BlockSpec((blk, _G), lambda i: (i, 0)),
        ],
        out_shape=[
            jax.ShapeDtypeStruct((rows, _G), jnp.float32),
            jax.ShapeDtypeStruct((rows, _G), jnp.float32),
        ],
    )(xa, xb, wta, wtb, bsum)


def _lstm_cell(g, h, c, m):
    i = jax.nn.sigmoid(g[:, 0:_H])
    f = jax.nn.sigmoid(g[:, _H:2 * _H])
    u = jnp.tanh(g[:, 2 * _H:3 * _H])
    o = jax.nn.sigmoid(g[:, 3 * _H:])
    cn = f * c + i * u
    hn = o * jnp.tanh(cn)
    sel = m > 0.5
    return jnp.where(sel, hn, h), jnp.where(sel, cn, c)


def _recur(gf, gb, mask, wf, wb, want_hs):
    rows = _CH * _B

    def body(gf_ref, gb_ref, mf_ref, mb_ref, wf_ref, wb_ref, *rest):
        outs = rest[:-4]
        hf, cf, hb, cb = rest[-4:]

        @pl.when(pl.program_id(0) == 0)
        def _init():
            hf[...] = jnp.zeros_like(hf)
            cf[...] = jnp.zeros_like(cf)
            hb[...] = jnp.zeros_like(hb)
            cb[...] = jnp.zeros_like(cb)

        def step(s, _):
            rf = pl.ds(s * _B, _B)
            g = gf_ref[rf, :] + jnp.dot(hf[...].astype(jnp.bfloat16),
                                        wf_ref[...],
                                        preferred_element_type=jnp.float32)
            hn, cn = _lstm_cell(g, hf[...], cf[...], mf_ref[rf, :])
            hf[...] = hn
            cf[...] = cn
            if want_hs:
                outs[0][rf, :] = hn

            rb = pl.ds(((_CH - 1) - s) * _B, _B)
            g2 = gb_ref[rb, :] + jnp.dot(hb[...].astype(jnp.bfloat16),
                                         wb_ref[...],
                                         preferred_element_type=jnp.float32)
            hn2, cn2 = _lstm_cell(g2, hb[...], cb[...], mb_ref[rb, :])
            hb[...] = hn2
            cb[...] = cn2
            if want_hs:
                outs[1][rb, :] = hn2
            return 0

        lax.fori_loop(0, _CH, step, 0, unroll=8)
        if not want_hs:
            outs[0][:, 0:_H] = hf[...]
            outs[0][:, _H:] = hb[...]

    fwd_map = lambda k: (k, 0)
    bwd_map = lambda k: (_NK - 1 - k, 0)
    in_specs = [
        pl.BlockSpec((rows, _G), fwd_map),
        pl.BlockSpec((rows, _G), bwd_map),
        pl.BlockSpec((rows, 1), fwd_map),
        pl.BlockSpec((rows, 1), bwd_map),
        pl.BlockSpec((_H, _G), lambda k: (0, 0)),
        pl.BlockSpec((_H, _G), lambda k: (0, 0)),
    ]
    wf = wf.astype(jnp.bfloat16)
    wb = wb.astype(jnp.bfloat16)
    if want_hs:
        out_specs = [pl.BlockSpec((rows, _H), fwd_map),
                     pl.BlockSpec((rows, _H), bwd_map)]
        out_shape = [jax.ShapeDtypeStruct((_T * _B, _H), jnp.float32),
                     jax.ShapeDtypeStruct((_T * _B, _H), jnp.float32)]
    else:
        out_specs = [pl.BlockSpec((_B, 2 * _H), lambda k: (0, 0))]
        out_shape = [jax.ShapeDtypeStruct((_B, 2 * _H), jnp.float32)]

    return pl.pallas_call(
        body,
        grid=(_NK,),
        in_specs=in_specs,
        out_specs=out_specs,
        out_shape=out_shape,
        scratch_shapes=[
            pltpu.VMEM((_B, _H), jnp.float32),
            pltpu.VMEM((_B, _H), jnp.float32),
            pltpu.VMEM((_B, _H), jnp.float32),
            pltpu.VMEM((_B, _H), jnp.float32),
        ],
    )(gf, gb, mask, mask, wf, wb)


def kernel(tokens, cu_seqlens, emb, Wih0, Whh0, bih0, bhh0,
           Wih1, Whh1, bih1, bhh1):
    cu = cu_seqlens.astype(jnp.int32)
    lengths = cu[1:] - cu[:-1]
    t = jnp.arange(_T, dtype=jnp.int32)
    mask = (t[:, None] < lengths[None, :]).astype(jnp.float32).reshape(-1, 1)

    p = jnp.arange(tokens.shape[0], dtype=jnp.int32)
    b = jnp.searchsorted(cu, p, side="right").astype(jnp.int32) - 1
    dst = (p - cu[b]) * _B + b

    x = _sc_gather(tokens.astype(jnp.int32), dst, emb)

    w0t = jnp.transpose(Wih0, (0, 2, 1)).astype(jnp.bfloat16)
    g0f, g0b = _gates1(x, w0t, bih0 + bhh0)
    whh0t = jnp.transpose(Whh0, (0, 2, 1))
    hsf, hsb = _recur(g0f, g0b, mask, whh0t[0], whh0t[1], want_hs=True)

    w1t = jnp.transpose(Wih1, (0, 2, 1)).astype(jnp.bfloat16)
    g1f, g1b = _gates2(hsf, hsb, w1t[:, :_H, :], w1t[:, _H:, :], bih1 + bhh1)
    whh1t = jnp.transpose(Whh1, (0, 2, 1))
    (h_final,) = _recur(g1f, g1b, mask, whh1t[0], whh1t[1], want_hs=False)
    return h_final

# --- scband reference (transcript-rebuilt; emitter-appended) ---
"""Pipeline reference for scband-lstmencoder-base-39908836114609 (READ-ONLY COPY).

The authoritative reference and input builder live on the scoring server;
editing this copy changes nothing except your own understanding.
"""

import jax, jax.numpy as jnp
import numpy as np

B = 8
T = 512
EMBED = 512
H = 512
VOCAB = 32000


def setup_inputs(seed: int = 0):
    key = jax.random.key(seed)
    ks = jax.random.split(key, 12)
    lengths = np.array([512, 448, 384, 320, 256, 64, 48, 16], dtype=np.int32)
    cu = np.zeros(B + 1, dtype=np.int32)
    cu[1:] = np.cumsum(lengths)
    total = int(cu[-1])
    tokens = jax.random.randint(ks[0], (total,), 0, VOCAB)
    emb = jax.random.normal(ks[1], (VOCAB, EMBED), dtype=jnp.float32) * 0.02
    kv = 1.0 / np.sqrt(H)
    def u(k, shape):
        return jax.random.uniform(k, shape, jnp.float32, -kv, kv)
    Wih0 = u(ks[2], (2, 4 * H, EMBED))
    Whh0 = u(ks[3], (2, 4 * H, H))
    bih0 = u(ks[4], (2, 4 * H))
    bhh0 = u(ks[5], (2, 4 * H))
    Wih1 = u(ks[6], (2, 4 * H, 2 * H))
    Whh1 = u(ks[7], (2, 4 * H, H))
    bih1 = u(ks[8], (2, 4 * H))
    bhh1 = u(ks[9], (2, 4 * H))
    return {"tokens": tokens, "cu_seqlens": jnp.asarray(cu), "emb": emb,
            "Wih0": Wih0, "Whh0": Whh0, "bih0": bih0, "bhh0": bhh0,
            "Wih1": Wih1, "Whh1": Whh1, "bih1": bih1, "bhh1": bhh1}


def _lstm_dir(x, mask, Wih, Whh, bih, bhh):
    Bx = x.shape[0]
    Hh = Whh.shape[1]
    h0 = jnp.zeros((Bx, Hh), dtype=x.dtype)
    c0 = jnp.zeros((Bx, Hh), dtype=x.dtype)
    def step(carry, inp):
        h, c = carry
        xt, mt = inp
        gates = xt @ Wih.T + h @ Whh.T + bih + bhh
        i, f, g, o = jnp.split(gates, 4, axis=-1)
        i = jax.nn.sigmoid(i)
        f = jax.nn.sigmoid(f)
        g = jnp.tanh(g)
        o = jax.nn.sigmoid(o)
        cn = f * c + i * g
        hn = o * jnp.tanh(cn)
        m = mt[:, None]
        h = jnp.where(m, hn, h)
        c = jnp.where(m, cn, c)
        return (h, c), h
    (hT, cT), hs = jax.lax.scan(step, (h0, c0), (jnp.swapaxes(x, 0, 1), mask.T))
    return hT, jnp.swapaxes(hs, 0, 1)


def _forward(tokens, cu_seqlens, emb, Wih0, Whh0, bih0, bhh0, Wih1, Whh1, bih1, bhh1):
    lengths = cu_seqlens[1:] - cu_seqlens[:-1]
    t_idx = jnp.arange(T)
    mask = t_idx[None, :] < lengths[:, None]
    flat_idx = jnp.clip(cu_seqlens[:-1][:, None] + t_idx[None, :], 0, tokens.shape[0] - 1)
    tok_pad = jnp.where(mask, tokens[flat_idx], 0)
    x = jnp.take(emb, tok_pad, axis=0) * mask[:, :, None]
    rev_idx = jnp.where(mask, lengths[:, None] - 1 - t_idx[None, :], t_idx[None, :])
    def layer(xin, Wih, Whh, bih, bhh):
        h_f, hs_f = _lstm_dir(xin, mask, Wih[0], Whh[0], bih[0], bhh[0])
        x_r = jnp.take_along_axis(xin, rev_idx[:, :, None], axis=1)
        h_b, hs_b_rev = _lstm_dir(x_r, mask, Wih[1], Whh[1], bih[1], bhh[1])
        hs_b = jnp.take_along_axis(hs_b_rev, rev_idx[:, :, None], axis=1)
        out = jnp.concatenate([hs_f, hs_b], axis=-1) * mask[:, :, None]
        return out, jnp.concatenate([h_f, h_b], axis=-1)
    out0, _ = layer(x, Wih0, Whh0, bih0, bhh0)
    out1, h_final = layer(out0, Wih1, Whh1, bih1, bhh1)
    return h_final


def reference(tokens, cu_seqlens, emb, Wih0, Whh0, bih0, bhh0, Wih1, Whh1, bih1, bhh1):
    return _forward(tokens, cu_seqlens, emb, Wih0, Whh0, bih0, bhh0, Wih1, Whh1, bih1, bhh1)

if __name__ == "__main__":
    import jax
    _d = setup_inputs()
    print(jax.jit(kernel)(*tuple(_d.values())))

</pallas_src>

<mosaic_0001>
#map = affine_map<(d0, d1) -> (0)>
#map1 = affine_map<(d0, d1) -> (0, 0)>
module attributes {stable_mosaic.version = 14 : i64} {
  func.func @gather_kernel(%arg0: i32, %arg1: i32, %arg2: memref<2048xi32, #tpu.memory_space<hbm>>, %arg3: memref<2048xi32, #tpu.memory_space<hbm>>, %arg4: memref<32000x512xf32, #tpu.memory_space<hbm>>, %arg5: memref<4096x512xf32, #tpu.memory_space<hbm>>, %arg6: memref<64xi32, #tpu.memory_space<vmem>>, %arg7: memref<64xi32, #tpu.memory_space<vmem>>, %arg8: memref<64x512xf32, #tpu.memory_space<vmem>>, %arg9: memref<!tpu.dma_semaphore, #tpu.memory_space<semaphore_mem>>, %arg10: memref<!tpu.dma_semaphore, #tpu.memory_space<semaphore_mem>>) attributes {dimension_semantics = [#tpu.dimension_semantics<core_parallel>, #tpu.dimension_semantics<subcore_parallel>], iteration_bounds = array<i64: 2, 16>, scalar_prefetch = 0 : i64, scratch_operands = 5 : i64, tpu.core_type = #tpu.core_type<sc_vector_subcore>, window_params = [{transform_indices = #map}, {transform_indices = #map}, {transform_indices = #map1}, {transform_indices = #map1}]} {
    %mul3A = arith.constant 2 : i32
    %mul3A_0 = arith.muli %arg1, %mul3A : i32
    %add3A = arith.addi %mul3A_0, %arg0 : i32
    %mul3A_1 = arith.constant 64 : i32
    %mul3A_2 = arith.muli %add3A, %mul3A_1 : i32
    "tpu.region"() ({
      %run_scoped3A = tpu.sem_alloc : memref<!tpu.dma_semaphore, #tpu.memory_space<semaphore_mem>>
      %dma_start3A_13 = tpu.memref_slice %arg2[%mul3A_2] : memref<2048xi32, #tpu.memory_space<hbm>> -> memref<64xi32, #tpu.memory_space<hbm>>
      %dma_start3A_14 = tpu.memref_slice %arg2[%mul3A_2] : memref<2048xi32, #tpu.memory_space<hbm>> -> memref<64xi32, #tpu.memory_space<hbm>>
      tpu.enqueue_dma source(%dma_start3A_14 : memref<64xi32, #tpu.memory_space<hbm>>) target(%arg6 : memref<64xi32, #tpu.memory_space<vmem>>) target_semaphore(%run_scoped3A : memref<!tpu.dma_semaphore, #tpu.memory_space<semaphore_mem>>)
      %dma_wait3A_15 = tpu.memref_slice %arg2[%mul3A_2] : memref<2048xi32, #tpu.memory_space<hbm>> -> memref<64xi32, #tpu.memory_space<hbm>>
      %dma_wait3A_16 = tpu.memref_slice %arg2[%mul3A_2] : memref<2048xi32, #tpu.memory_space<hbm>> -> memref<64xi32, #tpu.memory_space<hbm>>
      tpu.wait_dma2 semaphore(%run_scoped3A : memref<!tpu.dma_semaphore, #tpu.memory_space<semaphore_mem>>) src(%dma_wait3A_16 : memref<64xi32, #tpu.memory_space<hbm>>) dst(%arg6 : memref<64xi32, #tpu.memory_space<vmem>>)
      tpu.yield
    }) : () -> ()
    "tpu.region"() ({
      %run_scoped3A = tpu.sem_alloc : memref<!tpu.dma_semaphore, #tpu.memory_space<semaphore_mem>>
      %dma_start3A_13 = tpu.memref_slice %arg3[%mul3A_2] : memref<2048xi32, #tpu.memory_space<hbm>> -> memref<64xi32, #tpu.memory_space<hbm>>
      %dma_start3A_14 = tpu.memref_slice %arg3[%mul3A_2] : memref<2048xi32, #tpu.memory_space<hbm>> -> memref<64xi32, #tpu.memory_space<hbm>>
      tpu.enqueue_dma source(%dma_start3A_14 : memref<64xi32, #tpu.memory_space<hbm>>) target(%arg7 : memref<64xi32, #tpu.memory_space<vmem>>) target_semaphore(%run_scoped3A : memref<!tpu.dma_semaphore, #tpu.memory_space<semaphore_mem>>)
      %dma_wait3A_15 = tpu.memref_slice %arg3[%mul3A_2] : memref<2048xi32, #tpu.memory_space<hbm>> -> memref<64xi32, #tpu.memory_space<hbm>>
      %dma_wait3A_16 = tpu.memref_slice %arg3[%mul3A_2] : memref<2048xi32, #tpu.memory_space<hbm>> -> memref<64xi32, #tpu.memory_space<hbm>>
      tpu.wait_dma2 semaphore(%run_scoped3A : memref<!tpu.dma_semaphore, #tpu.memory_space<semaphore_mem>>) src(%dma_wait3A_16 : memref<64xi32, #tpu.memory_space<hbm>>) dst(%arg7 : memref<64xi32, #tpu.memory_space<vmem>>)
      tpu.yield
    }) : () -> ()
    %dma_start3A = arith.constant 0 : i32
    %dma_start3A_3 = arith.constant 0 : i32
    %dma_start3A_4 = tpu.memref_slice %arg4[%dma_start3A, %dma_start3A_3] : memref<32000x512xf32, #tpu.memory_space<hbm>> -> memref<32000x512xf32, #tpu.memory_space<hbm>>
    tpu.enqueue_indirect_dma source(%dma_start3A_4 : memref<32000x512xf32, #tpu.memory_space<hbm>>) target(%arg8 : memref<64x512xf32, #tpu.memory_space<vmem>>) offsets(%arg6 : memref<64xi32, #tpu.memory_space<vmem>>) semaphore(%arg9 : memref<!tpu.dma_semaphore, #tpu.memory_space<semaphore_mem>>)
    %dma_wait3A = arith.constant 0 : i32
    %dma_wait3A_5 = arith.constant 0 : i32
    %dma_wait3A_6 = tpu.memref_slice %arg4[%dma_wait3A, %dma_wait3A_5] : memref<32000x512xf32, #tpu.memory_space<hbm>> -> memref<32000x512xf32, #tpu.memory_space<hbm>>
    tpu.wait_indirect_dma semaphore(%arg9 : memref<!tpu.dma_semaphore, #tpu.memory_space<semaphore_mem>>) src(%dma_wait3A_6 : memref<32000x512xf32, #tpu.memory_space<hbm>>) dst(%arg8 : memref<64x512xf32, #tpu.memory_space<vmem>>)
    %dma_start3A_7 = arith.constant 0 : i32
    %dma_start3A_8 = arith.constant 0 : i32
    %dma_start3A_9 = tpu.memref_slice %arg5[%dma_start3A_7, %dma_start3A_8] : memref<4096x512xf32, #tpu.memory_space<hbm>> -> memref<4096x512xf32, #tpu.memory_space<hbm>>
    tpu.enqueue_indirect_dma source(%arg8 : memref<64x512xf32, #tpu.memory_space<vmem>>) target(%dma_start3A_9 : memref<4096x512xf32, #tpu.memory_space<hbm>>) offsets(%arg7 : memref<64xi32, #tpu.memory_space<vmem>>) semaphore(%arg10 : memref<!tpu.dma_semaphore, #tpu.memory_space<semaphore_mem>>)
    %dma_wait3A_10 = arith.constant 0 : i32
    %dma_wait3A_11 = arith.constant 0 : i32
    %dma_wait3A_12 = tpu.memref_slice %arg5[%dma_wait3A_10, %dma_wait3A_11] : memref<4096x512xf32, #tpu.memory_space<hbm>> -> memref<4096x512xf32, #tpu.memory_space<hbm>>
    tpu.wait_indirect_dma semaphore(%arg10 : memref<!tpu.dma_semaphore, #tpu.memory_space<semaphore_mem>>) src(%arg8 : memref<64x512xf32, #tpu.memory_space<vmem>>) dst(%dma_wait3A_12 : memref<4096x512xf32, #tpu.memory_space<hbm>>)
    return
  }
}

module attributes {stable_mosaic.version = 14 : i64} {
  func.func @body(%arg0: i32, %arg1: memref<512x512xf32, #tpu.memory_space<vmem>>, %arg2: memref<2x512x2048xbf16, #tpu.memory_space<vmem>>, %arg3: memref<2x2048xf32, #tpu.memory_space<vmem>>, %arg4: memref<512x2048xf32, #tpu.memory_space<vmem>>, %arg5: memref<512x2048xf32, #tpu.memory_space<vmem>>) attributes {dimension_semantics = [#tpu.dimension_semantics<arbitrary>], iteration_bounds = array<i64: 8>, scalar_prefetch = 0 : i64, scratch_operands = 0 : i64, tpu.core_type = #tpu.core_type<tc>, window_params = [{transform_indices = @transform_0, window_bounds = array<i64: 512, 512>}, {pipeline_mode = #tpu.pipeline_mode<synchronous>, transform_indices = @transform_1, window_bounds = array<i64: 2, 512, 2048>}, {pipeline_mode = #tpu.pipeline_mode<synchronous>, transform_indices = @transform_2, window_bounds = array<i64: 2, 2048>}, {transform_indices = @transform_3, window_bounds = array<i64: 512, 2048>}, {transform_indices = @transform_4, window_bounds = array<i64: 512, 2048>}]} {
    %get3A = arith.constant 0 : index
    %get3A_0 = arith.constant 0 : index
    %get3A_1 = vector.load %arg1[%get3A, %get3A_0] : memref<512x512xf32, #tpu.memory_space<vmem>>, vector<512x512xf32>
    %convert_element_type3A = arith.truncf %get3A_1 : vector<512x512xf32> to vector<512x512xbf16>
    %get3A_2 = arith.constant 0 : index
    %get3A_3 = arith.constant 0 : index
    %get3A_4 = arith.constant 0 : index
    %get3A_5 = vector.load %arg2[%get3A_2, %get3A_3, %get3A_4] : memref<2x512x2048xbf16, #tpu.memory_space<vmem>>, vector<1x512x2048xbf16>
    %get3A_6 = vector.shape_cast %get3A_5 : vector<1x512x2048xbf16> to vector<512x2048xbf16>
    %dot_general3A = arith.constant dense<0.000000e+00> : vector<512x2048xf32>
    %dot_general3A_7 = tpu.matmul %convert_element_type3A, %get3A_6, %dot_general3A {dimension_numbers = #tpu.dot_dimension_numbers<[1], [0], [0], [1], [0, 0, 1, 1], [], []>, transpose_lhs_hint = false} : vector<512x512xbf16>, vector<512x2048xbf16>, vector<512x2048xf32> -> vector<512x2048xf32>
    %get3A_8 = arith.constant 0 : index
    %get3A_9 = arith.constant 0 : index
    %get3A_10 = vector.load %arg3[%get3A_8, %get3A_9] : memref<2x2048xf32, #tpu.memory_space<vmem>>, vector<1x2048xf32>
    %add3A = vector.broadcast %get3A_10 : vector<1x2048xf32> to vector<512x2048xf32>
    %add3A_11 = arith.addf %dot_general3A_7, %add3A : vector<512x2048xf32>
    %swap3A = arith.constant 0 : index
    %swap3A_12 = arith.constant 0 : index
    %swap3A_13 = vector.load %arg4[%swap3A, %swap3A_12] : memref<512x2048xf32, #tpu.memory_space<vmem>>, vector<512x2048xf32>
    tpu.vector_store %arg4[%swap3A, %swap3A_12], %add3A_11 {strides = array<i32>} : memref<512x2048xf32, #tpu.memory_space<vmem>>, vector<512x2048xf32>,
    %get3A_14 = arith.constant 1 : index
    %get3A_15 = arith.constant 0 : index
    %get3A_16 = arith.constant 0 : index
    %get3A_17 = vector.load %arg2[%get3A_14, %get3A_15, %get3A_16] : memref<2x512x2048xbf16, #tpu.memory_space<vmem>>, vector<1x512x2048xbf16>
    %get3A_18 = vector.shape_cast %get3A_17 : vector<1x512x2048xbf16> to vector<512x2048xbf16>
    %dot_general3A_19 = arith.constant dense<0.000000e+00> : vector<512x2048xf32>
    %dot_general3A_20 = tpu.matmul %convert_element_type3A, %get3A_18, %dot_general3A_19 {dimension_numbers = #tpu.dot_dimension_numbers<[1], [0], [0], [1], [0, 0, 1, 1], [], []>, transpose_lhs_hint = false} : vector<512x512xbf16>, vector<512x2048xbf16>, vector<512x2048xf32> -> vector<512x2048xf32>
    %get3A_21 = arith.constant 1 : index
    %get3A_22 = arith.constant 0 : index
    %get3A_23 = vector.load %arg3[%get3A_21, %get3A_22] : memref<2x2048xf32, #tpu.memory_space<vmem>>, vector<1x2048xf32>
    %add3A_24 = vector.broadcast %get3A_23 : vector<1x2048xf32> to vector<512x2048xf32>
    %add3A_25 = arith.addf %dot_general3A_20, %add3A_24 : vector<512x2048xf32>
    %swap3A_26 = arith.constant 0 : index
    %swap3A_27 = arith.constant 0 : index
    %swap3A_28 = vector.load %arg5[%swap3A_26, %swap3A_27] : memref<512x2048xf32, #tpu.memory_space<vmem>>, vector<512x2048xf32>
    tpu.vector_store %arg5[%swap3A_26, %swap3A_27], %add3A_25 {strides = array<i32>} : memref<512x2048xf32, #tpu.memory_space<vmem>>, vector<512x2048xf32>,
    return
  }
  func.func @transform_0(%arg0: i32) -> (i32, i32) {
    %c0_i32 = arith.constant 0 : i32
    %c0_i32_0 = arith.constant 0 : i32
    return %arg0, %c0_i32 : i32, i32
  }
  func.func @transform_1(%arg0: i32) -> (i32, i32, i32) {
    %c0_i32 = arith.constant 0 : i32
    %c0_i32_0 = arith.constant 0 : i32
    %c0_i32_1 = arith.constant 0 : i32
    %c0_i32_2 = arith.constant 0 : i32
    return %c0_i32, %c0_i32_0, %c0_i32_1 : i32, i32, i32
  }
  func.func @transform_2(%arg0: i32) -> (i32, i32) {
    %c0_i32 = arith.constant 0 : i32
    %c0_i32_0 = arith.constant 0 : i32
    %c0_i32_1 = arith.constant 0 : i32
    return %c0_i32, %c0_i32_0 : i32, i32
  }
  func.func @transform_3(%arg0: i32) -> (i32, i32) {
    %c0_i32 = arith.constant 0 : i32
    %c0_i32_0 = arith.constant 0 : i32
    return %arg0, %c0_i32 : i32, i32
  }
  func.func @transform_4(%arg0: i32) -> (i32, i32) {
    %c0_i32 = arith.constant 0 : i32
    %c0_i32_0 = arith.constant 0 : i32
    return %arg0, %c0_i32 : i32, i32
  }
}

module attributes {stable_mosaic.version = 14 : i64} {
  func.func @body(%arg0: i32, %arg1: memref<512x2048xf32, #tpu.memory_space<vmem>>, %arg2: memref<512x2048xf32, #tpu.memory_space<vmem>>, %arg3: memref<512x1xf32, #tpu.memory_space<vmem>>, %arg4: memref<512x1xf32, #tpu.memory_space<vmem>>, %arg5: memref<512x2048xbf16, #tpu.memory_space<vmem>>, %arg6: memref<512x2048xbf16, #tpu.memory_space<vmem>>, %arg7: memref<512x512xf32, #tpu.memory_space<vmem>>, %arg8: memref<512x512xf32, #tpu.memory_space<vmem>>, %arg9: memref<8x512xf32, #tpu.memory_space<vmem>>, %arg10: memref<8x512xf32, #tpu.memory_space<vmem>>, %arg11: memref<8x512xf32, #tpu.memory_space<vmem>>, %arg12: memref<8x512xf32, #tpu.memory_space<vmem>>) attributes {dimension_semantics = [#tpu.dimension_semantics<arbitrary>], iteration_bounds = array<i64: 8>, scalar_prefetch = 0 : i64, scratch_operands = 4 : i64, tpu.core_type = #tpu.core_type<tc>, window_params = [{transform_indices = @transform_0, window_bounds = array<i64: 512, 2048>}, {transform_indices = @transform_1, window_bounds = array<i64: 512, 2048>}, {transform_indices = @transform_2, window_bounds = array<i64: 512, 1>}, {transform_indices = @transform_3, window_bounds = array<i64: 512, 1>}, {pipeline_mode = #tpu.pipeline_mode<synchronous>, transform_indices = @transform_4, window_bounds = array<i64: 512, 2048>}, {pipeline_mode = #tpu.pipeline_mode<synchronous>, transform_indices = @transform_5, window_bounds = array<i64: 512, 2048>}, {transform_indices = @transform_6, window_bounds = array<i64: 512, 512>}, {transform_indices = @transform_7, window_bounds = array<i64: 512, 512>}]} {
    %eq3A = arith.constant 0 : i32
    %eq3A_0 = arith.cmpi eq, %arg0, %eq3A : i32
    %convert_element_type3A = arith.extui %eq3A_0 : i1 to i32
    %cond3A = arith.constant 0 : i32
    %cond3A_1 = arith.cmpi ne, %convert_element_type3A, %cond3A : i32
    scf.if %cond3A_1 {
      %broadcast_in_dim3A = arith.constant 0.000000e+00 : f32
      %broadcast_in_dim3A_6 = vector.broadcast %broadcast_in_dim3A : f32 to vector<8x512xf32>
      %swap3A = arith.constant 0 : index
      %swap3A_7 = arith.constant 0 : index
      %swap3A_8 = vector.load %arg9[%swap3A, %swap3A_7] : memref<8x512xf32, #tpu.memory_space<vmem>>, vector<8x512xf32>
      tpu.vector_store %arg9[%swap3A, %swap3A_7], %broadcast_in_dim3A_6 {strides = array<i32>} : memref<8x512xf32, #tpu.memory_space<vmem>>, vector<8x512xf32>,
      %broadcast_in_dim3A_9 = arith.constant 0.000000e+00 : f32
      %broadcast_in_dim3A_10 = vector.broadcast %broadcast_in_dim3A_9 : f32 to vector<8x512xf32>
      %swap3A_11 = arith.constant 0 : index
      %swap3A_12 = arith.constant 0 : index
      %swap3A_13 = vector.load %arg10[%swap3A_11, %swap3A_12] : memref<8x512xf32, #tpu.memory_space<vmem>>, vector<8x512xf32>
      tpu.vector_store %arg10[%swap3A_11, %swap3A_12], %broadcast_in_dim3A_10 {strides = array<i32>} : memref<8x512xf32, #tpu.memory_space<vmem>>, vector<8x512xf32>,
      %broadcast_in_dim3A_14 = arith.constant 0.000000e+00 : f32
      %broadcast_in_dim3A_15 = vector.broadcast %broadcast_in_dim3A_14 : f32 to vector<8x512xf32>
      %swap3A_16 = arith.constant 0 : index
      %swap3A_17 = arith.constant 0 : index
      %swap3A_18 = vector.load %arg11[%swap3A_16, %swap3A_17] : memref<8x512xf32, #tpu.memory_space<vmem>>, vector<8x512xf32>
      tpu.vector_store %arg11[%swap3A_16, %swap3A_17], %broadcast_in_dim3A_15 {strides = array<i32>} : memref<8x512xf32, #tpu.memory_space<vmem>>, vector<8x512xf32>,
      %broadcast_in_dim3A_19 = arith.constant 0.000000e+00 : f32
      %broadcast_in_dim3A_20 = vector.broadcast %broadcast_in_dim3A_19 : f32 to vector<8x512xf32>
      %swap3A_21 = arith.constant 0 : index
      %swap3A_22 = arith.constant 0 : index
      %swap3A_23 = vector.load %arg12[%swap3A_21, %swap3A_22] : memref<8x512xf32, #tpu.memory_space<vmem>>, vector<8x512xf32>
      tpu.vector_store %arg12[%swap3A_21, %swap3A_22], %broadcast_in_dim3A_20 {strides = array<i32>} : memref<8x512xf32, #tpu.memory_space<vmem>>, vector<8x512xf32>,
    } else {
    }
    %scan3A = arith.constant 0 : i32
    %scan3A_2 = arith.constant 64 : i32
    %scan3A_3 = arith.addi %scan3A, %scan3A_2 : i32
    %scan3A_4 = arith.constant 8 : i32
    scf.for %scan3A_6 = %scan3A to %scan3A_3 step %scan3A_4  : i32 {
      %mul3A = arith.constant 8 : i32
      %mul3A_7 = arith.muli %scan3A_6, %mul3A : i32
      %get3A = arith.index_cast %mul3A_7 : i32 to index
      %get3A_8 = arith.constant 0 : index
      %get3A_9 = vector.load %arg1[%get3A, %get3A_8] : memref<512x2048xf32, #tpu.memory_space<vmem>>, vector<8x2048xf32>
      %get3A_10 = arith.constant 0 : index
      %get3A_11 = arith.constant 0 : index
      %get3A_12 = vector.load %arg9[%get3A_10, %get3A_11] : memref<8x512xf32, #tpu.memory_space<vmem>>, vector<8x512xf32>
      %convert_element_type3A_13 = arith.truncf %get3A_12 : vector<8x512xf32> to vector<8x512xbf16>
      %get3A_14 = arith.constant 0 : index
      %get3A_15 = arith.constant 0 : index
      %get3A_16 = vector.load %arg5[%get3A_14, %get3A_15] : memref<512x2048xbf16, #tpu.memory_space<vmem>>, vector<512x2048xbf16>
      %dot_general3A = arith.constant dense<0.000000e+00> : vector<8x2048xf32>
      %dot_general3A_17 = tpu.matmul %convert_element_type3A_13, %get3A_16, %dot_general3A {dimension_numbers = #tpu.dot_dimension_numbers<[1], [0], [0], [1], [0, 0, 1, 1], [], []>, transpose_lhs_hint = false} : vector<8x512xbf16>, vector<512x2048xbf16>, vector<8x2048xf32> -> vector<8x2048xf32>
      %add3A = arith.addf %get3A_9, %dot_general3A_17 : vector<8x2048xf32>
      %get3A_18 = arith.constant 0 : index
      %get3A_19 = arith.constant 0 : index
      %get3A_20 = vector.load %arg9[%get3A_18, %get3A_19] : memref<8x512xf32, #tpu.memory_space<vmem>>, vector<8x512xf32>
      %get3A_21 = arith.constant 0 : index
      %get3A_22 = arith.constant 0 : index
      %get3A_23 = vector.load %arg10[%get3A_21, %get3A_22] : memref<8x512xf32, #tpu.memory_space<vmem>>, vector<8x512xf32>
      %get3A_24 = arith.index_cast %mul3A_7 : i32 to index
      %get3A_25 = arith.constant 0 : index
      %get3A_26 = vector.load %arg3[%get3A_24, %get3A_25] : memref<512x1xf32, #tpu.memory_space<vmem>>, vector<8x1xf32>
      %slice3A = vector.extract_strided_slice %add3A {offsets = [0, 0], sizes = [8, 512], strides = [1, 1]} : vector<8x2048xf32> to vector<8x512xf32>
      %logistic3A = arith.negf %slice3A : vector<8x512xf32>
      %logistic3A_27 = math.exp %logistic3A : vector<8x512xf32>
      %logistic3A_28 = arith.constant 1.000000e+00 : f32
      %logistic3A_29 = vector.broadcast %logistic3A_28 : f32 to vector<8x512xf32>
      %logistic3A_30 = arith.addf %logistic3A_29, %logistic3A_27 : vector<8x512xf32>
      %logistic3A_31 = arith.divf %logistic3A_29, %logistic3A_30 : vector<8x512xf32>
      %slice3A_32 = vector.extract_strided_slice %add3A {offsets = [0, 512], sizes = [8, 512], strides = [1, 1]} : vector<8x2048xf32> to vector<8x512xf32>
      %logistic3A_33 = arith.negf %slice3A_32 : vector<8x512xf32>
      %logistic3A_34 = math.exp %logistic3A_33 : vector<8x512xf32>
      %logistic3A_35 = arith.constant 1.000000e+00 : f32
      %logistic3A_36 = vector.broadcast %logistic3A_35 : f32 to vector<8x512xf32>
      %logistic3A_37 = arith.addf %logistic3A_36, %logistic3A_34 : vector<8x512xf32>
      %logistic3A_38 = arith.divf %logistic3A_36, %logistic3A_37 : vector<8x512xf32>
      %slice3A_39 = vector.extract_strided_slice %add3A {offsets = [0, 1024], sizes = [8, 512], strides = [1, 1]} : vector<8x2048xf32> to vector<8x512xf32>
      %tanh3A = math.tanh %slice3A_39 : vector<8x512xf32>
      %slice3A_40 = vector.extract_strided_slice %add3A {offsets = [0, 1536], sizes = [8, 512], strides = [1, 1]} : vector<8x2048xf32> to vector<8x512xf32>
      %logistic3A_41 = arith.negf %slice3A_40 : vector<8x512xf32>
      %logistic3A_42 = math.exp %logistic3A_41 : vector<8x512xf32>
      %logistic3A_43 = arith.constant 1.000000e+00 : f32
      %logistic3A_44 = vector.broadcast %logistic3A_43 : f32 to vector<8x512xf32>
      %logistic3A_45 = arith.addf %logistic3A_44, %logistic3A_42 : vector<8x512xf32>
      %logistic3A_46 = arith.divf %logistic3A_44, %logistic3A_45 : vector<8x512xf32>
      %mul3A_47 = arith.mulf %logistic3A_38, %get3A_23 : vector<8x512xf32>
      %mul3A_48 = arith.mulf %logistic3A_31, %tanh3A : vector<8x512xf32>
      %add3A_49 = arith.addf %mul3A_47, %mul3A_48 : vector<8x512xf32>
      %tanh3A_50 = math.tanh %add3A_49 : vector<8x512xf32>
      %mul3A_51 = arith.mulf %logistic3A_46, %tanh3A_50 : vector<8x512xf32>
      %gt3A = arith.constant 5.000000e-01 : f32
      %gt3A_52 = vector.broadcast %gt3A : f32 to vector<8x1xf32>
      %gt3A_53 = arith.cmpf ogt, %get3A_26, %gt3A_52 : vector<8x1xf32>
      %broadcast_in_dim3A = vector.shape_cast %gt3A_53 : vector<8x1xi1> to vector<8x1xi1>
      %broadcast_in_dim3A_54 = vector.broadcast %broadcast_in_dim3A : vector<8x1xi1> to vector<8x512xi1>
      %select_n3A = arith.select %broadcast_in_dim3A_54, %mul3A_51, %get3A_20 : vector<8x512xi1>, vector<8x512xf32>
      %broadcast_in_dim3A_55 = vector.shape_cast %gt3A_53 : vector<8x1xi1> to vector<8x1xi1>
      %broadcast_in_dim3A_56 = vector.broadcast %broadcast_in_dim3A_55 : vector<8x1xi1> to vector<8x512xi1>
      %select_n3A_57 = arith.select %broadcast_in_dim3A_56, %add3A_49, %get3A_23 : vector<8x512xi1>, vector<8x512xf32>
      %swap3A = arith.constant 0 : index
      %swap3A_58 = arith.constant 0 : index
      %swap3A_59 = vector.load %arg9[%swap3A, %swap3A_58] : memref<8x512xf32, #tpu.memory_space<vmem>>, vector<8x512xf32>
      tpu.vector_store %arg9[%swap3A, %swap3A_58], %select_n3A {strides = array<i32>} : memref<8x512xf32, #tpu.memory_space<vmem>>, vector<8x512xf32>,
      %swap3A_60 = arith.constant 0 : index
      %swap3A_61 = arith.constant 0 : index
      %swap3A_62 = vector.load %arg10[%swap3A_60, %swap3A_61] : memref<8x512xf32, #tpu.memory_space<vmem>>, vector<8x512xf32>
      tpu.vector_store %arg10[%swap3A_60, %swap3A_61], %select_n3A_57 {strides = array<i32>} : memref<8x512xf32, #tpu.memory_space<vmem>>, vector<8x512xf32>,
      %swap3A_63 = arith.index_cast %mul3A_7 : i32 to index
      %swap3A_64 = arith.constant 0 : index
      %swap3A_65 = vector.load %arg7[%swap3A_63, %swap3A_64] : memref<512x512xf32, #tpu.memory_space<vmem>>, vector<8x512xf32>
      tpu.vector_store %arg7[%swap3A_63, %swap3A_64], %select_n3A {strides = array<i32>} : memref<512x512xf32, #tpu.memory_space<vmem>>, vector<8x512xf32>,
      %sub3A = arith.constant 63 : i32
      %sub3A_66 = arith.subi %sub3A, %scan3A_6 : i32
      %mul3A_67 = arith.constant 8 : i32
      %mul3A_68 = arith.muli %sub3A_66, %mul3A_67 : i32
      %get3A_69 = arith.index_cast %mul3A_68 : i32 to index
      %get3A_70 = arith.constant 0 : index
      %get3A_71 = vector.load %arg2[%get3A_69, %get3A_70] : memref<512x2048xf32, #tpu.memory_space<vmem>>, vector<8x2048xf32>
      %get3A_72 = arith.constant 0 : index
      %get3A_73 = arith.constant 0 : index
      %get3A_74 = vector.load %arg11[%get3A_72, %get3A_73] : memref<8x512xf32, #tpu.memory_space<vmem>>, vector<8x512xf32>
      %convert_element_type3A_75 = arith.truncf %get3A_74 : vector<8x512xf32> to vector<8x512xbf16>
      %get3A_76 = arith.constant 0 : index
      %get3A_77 = arith.constant 0 : index
      %get3A_78 = vector.load %arg6[%get3A_76, %get3A_77] : memref<512x2048xbf16, #tpu.memory_space<vmem>>, vector<512x2048xbf16>
      %dot_general3A_79 = arith.constant dense<0.000000e+00> : vector<8x2048xf32>
      %dot_general3A_80 = tpu.matmul %convert_element_type3A_75, %get3A_78, %dot_general3A_79 {dimension_numbers = #tpu.dot_dimension_numbers<[1], [0], [0], [1], [0, 0, 1, 1], [], []>, transpose_lhs_hint = false} : vector<8x512xbf16>, vector<512x2048xbf16>, vector<8x2048xf32> -> vector<8x2048xf32>
      %add3A_81 = arith.addf %get3A_71, %dot_general3A_80 : vector<8x2048xf32>
      %get3A_82 = arith.constant 0 : index
      %get3A_83 = arith.constant 0 : index
      %get3A_84 = vector.load %arg11[%get3A_82, %get3A_83] : memref<8x512xf32, #tpu.memory_space<vmem>>, vector<8x512xf32>
      %get3A_85 = arith.constant 0 : index
      %get3A_86 = arith.constant 0 : index
      %get3A_87 = vector.load %arg12[%get3A_85, %get3A_86] : memref<8x512xf32, #tpu.memory_space<vmem>>, vector<8x512xf32>
      %get3A_88 = arith.index_cast %mul3A_68 : i32 to index
      %get3A_89 = arith.constant 0 : index
      %get3A_90 = vector.load %arg4[%get3A_88, %get3A_89] : memref<512x1xf32, #tpu.memory_space<vmem>>, vector<8x1xf32>
      %slice3A_91 = vector.extract_strided_slice %add3A_81 {offsets = [0, 0], sizes = [8, 512], strides = [1, 1]} : vector<8x2048xf32> to vector<8x512xf32>
      %logistic3A_92 = arith.negf %slice3A_91 : vector<8x512xf32>
      %logistic3A_93 = math.exp %logistic3A_92 : vector<8x512xf32>
      %logistic3A_94 = arith.constant 1.000000e+00 : f32
      %logistic3A_95 = vector.broadcast %logistic3A_94 : f32 to vector<8x512xf32>
      %logistic3A_96 = arith.addf %logistic3A_95, %logistic3A_93 : vector<8x512xf32>
      %logistic3A_97 = arith.divf %logistic3A_95, %logistic3A_96 : vector<8x512xf32>
      %slice3A_98 = vector.extract_strided_slice %add3A_81 {offsets = [0, 512], sizes = [8, 512], strides = [1, 1]} : vector<8x2048xf32> to vector<8x512xf32>
      %logistic3A_99 = arith.negf %slice3A_98 : vector<8x512xf32>
      %logistic3A_100 = math.exp %logistic3A_99 : vector<8x512xf32>
      %logistic3A_101 = arith.constant 1.000000e+00 : f32
      %logistic3A_102 = vector.broadcast %logistic3A_101 : f32 to vector<8x512xf32>
      %logistic3A_103 = arith.addf %logistic3A_102, %logistic3A_100 : vector<8x512xf32>
      %logistic3A_104 = arith.divf %logistic3A_102, %logistic3A_103 : vector<8x512xf32>
      %slice3A_105 = vector.extract_strided_slice %add3A_81 {offsets = [0, 1024], sizes = [8, 512], strides = [1, 1]} : vector<8x2048xf32> to vector<8x512xf32>
      %tanh3A_106 = math.tanh %slice3A_105 : vector<8x512xf32>
      %slice3A_107 = vector.extract_strided_slice %add3A_81 {offsets = [0, 1536], sizes = [8, 512], strides = [1, 1]} : vector<8x2048xf32> to vector<8x512xf32>
      %logistic3A_108 = arith.negf %slice3A_107 : vector<8x512xf32>
      %logistic3A_109 = math.exp %logistic3A_108 : vector<8x512xf32>
      %logistic3A_110 = arith.constant 1.000000e+00 : f32
      %logistic3A_111 = vector.broadcast %logistic3A_110 : f32 to vector<8x512xf32>
      %logistic3A_112 = arith.addf %logistic3A_111, %logistic3A_109 : vector<8x512xf32>
      %logistic3A_113 = arith.divf %logistic3A_111, %logistic3A_112 : vector<8x512xf32>
      %mul3A_114 = arith.mulf %logistic3A_104, %get3A_87 : vector<8x512xf32>
      %mul3A_115 = arith.mulf %logistic3A_97, %tanh3A_106 : vector<8x512xf32>
      %add3A_116 = arith.addf %mul3A_114, %mul3A_115 : vector<8x512xf32>
      %tanh3A_117 = math.tanh %add3A_116 : vector<8x512xf32>
      %mul3A_118 = arith.mulf %logistic3A_113, %tanh3A_117 : vector<8x512xf32>
      %gt3A_119 = arith.constant 5.000000e-01 : f32
      %gt3A_120 = vector.broadcast %gt3A_119 : f32 to vector<8x1xf32>
      %gt3A_121 = arith.cmpf ogt, %get3A_90, %gt3A_120 : vector<8x1xf32>
      %broadcast_in_dim3A_122 = vector.shape_cast %gt3A_121 : vector<8x1xi1> to vector<8x1xi1>
      %broadcast_in_dim3A_123 = vector.broadcast %broadcast_in_dim3A_122 : vector<8x1xi1> to vector<8x512xi1>
      %select_n3A_124 = arith.select %broadcast_in_dim3A_123, %mul3A_118, %get3A_84 : vector<8x512xi1>, vector<8x512xf32>
      %broadcast_in_dim3A_125 = vector.shape_cast %gt3A_121 : vector<8x1xi1> to vector<8x1xi1>
      %broadcast_in_dim3A_126 = vector.broadcast %broadcast_in_dim3A_125 : vector<8x1xi1> to vector<8x512xi1>
      %select_n3A_127 = arith.select %broadcast_in_dim3A_126, %add3A_116, %get3A_87 : vector<8x512xi1>, vector<8x512xf32>
      %swap3A_128 = arith.constant 0 : index
      %swap3A_129 = arith.constant 0 : index
      %swap3A_130 = vector.load %arg11[%swap3A_128, %swap3A_129] : memref<8x512xf32, #tpu.memory_space<vmem>>, vector<8x512xf32>
      tpu.vector_store %arg11[%swap3A_128, %swap3A_129], %select_n3A_124 {strides = array<i32>} : memref<8x512xf32, #tpu.memory_space<vmem>>, vector<8x512xf32>,
      %swap3A_131 = arith.constant 0 : index
      %swap3A_132 = arith.constant 0 : index
      %swap3A_133 = vector.load %arg12[%swap3A_131, %swap3A_132] : memref<8x512xf32, #tpu.memory_space<vmem>>, vector<8x512xf32>
      tpu.vector_store %arg12[%swap3A_131, %swap3A_132], %select_n3A_127 {strides = array<i32>} : memref<8x512xf32, #tpu.memory_space<vmem>>, vector<8x512xf32>,
      %swap3A_134 = arith.index_cast %mul3A_68 : i32 to index
      %swap3A_135 = arith.constant 0 : index
      %swap3A_136 = vector.load %arg8[%swap3A_134, %swap3A_135] : memref<512x512xf32, #tpu.memory_space<vmem>>, vector<8x512xf32>
      tpu.vector_store %arg8[%swap3A_134, %swap3A_135], %select_n3A_124 {strides = array<i32>} : memref<512x512xf32, #tpu.memory_space<vmem>>, vector<8x512xf32>,
      %scan3A_137 = arith.constant 1 : i32
      %scan3A_138 = arith.addi %scan3A_6, %scan3A_137 : i32
      %mul3A_139 = arith.constant 8 : i32
      %mul3A_140 = arith.muli %scan3A_138, %mul3A_139 : i32
      %get3A_141 = arith.index_cast %mul3A_140 : i32 to index
      %get3A_142 = arith.constant 0 : index
      %get3A_143 = vector.load %arg1[%get3A_141, %get3A_142] : memref<512x2048xf32, #tpu.memory_space<vmem>>, vector<8x2048xf32>
      %get3A_144 = arith.constant 0 : index
      %get3A_145 = arith.constant 0 : index
      %get3A_146 = vector.load %arg9[%get3A_144, %get3A_145] : memref<8x512xf32, #tpu.memory_space<vmem>>, vector<8x512xf32>
      %convert_element_type3A_147 = arith.truncf %get3A_146 : vector<8x512xf32> to vector<8x512xbf16>
      %get3A_148 = arith.constant 0 : index
      %get3A_149 = arith.constant 0 : index
      %get3A_150 = vector.load %arg5[%get3A_148, %get3A_149] : memref<512x2048xbf16, #tpu.memory_space<vmem>>, vector<512x2048xbf16>
      %dot_general3A_151 = arith.constant dense<0.000000e+00> : vector<8x2048xf32>
      %dot_general3A_152 = tpu.matmul %convert_element_type3A_147, %get3A_150, %dot_general3A_151 {dimension_numbers = #tpu.dot_dimension_numbers<[1], [0], [0], [1], [0, 0, 1, 1], [], []>, transpose_lhs_hint = false} : vector<8x512xbf16>, vector<512x2048xbf16>, vector<8x2048xf32> -> vector<8x2048xf32>
      %add3A_153 = arith.addf %get3A_143, %dot_general3A_152 : vector<8x2048xf32>
      %get3A_154 = arith.constant 0 : index
      %get3A_155 = arith.constant 0 : index
      %get3A_156 = vector.load %arg9[%get3A_154, %get3A_155] : memref<8x512xf32, #tpu.memory_space<vmem>>, vector<8x512xf32>
      %get3A_157 = arith.constant 0 : index
      %get3A_158 = arith.constant 0 : index
      %get3A_159 = vector.load %arg10[%get3A_157, %get3A_158] : memref<8x512xf32, #tpu.memory_space<vmem>>, vector<8x512xf32>
      %get3A_160 = arith.index_cast %mul3A_140 : i32 to index
      %get3A_161 = arith.constant 0 : index
      %get3A_162 = vector.load %arg3[%get3A_160, %get3A_161] : memref<512x1xf32, #tpu.memory_space<vmem>>, vector<8x1xf32>
      %slice3A_163 = vector.extract_strided_slice %add3A_153 {offsets = [0, 0], sizes = [8, 512], strides = [1, 1]} : vector<8x2048xf32> to vector<8x512xf32>
      %logistic3A_164 = arith.negf %slice3A_163 : vector<8x512xf32>
      %logistic3A_165 = math.exp %logistic3A_164 : vector<8x512xf32>
      %logistic3A_166 = arith.constant 1.000000e+00 : f32
      %logistic3A_167 = vector.broadcast %logistic3A_166 : f32 to vector<8x512xf32>
      %logistic3A_168 = arith.addf %logistic3A_167, %logistic3A_165 : vector<8x512xf32>
      %logistic3A_169 = arith.divf %logistic3A_167, %logistic3A_168 : vector<8x512xf32>
      %slice3A_170 = vector.extract_strided_slice %add3A_153 {offsets = [0, 512], sizes = [8, 512], strides = [1, 1]} : vector<8x2048xf32> to vector<8x512xf32>
      %logistic3A_171 = arith.negf %slice3A_170 : vector<8x512xf32>
      %logistic3A_172 = math.exp %logistic3A_171 : vector<8x512xf32>
      %logistic3A_173 = arith.constant 1.000000e+00 : f32
      %logistic3A_174 = vector.broadcast %logistic3A_173 : f32 to vector<8x512xf32>
      %logistic3A_175 = arith.addf %logistic3A_174, %logistic3A_172 : vector<8x512xf32>
      %logistic3A_176 = arith.divf %logistic3A_174, %logistic3A_175 : vector<8x512xf32>
      %slice3A_177 = vector.extract_strided_slice %add3A_153 {offsets = [0, 1024], sizes = [8, 512], strides = [1, 1]} : vector<8x2048xf32> to vector<8x512xf32>
      %tanh3A_178 = math.tanh %slice3A_177 : vector<8x512xf32>
      %slice3A_179 = vector.extract_strided_slice %add3A_153 {offsets = [0, 1536], sizes = [8, 512], strides = [1, 1]} : vector<8x2048xf32> to vector<8x512xf32>
      %logistic3A_180 = arith.negf %slice3A_179 : vector<8x512xf32>
      %logistic3A_181 = math.exp %logistic3A_180 : vector<8x512xf32>
      %logistic3A_182 = arith.constant 1.000000e+00 : f32
      %logistic3A_183 = vector.broadcast %logistic3A_182 : f32 to vector<8x512xf32>
      %logistic3A_184 = arith.addf %logistic3A_183, %logistic3A_181 : vector<8x512xf32>
      %logistic3A_185 = arith.divf %logistic3A_183, %logistic3A_184 : vector<8x512xf32>
      %mul3A_186 = arith.mulf %logistic3A_176, %get3A_159 : vector<8x512xf32>
      %mul3A_187 = arith.mulf %logistic3A_169, %tanh3A_178 : vector<8x512xf32>
      %add3A_188 = arith.addf %mul3A_186, %mul3A_187 : vector<8x512xf32>
      %tanh3A_189 = math.tanh %add3A_188 : vector<8x512xf32>
      %mul3A_190 = arith.mulf %logistic3A_185, %tanh3A_189 : vector<8x512xf32>
      %gt3A_191 = arith.constant 5.000000e-01 : f32
      %gt3A_192 = vector.broadcast %gt3A_191 : f32 to vector<8x1xf32>
      %gt3A_193 = arith.cmpf ogt, %get3A_162, %gt3A_192 : vector<8x1xf32>
      %broadcast_in_dim3A_194 = vector.shape_cast %gt3A_193 : vector<8x1xi1> to vector<8x1xi1>
      %broadcast_in_dim3A_195 = vector.broadcast %broadcast_in_dim3A_194 : vector<8x1xi1> to vector<8x512xi1>
      %select_n3A_196 = arith.select %broadcast_in_dim3A_195, %mul3A_190, %get3A_156 : vector<8x512xi1>, vector<8x512xf32>
      %broadcast_in_dim3A_197 = vector.shape_cast %gt3A_193 : vector<8x1xi1> to vector<8x1xi1>
      %broadcast_in_dim3A_198 = vector.broadcast %broadcast_in_dim3A_197 : vector<8x1xi1> to vector<8x512xi1>
      %select_n3A_199 = arith.select %broadcast_in_dim3A_198, %add3A_188, %get3A_159 : vector<8x512xi1>, vector<8x512xf32>
      %swap3A_200 = arith.constant 0 : index
      %swap3A_201 = arith.constant 0 : index
      %swap3A_202 = vector.load %arg9[%swap3A_200, %swap3A_201] : memref<8x512xf32, #tpu.memory_space<vmem>>, vector<8x512xf32>
      tpu.vector_store %arg9[%swap3A_200, %swap3A_201], %select_n3A_196 {strides = array<i32>} : memref<8x512xf32, #tpu.memory_space<vmem>>, vector<8x512xf32>,
      %swap3A_203 = arith.constant 0 : index
      %swap3A_204 = arith.constant 0 : index
      %swap3A_205 = vector.load %arg10[%swap3A_203, %swap3A_204] : memref<8x512xf32, #tpu.memory_space<vmem>>, vector<8x512xf32>
      tpu.vector_store %arg10[%swap3A_203, %swap3A_204], %select_n3A_199 {strides = array<i32>} : memref<8x512xf32, #tpu.memory_space<vmem>>, vector<8x512xf32>,
      %swap3A_206 = arith.index_cast %mul3A_140 : i32 to index
      %swap3A_207 = arith.constant 0 : index
      %swap3A_208 = vector.load %arg7[%swap3A_206, %swap3A_207] : memref<512x512xf32, #tpu.memory_space<vmem>>, vector<8x512xf32>
      tpu.vector_store %arg7[%swap3A_206, %swap3A_207], %select_n3A_196 {strides = array<i32>} : memref<512x512xf32, #tpu.memory_space<vmem>>, vector<8x512xf32>,
      %sub3A_209 = arith.constant 63 : i32
      %sub3A_210 = arith.subi %sub3A_209, %scan3A_138 : i32
      %mul3A_211 = arith.constant 8 : i32
      %mul3A_212 = arith.muli %sub3A_210, %mul3A_211 : i32
      %get3A_213 = arith.index_cast %mul3A_212 : i32 to index
      %get3A_214 = arith.constant 0 : index
      %get3A_215 = vector.load %arg2[%get3A_213, %get3A_214] : memref<512x2048xf32, #tpu.memory_space<vmem>>, vector<8x2048xf32>
      %get3A_216 = arith.constant 0 : index
      %get3A_217 = arith.constant 0 : index
      %get3A_218 = vector.load %arg11[%get3A_216, %get3A_217] : memref<8x512xf32, #tpu.memory_space<vmem>>, vector<8x512xf32>
      %convert_element_type3A_219 = arith.truncf %get3A_218 : vector<8x512xf32> to vector<8x512xbf16>
      %get3A_220 = arith.constant 0 : index
      %get3A_221 = arith.constant 0 : index
      %get3A_222 = vector.load %arg6[%get3A_220, %get3A_221] : memref<512x2048xbf16, #tpu.memory_space<vmem>>, vector<512x2048xbf16>
      %dot_general3A_223 = arith.constant dense<0.000000e+00> : vector<8x2048xf32>
      %dot_general3A_224 = tpu.matmul %convert_element_type3A_219, %get3A_222, %dot_general3A_223 {dimension_numbers = #tpu.dot_dimension_numbers<[1], [0], [0], [1], [0, 0, 1, 1], [], []>, transpose_lhs_hint = false} : vector<8x512xbf16>, vector<512x2048xbf16>, vector<8x2048xf32> -> vector<8x2048xf32>
      %add3A_225 = arith.addf %get3A_215, %dot_general3A_224 : vector<8x2048xf32>
      %get3A_226 = arith.constant 0 : index
      %get3A_227 = arith.constant 0 : index
      %get3A_228 = vector.load %arg11[%get3A_226, %get3A_227] : memref<8x512xf32, #tpu.memory_space<vmem>>, vector<8x512xf32>
      %get3A_229 = arith.constant 0 : index
      %get3A_230 = arith.constant 0 : index
      %get3A_231 = vector.load %arg12[%get3A_229, %get3A_230] : memref<8x512xf32, #tpu.memory_space<vmem>>, vector<8x512xf32>
      %get3A_232 = arith.index_cast %mul3A_212 : i32 to index
      %get3A_233 = arith.constant 0 : index
      %get3A_234 = vector.load %arg4[%get3A_232, %get3A_233] : memref<512x1xf32, #tpu.memory_space<vmem>>, vector<8x1xf32>
      %slice3A_235 = vector.extract_strided_slice %add3A_225 {offsets = [0, 0], sizes = [8, 512], strides = [1, 1]} : vector<8x2048xf32> to vector<8x512xf32>
      %logistic3A_236 = arith.negf %slice3A_235 : vector<8x512xf32>
      %logistic3A_237 = math.exp %logistic3A_236 : vector<8x512xf32>
      %logistic3A_238 = arith.constant 1.000000e+00 : f32
      %logistic3A_239 = vector.broadcast %logistic3A_238 : f32 to vector<8x512xf32>
      %logistic3A_240 = arith.addf %logistic3A_239, %logistic3A_237 : vector<8x512xf32>
      %logistic3A_241 = arith.divf %logistic3A_239, %logistic3A_240 : vector<8x512xf32>
      %slice3A_242 = vector.extract_strided_slice %add3A_225 {offsets = [0, 512], sizes = [8, 512], strides = [1, 1]} : vector<8x2048xf32> to vector<8x512xf32>
      %logistic3A_243 = arith.negf %slice3A_242 : vector<8x512xf32>
      %logistic3A_244 = math.exp %logistic3A_243 : vector<8x512xf32>
      %logistic3A_245 = arith.constant 1.000000e+00 : f32
      %logistic3A_246 = vector.broadcast %logistic3A_245 : f32 to vector<8x512xf32>
      %logistic3A_247 = arith.addf %logistic3A_246, %logistic3A_244 : vector<8x512xf32>
      %logistic3A_248 = arith.divf %logistic3A_246, %logistic3A_247 : vector<8x512xf32>
      %slice3A_249 = vector.extract_strided_slice %add3A_225 {offsets = [0, 1024], sizes = [8, 512], strides = [1, 1]} : vector<8x2048xf32> to vector<8x512xf32>
      %tanh3A_250 = math.tanh %slice3A_249 : vector<8x512xf32>
      %slice3A_251 = vector.extract_strided_slice %add3A_225 {offsets = [0, 1536], sizes = [8, 512], strides = [1, 1]} : vector<8x2048xf32> to vector<8x512xf32>
      %logistic3A_252 = arith.negf %slice3A_251 : vector<8x512xf32>
      %logistic3A_253 = math.exp %logistic3A_252 : vector<8x512xf32>
      %logistic3A_254 = arith.constant 1.000000e+00 : f32
      %logistic3A_255 = vector.broadcast %logistic3A_254 : f32 to vector<8x512xf32>
      %logistic3A_256 = arith.addf %logistic3A_255, %logistic3A_253 : vector<8x512xf32>
      %logistic3A_257 = arith.divf %logistic3A_255, %logistic3A_256 : vector<8x512xf32>
      %mul3A_258 = arith.mulf %logistic3A_248, %get3A_231 : vector<8x512xf32>
      %mul3A_259 = arith.mulf %logistic3A_241, %tanh3A_250 : vector<8x512xf32>
      %add3A_260 = arith.addf %mul3A_258, %mul3A_259 : vector<8x512xf32>
      %tanh3A_261 = math.tanh %add3A_260 : vector<8x512xf32>
      %mul3A_262 = arith.mulf %logistic3A_257, %tanh3A_261 : vector<8x512xf32>
      %gt3A_263 = arith.constant 5.000000e-01 : f32
      %gt3A_264 = vector.broadcast %gt3A_263 : f32 to vector<8x1xf32>
      %gt3A_265 = arith.cmpf ogt, %get3A_234, %gt3A_264 : vector<8x1xf32>
      %broadcast_in_dim3A_266 = vector.shape_cast %gt3A_265 : vector<8x1xi1> to vector<8x1xi1>
      %broadcast_in_dim3A_267 = vector.broadcast %broadcast_in_dim3A_266 : vector<8x1xi1> to vector<8x512xi1>
      %select_n3A_268 = arith.select %broadcast_in_dim3A_267, %mul3A_262, %get3A_228 : vector<8x512xi1>, vector<8x512xf32>
      %broadcast_in_dim3A_269 = vector.shape_cast %gt3A_265 : vector<8x1xi1> to vector<8x1xi1>
      %broadcast_in_dim3A_270 = vector.broadcast %broadcast_in_dim3A_269 : vector<8x1xi1> to vector<8x512xi1>
      %select_n3A_271 = arith.select %broadcast_in_dim3A_270, %add3A_260, %get3A_231 : vector<8x512xi1>, vector<8x512xf32>
      %swap3A_272 = arith.constant 0 : index
      %swap3A_273 = arith.constant 0 : index
      %swap3A_274 = vector.load %arg11[%swap3A_272, %swap3A_273] : memref<8x512xf32, #tpu.memory_space<vmem>>, vector<8x512xf32>
      tpu.vector_store %arg11[%swap3A_272, %swap3A_273], %select_n3A_268 {strides = array<i32>} : memref<8x512xf32, #tpu.memory_space<vmem>>, vector<8x512xf32>,
      %swap3A_275 = arith.constant 0 : index
      %swap3A_276 = arith.constant 0 : index
      %swap3A_277 = vector.load %arg12[%swap3A_275, %swap3A_276] : memref<8x512xf32, #tpu.memory_space<vmem>>, vector<8x512xf32>
      tpu.vector_store %arg12[%swap3A_275, %swap3A_276], %select_n3A_271 {strides = array<i32>} : memref<8x512xf32, #tpu.memory_space<vmem>>, vector<8x512xf32>,
      %swap3A_278 = arith.index_cast %mul3A_212 : i32 to index
      %swap3A_279 = arith.constant 0 : index
      %swap3A_280 = vector.load %arg8[%swap3A_278, %swap3A_279] : memref<512x512xf32, #tpu.memory_space<vmem>>, vector<8x512xf32>
      tpu.vector_store %arg8[%swap3A_278, %swap3A_279], %select_n3A_268 {strides = array<i32>} : memref<512x512xf32, #tpu.memory_space<vmem>>, vector<8x512xf32>,
      %scan3A_281 = arith.constant 2 : i32
      %scan3A_282 = arith.addi %scan3A_6, %scan3A_281 : i32
      %mul3A_283 = arith.constant 8 : i32
      %mul3A_284 = arith.muli %scan3A_282, %mul3A_283 : i32
      %get3A_285 = arith.index_cast %mul3A_284 : i32 to index
      %get3A_286 = arith.constant 0 : index
      %get3A_287 = vector.load %arg1[%get3A_285, %get3A_286] : memref<512x2048xf32, #tpu.memory_space<vmem>>, vector<8x2048xf32>
      %get3A_288 = arith.constant 0 : index
      %get3A_289 = arith.constant 0 : index
      %get3A_290 = vector.load %arg9[%get3A_288, %get3A_289] : memref<8x512xf32, #tpu.memory_space<vmem>>, vector<8x512xf32>
      %convert_element_type3A_291 = arith.truncf %get3A_290 : vector<8x512xf32> to vector<8x512xbf16>
      %get3A_292 = arith.constant 0 : index
      %get3A_293 = arith.constant 0 : index
      %get3A_294 = vector.load %arg5[%get3A_292, %get3A_293] : memref<512x2048xbf16, #tpu.memory_space<vmem>>, vector<512x2048xbf16>
      %dot_general3A_295 = arith.constant dense<0.000000e+00> : vector<8x2048xf32>
      %dot_general3A_296 = tpu.matmul %convert_element_type3A_291, %get3A_294, %dot_general3A_295 {dimension_numbers = #tpu.dot_dimension_numbers<[1], [0], [0], [1], [0, 0, 1, 1], [], []>, transpose_lhs_hint = false} : vector<8x512xbf16>, vector<512x2048xbf16>, vector<8x2048xf32> -> vector<8x2048xf32>
      %add3A_297 = arith.addf %get3A_287, %dot_general3A_296 : vector<8x2048xf32>
      %get3A_298 = arith.constant 0 : index
      %get3A_299 = arith.constant 0 : index
      %get3A_300 = vector.load %arg9[%get3A_298, %get3A_299] : memref<8x512xf32, #tpu.memory_space<vmem>>, vector<8x512xf32>
      %get3A_301 = arith.constant 0 : index
      %get3A_302 = arith.constant 0 : index
      %get3A_303 = vector.load %arg10[%get3A_301, %get3A_302] : memref<8x512xf32, #tpu.memory_space<vmem>>, vector<8x512xf32>
      %get3A_304 = arith.index_cast %mul3A_284 : i32 to index
      %get3A_305 = arith.constant 0 : index
      %get3A_306 = vector.load %arg3[%get3A_304, %get3A_305] : memref<512x1xf32, #tpu.memory_space<vmem>>, vector<8x1xf32>
      %slice3A_307 = vector.extract_strided_slice %add3A_297 {offsets = [0, 0], sizes = [8, 512], strides = [1, 1]} : vector<8x2048xf32> to vector<8x512xf32>
      %logistic3A_308 = arith.negf %slice3A_307 : vector<8x512xf32>
      %logistic3A_309 = math.exp %logistic3A_308 : vector<8x512xf32>
      %logistic3A_310 = arith.constant 1.000000e+00 : f32
      %logistic3A_311 = vector.broadcast %logistic3A_310 : f32 to vector<8x512xf32>
      %logistic3A_312 = arith.addf %logistic3A_311, %logistic3A_309 : vector<8x512xf32>
      %logistic3A_313 = arith.divf %logistic3A_311, %logistic3A_312 : vector<8x512xf32>
      %slice3A_314 = vector.extract_strided_slice %add3A_297 {offsets = [0, 512], sizes = [8, 512], strides = [1, 1]} : vector<8x2048xf32> to vector<8x512xf32>
      %logistic3A_315 = arith.negf %slice3A_314 : vector<8x512xf32>
      %logistic3A_316 = math.exp %logistic3A_315 : vector<8x512xf32>
      %logistic3A_317 = arith.constant 1.000000e+00 : f32
      %logistic3A_318 = vector.broadcast %logistic3A_317 : f32 to vector<8x512xf32>
      %logistic3A_319 = arith.addf %logistic3A_318, %logistic3A_316 : vector<8x512xf32>
      %logistic3A_320 = arith.divf %logistic3A_318, %logistic3A_319 : vector<8x512xf32>
      %slice3A_321 = vector.extract_strided_slice %add3A_297 {offsets = [0, 1024], sizes = [8, 512], strides = [1, 1]} : vector<8x2048xf32> to vector<8x512xf32>
      %tanh3A_322 = math.tanh %slice3A_321 : vector<8x512xf32>
      %slice3A_323 = vector.extract_strided_slice %add3A_297 {offsets = [0, 1536], sizes = [8, 512], strides = [1, 1]} : vector<8x2048xf32> to vector<8x512xf32>
      %logistic3A_324 = arith.negf %slice3A_323 : vector<8x512xf32>
      %logistic3A_325 = math.exp %logistic3A_324 : vector<8x512xf32>
      %logistic3A_326 = arith.constant 1.000000e+00 : f32
      %logistic3A_327 = vector.broadcast %logistic3A_326 : f32 to vector<8x512xf32>
      %logistic3A_328 = arith.addf %logistic3A_327, %logistic3A_325 : vector<8x512xf32>
      %logistic3A_329 = arith.divf %logistic3A_327, %logistic3A_328 : vector<8x512xf32>
      %mul3A_330 = arith.mulf %logistic3A_320, %get3A_303 : vector<8x512xf32>
      %mul3A_331 = arith.mulf %logistic3A_313, %tanh3A_322 : vector<8x512xf32>
      %add3A_332 = arith.addf %mul3A_330, %mul3A_331 : vector<8x512xf32>
      %tanh3A_333 = math.tanh %add3A_332 : vector<8x512xf32>
      %mul3A_334 = arith.mulf %logistic3A_329, %tanh3A_333 : vector<8x512xf32>
      %gt3A_335 = arith.constant 5.000000e-01 : f32
      %gt3A_336 = vector.broadcast %gt3A_335 : f32 to vector<8x1xf32>
      %gt3A_337 = arith.cmpf ogt, %get3A_306, %gt3A_336 : vector<8x1xf32>
      %broadcast_in_dim3A_338 = vector.shape_cast %gt3A_337 : vector<8x1xi1> to vector<8x1xi1>
      %broadcast_in_dim3A_339 = vector.broadcast %broadcast_in_dim3A_338 : vector<8x1xi1> to vector<8x512xi1>
      %select_n3A_340 = arith.select %broadcast_in_dim3A_339, %mul3A_334, %get3A_300 : vector<8x512xi1>, vector<8x512xf32>
      %broadcast_in_dim3A_341 = vector.shape_cast %gt3A_337 : vector<8x1xi1> to vector<8x1xi1>
      %broadcast_in_dim3A_342 = vector.broadcast %broadcast_in_dim3A_341 : vector<8x1xi1> to vector<8x512xi1>
      %select_n3A_343 = arith.select %broadcast_in_dim3A_342, %add3A_332, %get3A_303 : vector<8x512xi1>, vector<8x512xf32>
      %swap3A_344 = arith.constant 0 : index
      %swap3A_345 = arith.constant 0 : index
      %swap3A_346 = vector.load %arg9[%swap3A_344, %swap3A_345] : memref<8x512xf32, #tpu.memory_space<vmem>>, vector<8x512xf32>
      tpu.vector_store %arg9[%swap3A_344, %swap3A_345], %select_n3A_340 {strides = array<i32>} : memref<8x512xf32, #tpu.memory_space<vmem>>, vector<8x512xf32>,
      %swap3A_347 = arith.constant 0 : index
      %swap3A_348 = arith.constant 0 : index
      %swap3A_349 = vector.load %arg10[%swap3A_347, %swap3A_348] : memref<8x512xf32, #tpu.memory_space<vmem>>, vector<8x512xf32>
      tpu.vector_store %arg10[%swap3A_347, %swap3A_348], %select_n3A_343 {strides = array<i32>} : memref<8x512xf32, #tpu.memory_space<vmem>>, vector<8x512xf32>,
      %swap3A_350 = arith.index_cast %mul3A_284 : i32 to index
      %swap3A_351 = arith.constant 0 : index
      %swap3A_352 = vector.load %arg7[%swap3A_350, %swap3A_351] : memref<512x512xf32, #tpu.memory_space<vmem>>, vector<8x512xf32>
      tpu.vector_store %arg7[%swap3A_350, %swap3A_351], %select_n3A_340 {strides = array<i32>} : memref<512x512xf32, #tpu.memory_space<vmem>>, vector<8x512xf32>,
      %sub3A_353 = arith.constant 63 : i32
      %sub3A_354 = arith.subi %sub3A_353, %scan3A_282 : i32
      %mul3A_355 = arith.constant 8 : i32
      %mul3A_356 = arith.muli %sub3A_354, %mul3A_355 : i32
      %get3A_357 = arith.index_cast %mul3A_356 : i32 to index
      %get3A_358 = arith.constant 0 : index
      %get3A_359 = vector.load %arg2[%get3A_357, %get3A_358] : memref<512x2048xf32, #tpu.memory_space<vmem>>, vector<8x2048xf32>
      %get3A_360 = arith.constant 0 : index
      %get3A_361 = arith.constant 0 : index
      %get3A_362 = vector.load %arg11[%get3A_360, %get3A_361] : memref<8x512xf32, #tpu.memory_space<vmem>>, vector<8x512xf32>
      %convert_element_type3A_363 = arith.truncf %get3A_362 : vector<8x512xf32> to vector<8x512xbf16>
      %get3A_364 = arith.constant 0 : index
      %get3A_365 = arith.constant 0 : index
      %get3A_366 = vector.load %arg6[%get3A_364, %get3A_365] : memref<512x2048xbf16, #tpu.memory_space<vmem>>, vector<512x2048xbf16>
      %dot_general3A_367 = arith.constant dense<0.000000e+00> : vector<8x2048xf32>
      %dot_general3A_368 = tpu.matmul %convert_element_type3A_363, %get3A_366, %dot_general3A_367 {dimension_numbers = #tpu.dot_dimension_numbers<[1], [0], [0], [1], [0, 0, 1, 1], [], []>, transpose_lhs_hint = false} : vector<8x512xbf16>, vector<512x2048xbf16>, vector<8x2048xf32> -> vector<8x2048xf32>
      %add3A_369 = arith.addf %get3A_359, %dot_general3A_368 : vector<8x2048xf32>
      %get3A_370 = arith.constant 0 : index
      %get3A_371 = arith.constant 0 : index
      %get3A_372 = vector.load %arg11[%get3A_370, %get3A_371] : memref<8x512xf32, #tpu.memory_space<vmem>>, vector<8x512xf32>
      %get3A_373 = arith.constant 0 : index
      %get3A_374 = arith.constant 0 : index
      %get3A_375 = vector.load %arg12[%get3A_373, %get3A_374] : memref<8x512xf32, #tpu.memory_space<vmem>>, vector<8x512xf32>
      %get3A_376 = arith.index_cast %mul3A_356 : i32 to index
      %get3A_377 = arith.constant 0 : index
      %get3A_378 = vector.load %arg4[%get3A_376, %get3A_377] : memref<512x1xf32, #tpu.memory_space<vmem>>, vector<8x1xf32>
      %slice3A_379 = vector.extract_strided_slice %add3A_369 {offsets = [0, 0], sizes = [8, 512], strides = [1, 1]} : vector<8x2048xf32> to vector<8x512xf32>
      %logistic3A_380 = arith.negf %slice3A_379 : vector<8x512xf32>
      %logistic3A_381 = math.exp %logistic3A_380 : vector<8x512xf32>
      %logistic3A_382 = arith.constant 1.000000e+00 : f32
      %logistic3A_383 = vector.broadcast %logistic3A_382 : f32 to vector<8x512xf32>
      %logistic3A_384 = arith.addf %logistic3A_383, %logistic3A_381 : vector<8x512xf32>
      %logistic3A_385 = arith.divf %logistic3A_383, %logistic3A_384 : vector<8x512xf32>
      %slice3A_386 = vector.extract_strided_slice %add3A_369 {offsets = [0, 512], sizes = [8, 512], strides = [1, 1]} : vector<8x2048xf32> to vector<8x512xf32>
      %logistic3A_387 = arith.negf %slice3A_386 : vector<8x512xf32>
      %logistic3A_388 = math.exp %logistic3A_387 : vector<8x512xf32>
      %logistic3A_389 = arith.constant 1.000000e+00 : f32
      %logistic3A_390 = vector.broadcast %logistic3A_389 : f32 to vector<8x512xf32>
      %logistic3A_391 = arith.addf %logistic3A_390, %logistic3A_388 : vector<8x512xf32>
      %logistic3A_392 = arith.divf %logistic3A_390, %logistic3A_391 : vector<8x512xf32>
      %slice3A_393 = vector.extract_strided_slice %add3A_369 {offsets = [0, 1024], sizes = [8, 512], strides = [1, 1]} : vector<8x2048xf32> to vector<8x512xf32>
      %tanh3A_394 = math.tanh %slice3A_393 : vector<8x512xf32>
      %slice3A_395 = vector.extract_strided_slice %add3A_369 {offsets = [0, 1536], sizes = [8, 512], strides = [1, 1]} : vector<8x2048xf32> to vector<8x512xf32>
      %logistic3A_396 = arith.negf %slice3A_395 : vector<8x512xf32>
      %logistic3A_397 = math.exp %logistic3A_396 : vector<8x512xf32>
      %logistic3A_398 = arith.constant 1.000000e+00 : f32
      %logistic3A_399 = vector.broadcast %logistic3A_398 : f32 to vector<8x512xf32>
      %logistic3A_400 = arith.addf %logistic3A_399, %logistic3A_397 : vector<8x512xf32>
      %logistic3A_401 = arith.divf %logistic3A_399, %logistic3A_400 : vector<8x512xf32>
      %mul3A_402 = arith.mulf %logistic3A_392, %get3A_375 : vector<8x512xf32>
      %mul3A_403 = arith.mulf %logistic3A_385, %tanh3A_394 : vector<8x512xf32>
      %add3A_404 = arith.addf %mul3A_402, %mul3A_403 : vector<8x512xf32>
      %tanh3A_405 = math.tanh %add3A_404 : vector<8x512xf32>
      %mul3A_406 = arith.mulf %logistic3A_401, %tanh3A_405 : vector<8x512xf32>
      %gt3A_407 = arith.constant 5.000000e-01 : f32
      %gt3A_408 = vector.broadcast %gt3A_407 : f32 to vector<8x1xf32>
      %gt3A_409 = arith.cmpf ogt, %get3A_378, %gt3A_408 : vector<8x1xf32>
      %broadcast_in_dim3A_410 = vector.shape_cast %gt3A_409 : vector<8x1xi1> to vector<8x1xi1>
      %broadcast_in_dim3A_411 = vector.broadcast %broadcast_in_dim3A_410 : vector<8x1xi1> to vector<8x512xi1>
      %select_n3A_412 = arith.select %broadcast_in_dim3A_411, %mul3A_406, %get3A_372 : vector<8x512xi1>, vector<8x512xf32>
      %broadcast_in_dim3A_413 = vector.shape_cast %gt3A_409 : vector<8x1xi1> to vector<8x1xi1>
      %broadcast_in_dim3A_414 = vector.broadcast %broadcast_in_dim3A_413 : vector<8x1xi1> to vector<8x512xi1>
      %select_n3A_415 = arith.select %broadcast_in_dim3A_414, %add3A_404, %get3A_375 : vector<8x512xi1>, vector<8x512xf32>
      %swap3A_416 = arith.constant 0 : index
      %swap3A_417 = arith.constant 0 : index
      %swap3A_418 = vector.load %arg11[%swap3A_416, %swap3A_417] : memref<8x512xf32, #tpu.memory_space<vmem>>, vector<8x512xf32>
      tpu.vector_store %arg11[%swap3A_416, %swap3A_417], %select_n3A_412 {strides = array<i32>} : memref<8x512xf32, #tpu.memory_space<vmem>>, vector<8x512xf32>,
      %swap3A_419 = arith.constant 0 : index
      %swap3A_420 = arith.constant 0 : index
      %swap3A_421 = vector.load %arg12[%swap3A_419, %swap3A_420] : memref<8x512xf32, #tpu.memory_space<vmem>>, vector<8x512xf32>
      tpu.vector_store %arg12[%swap3A_419, %swap3A_420], %select_n3A_415 {strides = array<i32>} : memref<8x512xf32, #tpu.memory_space<vmem>>, vector<8x512xf32>,
      %swap3A_422 = arith.index_cast %mul3A_356 : i32 to index
      %swap3A_423 = arith.constant 0 : index
      %swap3A_424 = vector.load %arg8[%swap3A_422, %swap3A_423] : memref<512x512xf32, #tpu.memory_space<vmem>>, vector<8x512xf32>
      tpu.vector_store %arg8[%swap3A_422, %swap3A_423], %select_n3A_412 {strides = array<i32>} : memref<512x512xf32, #tpu.memory_space<vmem>>, vector<8x512xf32>,
      %scan3A_425 = arith.constant 3 : i32
      %scan3A_426 = arith.addi %scan3A_6, %scan3A_425 : i32
      %mul3A_427 = arith.constant 8 : i32
      %mul3A_428 = arith.muli %scan3A_426, %mul3A_427 : i32
      %get3A_429 = arith.index_cast %mul3A_428 : i32 to index
      %get3A_430 = arith.constant 0 : index
      %get3A_431 = vector.load %arg1[%get3A_429, %get3A_430] : memref<512x2048xf32, #tpu.memory_space<vmem>>, vector<8x2048xf32>
      %get3A_432 = arith.constant 0 : index
      %get3A_433 = arith.constant 0 : index
      %get3A_434 = vector.load %arg9[%get3A_432, %get3A_433] : memref<8x512xf32, #tpu.memory_space<vmem>>, vector<8x512xf32>
      %convert_element_type3A_435 = arith.truncf %get3A_434 : vector<8x512xf32> to vector<8x512xbf16>
      %get3A_436 = arith.constant 0 : index
      %get3A_437 = arith.constant 0 : index
      %get3A_438 = vector.load %arg5[%get3A_436, %get3A_437] : memref<512x2048xbf16, #tpu.memory_space<vmem>>, vector<512x2048xbf16>
      %dot_general3A_439 = arith.constant dense<0.000000e+00> : vector<8x2048xf32>
      %dot_general3A_440 = tpu.matmul %convert_element_type3A_435, %get3A_438, %dot_general3A_439 {dimension_numbers = #tpu.dot_dimension_numbers<[1], [0], [0], [1], [0, 0, 1, 1], [], []>, transpose_lhs_hint = false} : vector<8x512xbf16>, vector<512x2048xbf16>, vector<8x2048xf32> -> vector<8x2048xf32>
      %add3A_441 = arith.addf %get3A_431, %dot_general3A_440 : vector<8x2048xf32>
      %get3A_442 = arith.constant 0 : index
      %get3A_443 = arith.constant 0 : index
      %get3A_444 = vector.load %arg9[%get3A_442, %get3A_443] : memref<8x512xf32, #tpu.memory_space<vmem>>, vector<8x512xf32>
      %get3A_445 = arith.constant 0 : index
      %get3A_446 = arith.constant 0 : index
      %get3A_447 = vector.load %arg10[%get3A_445, %get3A_446] : memref<8x512xf32, #tpu.memory_space<vmem>>, vector<8x512xf32>
      %get3A_448 = arith.index_cast %mul3A_428 : i32 to index
      %get3A_449 = arith.constant 0 : index
      %get3A_450 = vector.load %arg3[%get3A_448, %get3A_449] : memref<512x1xf32, #tpu.memory_space<vmem>>, vector<8x1xf32>
      %slice3A_451 = vector.extract_strided_slice %add3A_441 {offsets = [0, 0], sizes = [8, 512], strides = [1, 1]} : vector<8x2048xf32> to vector<8x512xf32>
      %logistic3A_452 = arith.negf %slice3A_451 : vector<8x512xf32>
      %logistic3A_453 = math.exp %logistic3A_452 : vector<8x512xf32>
      %logistic3A_454 = arith.constant 1.000000e+00 : f32
      %logistic3A_455 = vector.broadcast %logistic3A_454 : f32 to vector<8x512xf32>
      %logistic3A_456 = arith.addf %logistic3A_455, %logistic3A_453 : vector<8x512xf32>
      %logistic3A_457 = arith.divf %logistic3A_455, %logistic3A_456 : vector<8x512xf32>
      %slice3A_458 = vector.extract_strided_slice %add3A_441 {offsets = [0, 512], sizes = [8, 512], strides = [1, 1]} : vector<8x2048xf32> to vector<8x512xf32>
      %logistic3A_459 = arith.negf %slice3A_458 : vector<8x512xf32>
      %logistic3A_460 = math.exp %logistic3A_459 : vector<8x512xf32>
      %logistic3A_461 = arith.constant 1.000000e+00 : f32
      %logistic3A_462 = vector.broadcast %logistic3A_461 : f32 to vector<8x512xf32>
      %logistic3A_463 = arith.addf %logistic3A_462, %logistic3A_460 : vector<8x512xf32>
      %logistic3A_464 = arith.divf %logistic3A_462, %logistic3A_463 : vector<8x512xf32>
      %slice3A_465 = vector.extract_strided_slice %add3A_441 {offsets = [0, 1024], sizes = [8, 512], strides = [1, 1]} : vector<8x2048xf32> to vector<8x512xf32>
      %tanh3A_466 = math.tanh %slice3A_465 : vector<8x512xf32>
      %slice3A_467 = vector.extract_strided_slice %add3A_441 {offsets = [0, 1536], sizes = [8, 512], strides = [1, 1]} : vector<8x2048xf32> to vector<8x512xf32>
      %logistic3A_468 = arith.negf %slice3A_467 : vector<8x512xf32>
      %logistic3A_469 = math.exp %logistic3A_468 : vector<8x512xf32>
      %logistic3A_470 = arith.constant 1.000000e+00 : f32
      %logistic3A_471 = vector.broadcast %logistic3A_470 : f32 to vector<8x512xf32>
      %logistic3A_472 = arith.addf %logistic3A_471, %logistic3A_469 : vector<8x512xf32>
      %logistic3A_473 = arith.divf %logistic3A_471, %logistic3A_472 : vector<8x512xf32>
      %mul3A_474 = arith.mulf %logistic3A_464, %get3A_447 : vector<8x512xf32>
      %mul3A_475 = arith.mulf %logistic3A_457, %tanh3A_466 : vector<8x512xf32>
      %add3A_476 = arith.addf %mul3A_474, %mul3A_475 : vector<8x512xf32>
      %tanh3A_477 = math.tanh %add3A_476 : vector<8x512xf32>
      %mul3A_478 = arith.mulf %logistic3A_473, %tanh3A_477 : vector<8x512xf32>
      %gt3A_479 = arith.constant 5.000000e-01 : f32
      %gt3A_480 = vector.broadcast %gt3A_479 : f32 to vector<8x1xf32>
      %gt3A_481 = arith.cmpf ogt, %get3A_450, %gt3A_480 : vector<8x1xf32>
      %broadcast_in_dim3A_482 = vector.shape_cast %gt3A_481 : vector<8x1xi1> to vector<8x1xi1>
      %broadcast_in_dim3A_483 = vector.broadcast %broadcast_in_dim3A_482 : vector<8x1xi1> to vector<8x512xi1>
      %select_n3A_484 = arith.select %broadcast_in_dim3A_483, %mul3A_478, %get3A_444 : vector<8x512xi1>, vector<8x512xf32>
      %broadcast_in_dim3A_485 = vector.shape_cast %gt3A_481 : vector<8x1xi1> to vector<8x1xi1>
      %broadcast_in_dim3A_486 = vector.broadcast %broadcast_in_dim3A_485 : vector<8x1xi1> to vector<8x512xi1>
      %select_n3A_487 = arith.select %broadcast_in_dim3A_486, %add3A_476, %get3A_447 : vector<8x512xi1>, vector<8x512xf32>
      %swap3A_488 = arith.constant 0 : index
      %swap3A_489 = arith.constant 0 : index
      %swap3A_490 = vector.load %arg9[%swap3A_488, %swap3A_489] : memref<8x512xf32, #tpu.memory_space<vmem>>, vector<8x512xf32>
      tpu.vector_store %arg9[%swap3A_488, %swap3A_489], %select_n3A_484 {strides = array<i32>} : memref<8x512xf32, #tpu.memory_space<vmem>>, vector<8x512xf32>,
      %swap3A_491 = arith.constant 0 : index
      %swap3A_492 = arith.constant 0 : index
      %swap3A_493 = vector.load %arg10[%swap3A_491, %swap3A_492] : memref<8x512xf32, #tpu.memory_space<vmem>>, vector<8x512xf32>
      tpu.vector_store %arg10[%swap3A_491, %swap3A_492], %select_n3A_487 {strides = array<i32>} : memref<8x512xf32, #tpu.memory_space<vmem>>, vector<8x512xf32>,
      %swap3A_494 = arith.index_cast %mul3A_428 : i32 to index
      %swap3A_495 = arith.constant 0 : index
      %swap3A_496 = vector.load %arg7[%swap3A_494, %swap3A_495] : memref<512x512xf32, #tpu.memory_space<vmem>>, vector<8x512xf32>
      tpu.vector_store %arg7[%swap3A_494, %swap3A_495], %select_n3A_484 {strides = array<i32>} : memref<512x512xf32, #tpu.memory_space<vmem>>, vector<8x512xf32>,
      %sub3A_497 = arith.constant 63 : i32
      %sub3A_498 = arith.subi %sub3A_497, %scan3A_426 : i32
      %mul3A_499 = arith.constant 8 : i32
      %mul3A_500 = arith.muli %sub3A_498, %mul3A_499 : i32
      %get3A_501 = arith.index_cast %mul3A_500 : i32 to index
      %get3A_502 = arith.constant 0 : index
      %get3A_503 = vector.load %arg2[%get3A_501, %get3A_502] : memref<512x2048xf32, #tpu.memory_space<vmem>>, vector<8x2048xf32>
      %get3A_504 = arith.constant 0 : index
      %get3A_505 = arith.constant 0 : index
      %get3A_506 = vector.load %arg11[%get3A_504, %get3A_505] : memref<8x512xf32, #tpu.memory_space<vmem>>, vector<8x512xf32>
      %convert_element_type3A_507 = arith.truncf %get3A_506 : vector<8x512xf32> to vector<8x512xbf16>
      %get3A_508 = arith.constant 0 : index
      %get3A_509 = arith.constant 0 : index
      %get3A_510 = vector.load %arg6[%get3A_508, %get3A_509] : memref<512x2048xbf16, #tpu.memory_space<vmem>>, vector<512x2048xbf16>
      %dot_general3A_511 = arith.constant dense<0.000000e+00> : vector<8x2048xf32>
      %dot_general3A_512 = tpu.matmul %convert_element_type3A_507, %get3A_510, %dot_general3A_511 {dimension_numbers = #tpu.dot_dimension_numbers<[1], [0], [0], [1], [0, 0, 1, 1], [], []>, transpose_lhs_hint = false} : vector<8x512xbf16>, vector<512x2048xbf16>, vector<8x2048xf32> -> vector<8x2048xf32>
      %add3A_513 = arith.addf %get3A_503, %dot_general3A_512 : vector<8x2048xf32>
      %get3A_514 = arith.constant 0 : index
      %get3A_515 = arith.constant 0 : index
      %get3A_516 = vector.load %arg11[%get3A_514, %get3A_515] : memref<8x512xf32, #tpu.memory_space<vmem>>, vector<8x512xf32>
      %get3A_517 = arith.constant 0 : index
      %get3A_518 = arith.constant 0 : index
      %get3A_519 = vector.load %arg12[%get3A_517, %get3A_518] : memref<8x512xf32, #tpu.memory_space<vmem>>, vector<8x512xf32>
      %get3A_520 = arith.index_cast %mul3A_500 : i32 to index
      %get3A_521 = arith.constant 0 : index
      %get3A_522 = vector.load %arg4[%get3A_520, %get3A_521] : memref<512x1xf32, #tpu.memory_space<vmem>>, vector<8x1xf32>
      %slice3A_523 = vector.extract_strided_slice %add3A_513 {offsets = [0, 0], sizes = [8, 512], strides = [1, 1]} : vector<8x2048xf32> to vector<8x512xf32>
      %logistic3A_524 = arith.negf %slice3A_523 : vector<8x512xf32>
      %logistic3A_525 = math.exp %logistic3A_524 : vector<8x512xf32>
      %logistic3A_526 = arith.constant 1.000000e+00 : f32
      %logistic3A_527 = vector.broadcast %logistic3A_526 : f32 to vector<8x512xf32>
      %logistic3A_528 = arith.addf %logistic3A_527, %logistic3A_525 : vector<8x512xf32>
      %logistic3A_529 = arith.divf %logistic3A_527, %logistic3A_528 : vector<8x512xf32>
      %slice3A_530 = vector.extract_strided_slice %add3A_513 {offsets = [0, 512], sizes = [8, 512], strides = [1, 1]} : vector<8x2048xf32> to vector<8x512xf32>
      %logistic3A_531 = arith.negf %slice3A_530 : vector<8x512xf32>
      %logistic3A_532 = math.exp %logistic3A_531 : vector<8x512xf32>
      %logistic3A_533 = arith.constant 1.000000e+00 : f32
      %logistic3A_534 = vector.broadcast %logistic3A_533 : f32 to vector<8x512xf32>
      %logistic3A_535 = arith.addf %logistic3A_534, %logistic3A_532 : vector<8x512xf32>
      %logistic3A_536 = arith.divf %logistic3A_534, %logistic3A_535 : vector<8x512xf32>
      %slice3A_537 = vector.extract_strided_slice %add3A_513 {offsets = [0, 1024], sizes = [8, 512], strides = [1, 1]} : vector<8x2048xf32> to vector<8x512xf32>
      %tanh3A_538 = math.tanh %slice3A_537 : vector<8x512xf32>
      %slice3A_539 = vector.extract_strided_slice %add3A_513 {offsets = [0, 1536], sizes = [8, 512], strides = [1, 1]} : vector<8x2048xf32> to vector<8x512xf32>
      %logistic3A_540 = arith.negf %slice3A_539 : vector<8x512xf32>
      %logistic3A_541 = math.exp %logistic3A_540 : vector<8x512xf32>
      %logistic3A_542 = arith.constant 1.000000e+00 : f32
      %logistic3A_543 = vector.broadcast %logistic3A_542 : f32 to vector<8x512xf32>
      %logistic3A_544 = arith.addf %logistic3A_543, %logistic3A_541 : vector<8x512xf32>
      %logistic3A_545 = arith.divf %logistic3A_543, %logistic3A_544 : vector<8x512xf32>
      %mul3A_546 = arith.mulf %logistic3A_536, %get3A_519 : vector<8x512xf32>
      %mul3A_547 = arith.mulf %logistic3A_529, %tanh3A_538 : vector<8x512xf32>
      %add3A_548 = arith.addf %mul3A_546, %mul3A_547 : vector<8x512xf32>
      %tanh3A_549 = math.tanh %add3A_548 : vector<8x512xf32>
      %mul3A_550 = arith.mulf %logistic3A_545, %tanh3A_549 : vector<8x512xf32>
      %gt3A_551 = arith.constant 5.000000e-01 : f32
      %gt3A_552 = vector.broadcast %gt3A_551 : f32 to vector<8x1xf32>
      %gt3A_553 = arith.cmpf ogt, %get3A_522, %gt3A_552 : vector<8x1xf32>
      %broadcast_in_dim3A_554 = vector.shape_cast %gt3A_553 : vector<8x1xi1> to vector<8x1xi1>
      %broadcast_in_dim3A_555 = vector.broadcast %broadcast_in_dim3A_554 : vector<8x1xi1> to vector<8x512xi1>
      %select_n3A_556 = arith.select %broadcast_in_dim3A_555, %mul3A_550, %get3A_516 : vector<8x512xi1>, vector<8x512xf32>
      %broadcast_in_dim3A_557 = vector.shape_cast %gt3A_553 : vector<8x1xi1> to vector<8x1xi1>
      %broadcast_in_dim3A_558 = vector.broadcast %broadcast_in_dim3A_557 : vector<8x1xi1> to vector<8x512xi1>
      %select_n3A_559 = arith.select %broadcast_in_dim3A_558, %add3A_548, %get3A_519 : vector<8x512xi1>, vector<8x512xf32>
      %swap3A_560 = arith.constant 0 : index
      %swap3A_561 = arith.constant 0 : index
      %swap3A_562 = vector.load %arg11[%swap3A_560, %swap3A_561] : memref<8x512xf32, #tpu.memory_space<vmem>>, vector<8x512xf32>
      tpu.vector_store %arg11[%swap3A_560, %swap3A_561], %select_n3A_556 {strides = array<i32>} : memref<8x512xf32, #tpu.memory_space<vmem>>, vector<8x512xf32>,
      %swap3A_563 = arith.constant 0 : index
      %swap3A_564 = arith.constant 0 : index
      %swap3A_565 = vector.load %arg12[%swap3A_563, %swap3A_564] : memref<8x512xf32, #tpu.memory_space<vmem>>, vector<8x512xf32>
      tpu.vector_store %arg12[%swap3A_563, %swap3A_564], %select_n3A_559 {strides = array<i32>} : memref<8x512xf32, #tpu.memory_space<vmem>>, vector<8x512xf32>,
      %swap3A_566 = arith.index_cast %mul3A_500 : i32 to index
      %swap3A_567 = arith.constant 0 : index
      %swap3A_568 = vector.load %arg8[%swap3A_566, %swap3A_567] : memref<512x512xf32, #tpu.memory_space<vmem>>, vector<8x512xf32>
      tpu.vector_store %arg8[%swap3A_566, %swap3A_567], %select_n3A_556 {strides = array<i32>} : memref<512x512xf32, #tpu.memory_space<vmem>>, vector<8x512xf32>,
      %scan3A_569 = arith.constant 4 : i32
      %scan3A_570 = arith.addi %scan3A_6, %scan3A_569 : i32
      %mul3A_571 = arith.constant 8 : i32
      %mul3A_572 = arith.muli %scan3A_570, %mul3A_571 : i32
      %get3A_573 = arith.index_cast %mul3A_572 : i32 to index
      %get3A_574 = arith.constant 0 : index
      %get3A_575 = vector.load %arg1[%get3A_573, %get3A_574] : memref<512x2048xf32, #tpu.memory_space<vmem>>, vector<8x2048xf32>
      %get3A_576 = arith.constant 0 : index
      %get3A_577 = arith.constant 0 : index
      %get3A_578 = vector.load %arg9[%get3A_576, %get3A_577] : memref<8x512xf32, #tpu.memory_space<vmem>>, vector<8x512xf32>
      %convert_element_type3A_579 = arith.truncf %get3A_578 : vector<8x512xf32> to vector<8x512xbf16>
      %get3A_580 = arith.constant 0 : index
      %get3A_581 = arith.constant 0 : index
      %get3A_582 = vector.load %arg5[%get3A_580, %get3A_581] : memref<512x2048xbf16, #tpu.memory_space<vmem>>, vector<512x2048xbf16>
      %dot_general3A_583 = arith.constant dense<0.000000e+00> : vector<8x2048xf32>
      %dot_general3A_584 = tpu.matmul %convert_element_type3A_579, %get3A_582, %dot_general3A_583 {dimension_numbers = #tpu.dot_dimension_numbers<[1], [0], [0], [1], [0, 0, 1, 1], [], []>, transpose_lhs_hint = false} : vector<8x512xbf16>, vector<512x2048xbf16>, vector<8x2048xf32> -> vector<8x2048xf32>
      %add3A_585 = arith.addf %get3A_575, %dot_general3A_584 : vector<8x2048xf32>
      %get3A_586 = arith.constant 0 : index
      %get3A_587 = arith.constant 0 : index
      %get3A_588 = vector.load %arg9[%get3A_586, %get3A_587] : memref<8x512xf32, #tpu.memory_space<vmem>>, vector<8x512xf32>
      %get3A_589 = arith.constant 0 : index
      %get3A_590 = arith.constant 0 : index
      %get3A_591 = vector.load %arg10[%get3A_589, %get3A_590] : memref<8x512xf32, #tpu.memory_space<vmem>>, vector<8x512xf32>
      %get3A_592 = arith.index_cast %mul3A_572 : i32 to index
      %get3A_593 = arith.constant 0 : index
      %get3A_594 = vector.load %arg3[%get3A_592, %get3A_593] : memref<512x1xf32, #tpu.memory_space<vmem>>, vector<8x1xf32>
      %slice3A_595 = vector.extract_strided_slice %add3A_585 {offsets = [0, 0], sizes = [8, 512], strides = [1, 1]} : vector<8x2048xf32> to vector<8x512xf32>
      %logistic3A_596 = arith.negf %slice3A_595 : vector<8x512xf32>
      %logistic3A_597 = math.exp %logistic3A_596 : vector<8x512xf32>
      %logistic3A_598 = arith.constant 1.000000e+00 : f32
      %logistic3A_599 = vector.broadcast %logistic3A_598 : f32 to vector<8x512xf32>
      %logistic3A_600 = arith.addf %logistic3A_599, %logistic3A_597 : vector<8x512xf32>
      %logistic3A_601 = arith.divf %logistic3A_599, %logistic3A_600 : vector<8x512xf32>
      %slice3A_602 = vector.extract_strided_slice %add3A_585 {offsets = [0, 512], sizes = [8, 512], strides = [1, 1]} : vector<8x2048xf32> to vector<8x512xf32>
      %logistic3A_603 = arith.negf %slice3A_602 : vector<8x512xf32>
      %logistic3A_604 = math.exp %logistic3A_603 : vector<8x512xf32>
      %logistic3A_605 = arith.constant 1.000000e+00 : f32
      %logistic3A_606 = vector.broadcast %logistic3A_605 : f32 to vector<8x512xf32>
      %logistic3A_607 = arith.addf %logistic3A_606, %logistic3A_604 : vector<8x512xf32>
      %logistic3A_608 = arith.divf %logistic3A_606, %logistic3A_607 : vector<8x512xf32>
      %slice3A_609 = vector.extract_strided_slice %add3A_585 {offsets = [0, 1024], sizes = [8, 512], strides = [1, 1]} : vector<8x2048xf32> to vector<8x512xf32>
      %tanh3A_610 = math.tanh %slice3A_609 : vector<8x512xf32>
      %slice3A_611 = vector.extract_strided_slice %add3A_585 {offsets = [0, 1536], sizes = [8, 512], strides = [1, 1]} : vector<8x2048xf32> to vector<8x512xf32>
      %logistic3A_612 = arith.negf %slice3A_611 : vector<8x512xf32>
      %logistic3A_613 = math.exp %logistic3A_612 : vector<8x512xf32>
      %logistic3A_614 = arith.constant 1.000000e+00 : f32
      %logistic3A_615 = vector.broadcast %logistic3A_614 : f32 to vector<8x512xf32>
      %logistic3A_616 = arith.addf %logistic3A_615, %logistic3A_613 : vector<8x512xf32>
      %logistic3A_617 = arith.divf %logistic3A_615, %logistic3A_616 : vector<8x512xf32>
      %mul3A_618 = arith.mulf %logistic3A_608, %get3A_591 : vector<8x512xf32>
      %mul3A_619 = arith.mulf %logistic3A_601, %tanh3A_610 : vector<8x512xf32>
      %add3A_620 = arith.addf %mul3A_618, %mul3A_619 : vector<8x512xf32>
      %tanh3A_621 = math.tanh %add3A_620 : vector<8x512xf32>
      %mul3A_622 = arith.mulf %logistic3A_617, %tanh3A_621 : vector<8x512xf32>
      %gt3A_623 = arith.constant 5.000000e-01 : f32
      %gt3A_624 = vector.broadcast %gt3A_623 : f32 to vector<8x1xf32>
      %gt3A_625 = arith.cmpf ogt, %get3A_594, %gt3A_624 : vector<8x1xf32>
      %broadcast_in_dim3A_626 = vector.shape_cast %gt3A_625 : vector<8x1xi1> to vector<8x1xi1>
      %broadcast_in_dim3A_627 = vector.broadcast %broadcast_in_dim3A_626 : vector<8x1xi1> to vector<8x512xi1>
      %select_n3A_628 = arith.select %broadcast_in_dim3A_627, %mul3A_622, %get3A_588 : vector<8x512xi1>, vector<8x512xf32>
      %broadcast_in_dim3A_629 = vector.shape_cast %gt3A_625 : vector<8x1xi1> to vector<8x1xi1>
      %broadcast_in_dim3A_630 = vector.broadcast %broadcast_in_dim3A_629 : vector<8x1xi1> to vector<8x512xi1>
      %select_n3A_631 = arith.select %broadcast_in_dim3A_630, %add3A_620, %get3A_591 : vector<8x512xi1>, vector<8x512xf32>
      %swap3A_632 = arith.constant 0 : index
      %swap3A_633 = arith.constant 0 : index
      %swap3A_634 = vector.load %arg9[%swap3A_632, %swap3A_633] : memref<8x512xf32, #tpu.memory_space<vmem>>, vector<8x512xf32>
      tpu.vector_store %arg9[%swap3A_632, %swap3A_633], %select_n3A_628 {strides = array<i32>} : memref<8x512xf32, #tpu.memory_space<vmem>>, vector<8x512xf32>,
      %swap3A_635 = arith.constant 0 : index
      %swap3A_636 = arith.constant 0 : index
      %swap3A_637 = vector.load %arg10[%swap3A_635, %swap3A_636] : memref<8x512xf32, #tpu.memory_space<vmem>>, vector<8x512xf32>
      tpu.vector_store %arg10[%swap3A_635, %swap3A_636], %select_n3A_631 {strides = array<i32>} : memref<8x512xf32, #tpu.memory_space<vmem>>, vector<8x512xf32>,
      %swap3A_638 = arith.index_cast %mul3A_572 : i32 to index
      %swap3A_639 = arith.constant 0 : index
      %swap3A_640 = vector.load %arg7[%swap3A_638, %swap3A_639] : memref<512x512xf32, #tpu.memory_space<vmem>>, vector<8x512xf32>
      tpu.vector_store %arg7[%swap3A_638, %swap3A_639], %select_n3A_628 {strides = array<i32>} : memref<512x512xf32, #tpu.memory_space<vmem>>, vector<8x512xf32>,
      %sub3A_641 = arith.constant 63 : i32
      %sub3A_642 = arith.subi %sub3A_641, %scan3A_570 : i32
      %mul3A_643 = arith.constant 8 : i32
      %mul3A_644 = arith.muli %sub3A_642, %mul3A_643 : i32
      %get3A_645 = arith.index_cast %mul3A_644 : i32 to index
      %get3A_646 = arith.constant 0 : index
      %get3A_647 = vector.load %arg2[%get3A_645, %get3A_646] : memref<512x2048xf32, #tpu.memory_space<vmem>>, vector<8x2048xf32>
      %get3A_648 = arith.constant 0 : index
      %get3A_649 = arith.constant 0 : index
      %get3A_650 = vector.load %arg11[%get3A_648, %get3A_649] : memref<8x512xf32, #tpu.memory_space<vmem>>, vector<8x512xf32>
      %convert_element_type3A_651 = arith.truncf %get3A_650 : vector<8x512xf32> to vector<8x512xbf16>
      %get3A_652 = arith.constant 0 : index
      %get3A_653 = arith.constant 0 : index
      %get3A_654 = vector.load %arg6[%get3A_652, %get3A_653] : memref<512x2048xbf16, #tpu.memory_space<vmem>>, vector<512x2048xbf16>
      %dot_general3A_655 = arith.constant dense<0.000000e+00> : vector<8x2048xf32>
      %dot_general3A_656 = tpu.matmul %convert_element_type3A_651, %get3A_654, %dot_general3A_655 {dimension_numbers = #tpu.dot_dimension_numbers<[1], [0], [0], [1], [0, 0, 1, 1], [], []>, transpose_lhs_hint = false} : vector<8x512xbf16>, vector<512x2048xbf16>, vector<8x2048xf32> -> vector<8x2048xf32>
      %add3A_657 = arith.addf %get3A_647, %dot_general3A_656 : vector<8x2048xf32>
      %get3A_658 = arith.constant 0 : index
      %get3A_659 = arith.constant 0 : index
      %get3A_660 = vector.load %arg11[%get3A_658, %get3A_659] : memref<8x512xf32, #tpu.memory_space<vmem>>, vector<8x512xf32>
      %get3A_661 = arith.constant 0 : index
      %get3A_662 = arith.constant 0 : index
      %get3A_663 = vector.load %arg12[%get3A_661, %get3A_662] : memref<8x512xf32, #tpu.memory_space<vmem>>, vector<8x512xf32>
      %get3A_664 = arith.index_cast %mul3A_644 : i32 to index
      %get3A_665 = arith.constant 0 : index
      %get3A_666 = vector.load %arg4[%get3A_664, %get3A_665] : memref<512x1xf32, #tpu.memory_space<vmem>>, vector<8x1xf32>
      %slice3A_667 = vector.extract_strided_slice %add3A_657 {offsets = [0, 0], sizes = [8, 512], strides = [1, 1]} : vector<8x2048xf32> to vector<8x512xf32>
      %logistic3A_668 = arith.negf %slice3A_667 : vector<8x512xf32>
      %logistic3A_669 = math.exp %logistic3A_668 : vector<8x512xf32>
      %logistic3A_670 = arith.constant 1.000000e+00 : f32
      %logistic3A_671 = vector.broadcast %logistic3A_670 : f32 to vector<8x512xf32>
      %logistic3A_672 = arith.addf %logistic3A_671, %logistic3A_669 : vector<8x512xf32>
      %logistic3A_673 = arith.divf %logistic3A_671, %logistic3A_672 : vector<8x512xf32>
      %slice3A_674 = vector.extract_strided_slice %add3A_657 {offsets = [0, 512], sizes = [8, 512], strides = [1, 1]} : vector<8x2048xf32> to vector<8x512xf32>
      %logistic3A_675 = arith.negf %slice3A_674 : vector<8x512xf32>
      %logistic3A_676 = math.exp %logistic3A_675 : vector<8x512xf32>
      %logistic3A_677 = arith.constant 1.000000e+00 : f32
      %logistic3A_678 = vector.broadcast %logistic3A_677 : f32 to vector<8x512xf32>
      %logistic3A_679 = arith.addf %logistic3A_678, %logistic3A_676 : vector<8x512xf32>
      %logistic3A_680 = arith.divf %logistic3A_678, %logistic3A_679 : vector<8x512xf32>
      %slice3A_681 = vector.extract_strided_slice %add3A_657 {offsets = [0, 1024], sizes = [8, 512], strides = [1, 1]} : vector<8x2048xf32> to vector<8x512xf32>
      %tanh3A_682 = math.tanh %slice3A_681 : vector<8x512xf32>
      %slice3A_683 = vector.extract_strided_slice %add3A_657 {offsets = [0, 1536], sizes = [8, 512], strides = [1, 1]} : vector<8x2048xf32> to vector<8x512xf32>
      %logistic3A_684 = arith.negf %slice3A_683 : vector<8x512xf32>
      %logistic3A_685 = math.exp %logistic3A_684 : vector<8x512xf32>
      %logistic3A_686 = arith.constant 1.000000e+00 : f32
      %logistic3A_687 = vector.broadcast %logistic3A_686 : f32 to vector<8x512xf32>
      %logistic3A_688 = arith.addf %logistic3A_687, %logistic3A_685 : vector<8x512xf32>
      %logistic3A_689 = arith.divf %logistic3A_687, %logistic3A_688 : vector<8x512xf32>
      %mul3A_690 = arith.mulf %logistic3A_680, %get3A_663 : vector<8x512xf32>
      %mul3A_691 = arith.mulf %logistic3A_673, %tanh3A_682 : vector<8x512xf32>
      %add3A_692 = arith.addf %mul3A_690, %mul3A_691 : vector<8x512xf32>
      %tanh3A_693 = math.tanh %add3A_692 : vector<8x512xf32>
      %mul3A_694 = arith.mulf %logistic3A_689, %tanh3A_693 : vector<8x512xf32>
      %gt3A_695 = arith.constant 5.000000e-01 : f32
      %gt3A_696 = vector.broadcast %gt3A_695 : f32 to vector<8x1xf32>
      %gt3A_697 = arith.cmpf ogt, %get3A_666, %gt3A_696 : vector<8x1xf32>
      %broadcast_in_dim3A_698 = vector.shape_cast %gt3A_697 : vector<8x1xi1> to vector<8x1xi1>
      %broadcast_in_dim3A_699 = vector.broadcast %broadcast_in_dim3A_698 : vector<8x1xi1> to vector<8x512xi1>
      %select_n3A_700 = arith.select %broadcast_in_dim3A_699, %mul3A_694, %get3A_660 : vector<8x512xi1>, vector<8x512xf32>
      %broadcast_in_dim3A_701 = vector.shape_cast %gt3A_697 : vector<8x1xi1> to vector<8x1xi1>
      %broadcast_in_dim3A_702 = vector.broadcast %broadcast_in_dim3A_701 : vector<8x1xi1> to vector<8x512xi1>
      %select_n3A_703 = arith.select %broadcast_in_dim3A_702, %add3A_692, %get3A_663 : vector<8x512xi1>, vector<8x512xf32>
      %swap3A_704 = arith.constant 0 : index
      %swap3A_705 = arith.constant 0 : index
      %swap3A_706 = vector.load %arg11[%swap3A_704, %swap3A_705] : memref<8x512xf32, #tpu.memory_space<vmem>>, vector<8x512xf32>
      tpu.vector_store %arg11[%swap3A_704, %swap3A_705], %select_n3A_700 {strides = array<i32>} : memref<8x512xf32, #tpu.memory_space<vmem>>, vector<8x512xf32>,
      %swap3A_707 = arith.constant 0 : index
      %swap3A_708 = arith.constant 0 : index
      %swap3A_709 = vector.load %arg12[%swap3A_707, %swap3A_708] : memref<8x512xf32, #tpu.memory_space<vmem>>, vector<8x512xf32>
      tpu.vector_store %arg12[%swap3A_707, %swap3A_708], %select_n3A_703 {strides = array<i32>} : memref<8x512xf32, #tpu.memory_space<vmem>>, vector<8x512xf32>,
      %swap3A_710 = arith.index_cast %mul3A_644 : i32 to index
      %swap3A_711 = arith.constant 0 : index
      %swap3A_712 = vector.load %arg8[%swap3A_710, %swap3A_711] : memref<512x512xf32, #tpu.memory_space<vmem>>, vector<8x512xf32>
      tpu.vector_store %arg8[%swap3A_710, %swap3A_711], %select_n3A_700 {strides = array<i32>} : memref<512x512xf32, #tpu.memory_space<vmem>>, vector<8x512xf32>,
      %scan3A_713 = arith.constant 5 : i32
      %scan3A_714 = arith.addi %scan3A_6, %scan3A_713 : i32
      %mul3A_715 = arith.constant 8 : i32
      %mul3A_716 = arith.muli %scan3A_714, %mul3A_715 : i32
      %get3A_717 = arith.index_cast %mul3A_716 : i32 to index
      %get3A_718 = arith.constant 0 : index
      %get3A_719 = vector.load %arg1[%get3A_717, %get3A_718] : memref<512x2048xf32, #tpu.memory_space<vmem>>, vector<8x2048xf32>
      %get3A_720 = arith.constant 0 : index
      %get3A_721 = arith.constant 0 : index
      %get3A_722 = vector.load %arg9[%get3A_720, %get3A_721] : memref<8x512xf32, #tpu.memory_space<vmem>>, vector<8x512xf32>
      %convert_element_type3A_723 = arith.truncf %get3A_722 : vector<8x512xf32> to vector<8x512xbf16>
      %get3A_724 = arith.constant 0 : index
      %get3A_725 = arith.constant 0 : index
      %get3A_726 = vector.load %arg5[%get3A_724, %get3A_725] : memref<512x2048xbf16, #tpu.memory_space<vmem>>, vector<512x2048xbf16>
      %dot_general3A_727 = arith.constant dense<0.000000e+00> : vector<8x2048xf32>
      %dot_general3A_728 = tpu.matmul %convert_element_type3A_723, %get3A_726, %dot_general3A_727 {dimension_numbers = #tpu.dot_dimension_numbers<[1], [0], [0], [1], [0, 0, 1, 1], [], []>, transpose_lhs_hint = false} : vector<8x512xbf16>, vector<512x2048xbf16>, vector<8x2048xf32> -> vector<8x2048xf32>
      %add3A_729 = arith.addf %get3A_719, %dot_general3A_728 : vector<8x2048xf32>
      %get3A_730 = arith.constant 0 : index
      %get3A_731 = arith.constant 0 : index
      %get3A_732 = vector.load %arg9[%get3A_730, %get3A_731] : memref<8x512xf32, #tpu.memory_space<vmem>>, vector<8x512xf32>
      %get3A_733 = arith.constant 0 : index
      %get3A_734 = arith.constant 0 : index
      %get3A_735 = vector.load %arg10[%get3A_733, %get3A_734] : memref<8x512xf32, #tpu.memory_space<vmem>>, vector<8x512xf32>
      %get3A_736 = arith.index_cast %mul3A_716 : i32 to index
      %get3A_737 = arith.constant 0 : index
      %get3A_738 = vector.load %arg3[%get3A_736, %get3A_737] : memref<512x1xf32, #tpu.memory_space<vmem>>, vector<8x1xf32>
      %slice3A_739 = vector.extract_strided_slice %add3A_729 {offsets = [0, 0], sizes = [8, 512], strides = [1, 1]} : vector<8x2048xf32> to vector<8x512xf32>
      %logistic3A_740 = arith.negf %slice3A_739 : vector<8x512xf32>
      %logistic3A_741 = math.exp %logistic3A_740 : vector<8x512xf32>
      %logistic3A_742 = arith.constant 1.000000e+00 : f32
      %logistic3A_743 = vector.broadcast %logistic3A_742 : f32 to vector<8x512xf32>
      %logistic3A_744 = arith.addf %logistic3A_743, %logistic3A_741 : vector<8x512xf32>
      %logistic3A_745 = arith.divf %logistic3A_743, %logistic3A_744 : vector<8x512xf32>
      %slice3A_746 = vector.extract_strided_slice %add3A_729 {offsets = [0, 512], sizes = [8, 512], strides = [1, 1]} : vector<8x2048xf32> to vector<8x512xf32>
      %logistic3A_747 = arith.negf %slice3A_746 : vector<8x512xf32>
      %logistic3A_748 = math.exp %logistic3A_747 : vector<8x512xf32>
      %logistic3A_749 = arith.constant 1.000000e+00 : f32
      %logistic3A_750 = vector.broadcast %logistic3A_749 : f32 to vector<8x512xf32>
      %logistic3A_751 = arith.addf %logistic3A_750, %logistic3A_748 : vector<8x512xf32>
      %logistic3A_752 = arith.divf %logistic3A_750, %logistic3A_751 : vector<8x512xf32>
      %slice3A_753 = vector.extract_strided_slice %add3A_729 {offsets = [0, 1024], sizes = [8, 512], strides = [1, 1]} : vector<8x2048xf32> to vector<8x512xf32>
      %tanh3A_754 = math.tanh %slice3A_753 : vector<8x512xf32>
      %slice3A_755 = vector.extract_strided_slice %add3A_729 {offsets = [0, 1536], sizes = [8, 512], strides = [1, 1]} : vector<8x2048xf32> to vector<8x512xf32>
      %logistic3A_756 = arith.negf %slice3A_755 : vector<8x512xf32>
      %logistic3A_757 = math.exp %logistic3A_756 : vector<8x512xf32>
      %logistic3A_758 = arith.constant 1.000000e+00 : f32
      %logistic3A_759 = vector.broadcast %logistic3A_758 : f32 to vector<8x512xf32>
      %logistic3A_760 = arith.addf %logistic3A_759, %logistic3A_757 : vector<8x512xf32>
      %logistic3A_761 = arith.divf %logistic3A_759, %logistic3A_760 : vector<8x512xf32>
      %mul3A_762 = arith.mulf %logistic3A_752, %get3A_735 : vector<8x512xf32>
      %mul3A_763 = arith.mulf %logistic3A_745, %tanh3A_754 : vector<8x512xf32>
      %add3A_764 = arith.addf %mul3A_762, %mul3A_763 : vector<8x512xf32>
      %tanh3A_765 = math.tanh %add3A_764 : vector<8x512xf32>
      %mul3A_766 = arith.mulf %logistic3A_761, %tanh3A_765 : vector<8x512xf32>
      %gt3A_767 = arith.constant 5.000000e-01 : f32
      %gt3A_768 = vector.broadcast %gt3A_767 : f32 to vector<8x1xf32>
      %gt3A_769 = arith.cmpf ogt, %get3A_738, %gt3A_768 : vector<8x1xf32>
      %broadcast_in_dim3A_770 = vector.shape_cast %gt3A_769 : vector<8x1xi1> to vector<8x1xi1>
      %broadcast_in_dim3A_771 = vector.broadcast %broadcast_in_dim3A_770 : vector<8x1xi1> to vector<8x512xi1>
      %select_n3A_772 = arith.select %broadcast_in_dim3A_771, %mul3A_766, %get3A_732 : vector<8x512xi1>, vector<8x512xf32>
      %broadcast_in_dim3A_773 = vector.shape_cast %gt3A_769 : vector<8x1xi1> to vector<8x1xi1>
      %broadcast_in_dim3A_774 = vector.broadcast %broadcast_in_dim3A_773 : vector<8x1xi1> to vector<8x512xi1>
      %select_n3A_775 = arith.select %broadcast_in_dim3A_774, %add3A_764, %get3A_735 : vector<8x512xi1>, vector<8x512xf32>
      %swap3A_776 = arith.constant 0 : index
      %swap3A_777 = arith.constant 0 : index
      %swap3A_778 = vector.load %arg9[%swap3A_776, %swap3A_777] : memref<8x512xf32, #tpu.memory_space<vmem>>, vector<8x512xf32>
      tpu.vector_store %arg9[%swap3A_776, %swap3A_777], %select_n3A_772 {strides = array<i32>} : memref<8x512xf32, #tpu.memory_space<vmem>>, vector<8x512xf32>,
      %swap3A_779 = arith.constant 0 : index
      %swap3A_780 = arith.constant 0 : index
      %swap3A_781 = vector.load %arg10[%swap3A_779, %swap3A_780] : memref<8x512xf32, #tpu.memory_space<vmem>>, vector<8x512xf32>
      tpu.vector_store %arg10[%swap3A_779, %swap3A_780], %select_n3A_775 {strides = array<i32>} : memref<8x512xf32, #tpu.memory_space<vmem>>, vector<8x512xf32>,
      %swap3A_782 = arith.index_cast %mul3A_716 : i32 to index
      %swap3A_783 = arith.constant 0 : index
      %swap3A_784 = vector.load %arg7[%swap3A_782, %swap3A_783] : memref<512x512xf32, #tpu.memory_space<vmem>>, vector<8x512xf32>
      tpu.vector_store %arg7[%swap3A_782, %swap3A_783], %select_n3A_772 {strides = array<i32>} : memref<512x512xf32, #tpu.memory_space<vmem>>, vector<8x512xf32>,
      %sub3A_785 = arith.constant 63 : i32
      %sub3A_786 = arith.subi %sub3A_785, %scan3A_714 : i32
      %mul3A_787 = arith.constant 8 : i32
      %mul3A_788 = arith.muli %sub3A_786, %mul3A_787 : i32
      %get3A_789 = arith.index_cast %mul3A_788 : i32 to index
      %get3A_790 = arith.constant 0 : index
      %get3A_791 = vector.load %arg2[%get3A_789, %get3A_790] : memref<512x2048xf32, #tpu.memory_space<vmem>>, vector<8x2048xf32>
      %get3A_792 = arith.constant 0 : index
      %get3A_793 = arith.constant 0 : index
      %get3A_794 = vector.load %arg11[%get3A_792, %get3A_793] : memref<8x512xf32, #tpu.memory_space<vmem>>, vector<8x512xf32>
      %convert_element_type3A_795 = arith.truncf %get3A_794 : vector<8x512xf32> to vector<8x512xbf16>
      %get3A_796 = arith.constant 0 : index
      %get3A_797 = arith.constant 0 : index
      %get3A_798 = vector.load %arg6[%get3A_796, %get3A_797] : memref<512x2048xbf16, #tpu.memory_space<vmem>>, vector<512x2048xbf16>
      %dot_general3A_799 = arith.constant dense<0.000000e+00> : vector<8x2048xf32>
      %dot_general3A_800 = tpu.matmul %convert_element_type3A_795, %get3A_798, %dot_general3A_799 {dimension_numbers = #tpu.dot_dimension_numbers<[1], [0], [0], [1], [0, 0, 1, 1], [], []>, transpose_lhs_hint = false} : vector<8x512xbf16>, vector<512x2048xbf16>, vector<8x2048xf32> -> vector<8x2048xf32>
      %add3A_801 = arith.addf %get3A_791, %dot_general3A_800 : vector<8x2048xf32>
      %get3A_802 = arith.constant 0 : index
      %get3A_803 = arith.constant 0 : index
      %get3A_804 = vector.load %arg11[%get3A_802, %get3A_803] : memref<8x512xf32, #tpu.memory_space<vmem>>, vector<8x512xf32>
      %get3A_805 = arith.constant 0 : index
      %get3A_806 = arith.constant 0 : index
      %get3A_807 = vector.load %arg12[%get3A_805, %get3A_806] : memref<8x512xf32, #tpu.memory_space<vmem>>, vector<8x512xf32>
      %get3A_808 = arith.index_cast %mul3A_788 : i32 to index
      %get3A_809 = arith.constant 0 : index
      %get3A_810 = vector.load %arg4[%get3A_808, %get3A_809] : memref<512x1xf32, #tpu.memory_space<vmem>>, vector<8x1xf32>
      %slice3A_811 = vector.extract_strided_slice %add3A_801 {offsets = [0, 0], sizes = [8, 512], strides = [1, 1]} : vector<8x2048xf32> to vector<8x512xf32>
      %logistic3A_812 = arith.negf %slice3A_811 : vector<8x512xf32>
      %logistic3A_813 = math.exp %logistic3A_812 : vector<8x512xf32>
      %logistic3A_814 = arith.constant 1.000000e+00 : f32
      %logistic3A_815 = vector.broadcast %logistic3A_814 : f32 to vector<8x512xf32>
      %logistic3A_816 = arith.addf %logistic3A_815, %logistic3A_813 : vector<8x512xf32>
      %logistic3A_817 = arith.divf %logistic3A_815, %logistic3A_816 : vector<8x512xf32>
      %slice3A_818 = vector.extract_strided_slice %add3A_801 {offsets = [0, 512], sizes = [8, 512], strides = [1, 1]} : vector<8x2048xf32> to vector<8x512xf32>
      %logistic3A_819 = arith.negf %slice3A_818 : vector<8x512xf32>
      %logistic3A_820 = math.exp %logistic3A_819 : vector<8x512xf32>
      %logistic3A_821 = arith.constant 1.000000e+00 : f32
      %logistic3A_822 = vector.broadcast %logistic3A_821 : f32 to vector<8x512xf32>
      %logistic3A_823 = arith.addf %logistic3A_822, %logistic3A_820 : vector<8x512xf32>
      %logistic3A_824 = arith.divf %logistic3A_822, %logistic3A_823 : vector<8x512xf32>
      %slice3A_825 = vector.extract_strided_slice %add3A_801 {offsets = [0, 1024], sizes = [8, 512], strides = [1, 1]} : vector<8x2048xf32> to vector<8x512xf32>
      %tanh3A_826 = math.tanh %slice3A_825 : vector<8x512xf32>
      %slice3A_827 = vector.extract_strided_slice %add3A_801 {offsets = [0, 1536], sizes = [8, 512], strides = [1, 1]} : vector<8x2048xf32> to vector<8x512xf32>
      %logistic3A_828 = arith.negf %slice3A_827 : vector<8x512xf32>
      %logistic3A_829 = math.exp %logistic3A_828 : vector<8x512xf32>
      %logistic3A_830 = arith.constant 1.000000e+00 : f32
      %logistic3A_831 = vector.broadcast %logistic3A_830 : f32 to vector<8x512xf32>
      %logistic3A_832 = arith.addf %logistic3A_831, %logistic3A_829 : vector<8x512xf32>
      %logistic3A_833 = arith.divf %logistic3A_831, %logistic3A_832 : vector<8x512xf32>
      %mul3A_834 = arith.mulf %logistic3A_824, %get3A_807 : vector<8x512xf32>
      %mul3A_835 = arith.mulf %logistic3A_817, %tanh3A_826 : vector<8x512xf32>
      %add3A_836 = arith.addf %mul3A_834, %mul3A_835 : vector<8x512xf32>
      %tanh3A_837 = math.tanh %add3A_836 : vector<8x512xf32>
      %mul3A_838 = arith.mulf %logistic3A_833, %tanh3A_837 : vector<8x512xf32>
      %gt3A_839 = arith.constant 5.000000e-01 : f32
      %gt3A_840 = vector.broadcast %gt3A_839 : f32 to vector<8x1xf32>
      %gt3A_841 = arith.cmpf ogt, %get3A_810, %gt3A_840 : vector<8x1xf32>
      %broadcast_in_dim3A_842 = vector.shape_cast %gt3A_841 : vector<8x1xi1> to vector<8x1xi1>
      %broadcast_in_dim3A_843 = vector.broadcast %broadcast_in_dim3A_842 : vector<8x1xi1> to vector<8x512xi1>
      %select_n3A_844 = arith.select %broadcast_in_dim3A_843, %mul3A_838, %get3A_804 : vector<8x512xi1>, vector<8x512xf32>
      %broadcast_in_dim3A_845 = vector.shape_cast %gt3A_841 : vector<8x1xi1> to vector<8x1xi1>
      %broadcast_in_dim3A_846 = vector.broadcast %broadcast_in_dim3A_845 : vector<8x1xi1> to vector<8x512xi1>
      %select_n3A_847 = arith.select %broadcast_in_dim3A_846, %add3A_836, %get3A_807 : vector<8x512xi1>, vector<8x512xf32>
      %swap3A_848 = arith.constant 0 : index
      %swap3A_849 = arith.constant 0 : index
      %swap3A_850 = vector.load %arg11[%swap3A_848, %swap3A_849] : memref<8x512xf32, #tpu.memory_space<vmem>>, vector<8x512xf32>
      tpu.vector_store %arg11[%swap3A_848, %swap3A_849], %select_n3A_844 {strides = array<i32>} : memref<8x512xf32, #tpu.memory_space<vmem>>, vector<8x512xf32>,
      %swap3A_851 = arith.constant 0 : index
      %swap3A_852 = arith.constant 0 : index
      %swap3A_853 = vector.load %arg12[%swap3A_851, %swap3A_852] : memref<8x512xf32, #tpu.memory_space<vmem>>, vector<8x512xf32>
      tpu.vector_store %arg12[%swap3A_851, %swap3A_852], %select_n3A_847 {strides = array<i32>} : memref<8x512xf32, #tpu.memory_space<vmem>>, vector<8x512xf32>,
      %swap3A_854 = arith.index_cast %mul3A_788 : i32 to index
      %swap3A_855 = arith.constant 0 : index
      %swap3A_856 = vector.load %arg8[%swap3A_854, %swap3A_855] : memref<512x512xf32, #tpu.memory_space<vmem>>, vector<8x512xf32>
      tpu.vector_store %arg8[%swap3A_854, %swap3A_855], %select_n3A_844 {strides = array<i32>} : memref<512x512xf32, #tpu.memory_space<vmem>>, vector<8x512xf32>,
      %scan3A_857 = arith.constant 6 : i32
      %scan3A_858 = arith.addi %scan3A_6, %scan3A_857 : i32
      %mul3A_859 = arith.constant 8 : i32
      %mul3A_860 = arith.muli %scan3A_858, %mul3A_859 : i32
      %get3A_861 = arith.index_cast %mul3A_860 : i32 to index
      %get3A_862 = arith.constant 0 : index
      %get3A_863 = vector.load %arg1[%get3A_861, %get3A_862] : memref<512x2048xf32, #tpu.memory_space<vmem>>, vector<8x2048xf32>
      %get3A_864 = arith.constant 0 : index
      %get3A_865 = arith.constant 0 : index
      %get3A_866 = vector.load %arg9[%get3A_864, %get3A_865] : memref<8x512xf32, #tpu.memory_space<vmem>>, vector<8x512xf32>
      %convert_element_type3A_867 = arith.truncf %get3A_866 : vector<8x512xf32> to vector<8x512xbf16>
      %get3A_868 = arith.constant 0 : index
      %get3A_869 = arith.constant 0 : index
      %get3A_870 = vector.load %arg5[%get3A_868, %get3A_869] : memref<512x2048xbf16, #tpu.memory_space<vmem>>, vector<512x2048xbf16>
      %dot_general3A_871 = arith.constant dense<0.000000e+00> : vector<8x2048xf32>
      %dot_general3A_872 = tpu.matmul %convert_element_type3A_867, %get3A_870, %dot_general3A_871 {dimension_numbers = #tpu.dot_dimension_numbers<[1], [0], [0], [1], [0, 0, 1, 1], [], []>, transpose_lhs_hint = false} : vector<8x512xbf16>, vector<512x2048xbf16>, vector<8x2048xf32> -> vector<8x2048xf32>
      %add3A_873 = arith.addf %get3A_863, %dot_general3A_872 : vector<8x2048xf32>
      %get3A_874 = arith.constant 0 : index
      %get3A_875 = arith.constant 0 : index
      %get3A_876 = vector.load %arg9[%get3A_874, %get3A_875] : memref<8x512xf32, #tpu.memory_space<vmem>>, vector<8x512xf32>
      %get3A_877 = arith.constant 0 : index
      %get3A_878 = arith.constant 0 : index
      %get3A_879 = vector.load %arg10[%get3A_877, %get3A_878] : memref<8x512xf32, #tpu.memory_space<vmem>>, vector<8x512xf32>
      %get3A_880 = arith.index_cast %mul3A_860 : i32 to index
      %get3A_881 = arith.constant 0 : index
      %get3A_882 = vector.load %arg3[%get3A_880, %get3A_881] : memref<512x1xf32, #tpu.memory_space<vmem>>, vector<8x1xf32>
      %slice3A_883 = vector.extract_strided_slice %add3A_873 {offsets = [0, 0], sizes = [8, 512], strides = [1, 1]} : vector<8x2048xf32> to vector<8x512xf32>
      %logistic3A_884 = arith.negf %slice3A_883 : vector<8x512xf32>
      %logistic3A_885 = math.exp %logistic3A_884 : vector<8x512xf32>
      %logistic3A_886 = arith.constant 1.000000e+00 : f32
      %logistic3A_887 = vector.broadcast %logistic3A_886 : f32 to vector<8x512xf32>
      %logistic3A_888 = arith.addf %logistic3A_887, %logistic3A_885 : vector<8x512xf32>
      %logistic3A_889 = arith.divf %logistic3A_887, %logistic3A_888 : vector<8x512xf32>
      %slice3A_890 = vector.extract_strided_slice %add3A_873 {offsets = [0, 512], sizes = [8, 512], strides = [1, 1]} : vector<8x2048xf32> to vector<8x512xf32>
      %logistic3A_891 = arith.negf %slice3A_890 : vector<8x512xf32>
      %logistic3A_892 = math.exp %logistic3A_891 : vector<8x512xf32>
      %logistic3A_893 = arith.constant 1.000000e+00 : f32
      %logistic3A_894 = vector.broadcast %logistic3A_893 : f32 to vector<8x512xf32>
      %logistic3A_895 = arith.addf %logistic3A_894, %logistic3A_892 : vector<8x512xf32>
      %logistic3A_896 = arith.divf %logistic3A_894, %logistic3A_895 : vector<8x512xf32>
      %slice3A_897 = vector.extract_strided_slice %add3A_873 {offsets = [0, 1024], sizes = [8, 512], strides = [1, 1]} : vector<8x2048xf32> to vector<8x512xf32>
      %tanh3A_898 = math.tanh %slice3A_897 : vector<8x512xf32>
      %slice3A_899 = vector.extract_strided_slice %add3A_873 {offsets = [0, 1536], sizes = [8, 512], strides = [1, 1]} : vector<8x2048xf32> to vector<8x512xf32>
      %logistic3A_900 = arith.negf %slice3A_899 : vector<8x512xf32>
      %logistic3A_901 = math.exp %logistic3A_900 : vector<8x512xf32>
      %logistic3A_902 = arith.constant 1.000000e+00 : f32
      %logistic3A_903 = vector.broadcast %logistic3A_902 : f32 to vector<8x512xf32>
      %logistic3A_904 = arith.addf %logistic3A_903, %logistic3A_901 : vector<8x512xf32>
      %logistic3A_905 = arith.divf %logistic3A_903, %logistic3A_904 : vector<8x512xf32>
      %mul3A_906 = arith.mulf %logistic3A_896, %get3A_879 : vector<8x512xf32>
      %mul3A_907 = arith.mulf %logistic3A_889, %tanh3A_898 : vector<8x512xf32>
      %add3A_908 = arith.addf %mul3A_906, %mul3A_907 : vector<8x512xf32>
      %tanh3A_909 = math.tanh %add3A_908 : vector<8x512xf32>
      %mul3A_910 = arith.mulf %logistic3A_905, %tanh3A_909 : vector<8x512xf32>
      %gt3A_911 = arith.constant 5.000000e-01 : f32
      %gt3A_912 = vector.broadcast %gt3A_911 : f32 to vector<8x1xf32>
      %gt3A_913 = arith.cmpf ogt, %get3A_882, %gt3A_912 : vector<8x1xf32>
      %broadcast_in_dim3A_914 = vector.shape_cast %gt3A_913 : vector<8x1xi1> to vector<8x1xi1>
      %broadcast_in_dim3A_915 = vector.broadcast %broadcast_in_dim3A_914 : vector<8x1xi1> to vector<8x512xi1>
      %select_n3A_916 = arith.select %broadcast_in_dim3A_915, %mul3A_910, %get3A_876 : vector<8x512xi1>, vector<8x512xf32>
      %broadcast_in_dim3A_917 = vector.shape_cast %gt3A_913 : vector<8x1xi1> to vector<8x1xi1>
      %broadcast_in_dim3A_918 = vector.broadcast %broadcast_in_dim3A_917 : vector<8x1xi1> to vector<8x512xi1>
      %select_n3A_919 = arith.select %broadcast_in_dim3A_918, %add3A_908, %get3A_879 : vector<8x512xi1>, vector<8x512xf32>
      %swap3A_920 = arith.constant 0 : index
      %swap3A_921 = arith.constant 0 : index
      %swap3A_922 = vector.load %arg9[%swap3A_920, %swap3A_921] : memref<8x512xf32, #tpu.memory_space<vmem>>, vector<8x512xf32>
      tpu.vector_store %arg9[%swap3A_920, %swap3A_921], %select_n3A_916 {strides = array<i32>} : memref<8x512xf32, #tpu.memory_space<vmem>>, vector<8x512xf32>,
      %swap3A_923 = arith.constant 0 : index
      %swap3A_924 = arith.constant 0 : index
      %swap3A_925 = vector.load %arg10[%swap3A_923, %swap3A_924] : memref<8x512xf32, #tpu.memory_space<vmem>>, vector<8x512xf32>
      tpu.vector_store %arg10[%swap3A_923, %swap3A_924], %select_n3A_919 {strides = array<i32>} : memref<8x512xf32, #tpu.memory_space<vmem>>, vector<8x512xf32>,
      %swap3A_926 = arith.index_cast %mul3A_860 : i32 to index
      %swap3A_927 = arith.constant 0 : index
      %swap3A_928 = vector.load %arg7[%swap3A_926, %swap3A_927] : memref<512x512xf32, #tpu.memory_space<vmem>>, vector<8x512xf32>
      tpu.vector_store %arg7[%swap3A_926, %swap3A_927], %select_n3A_916 {strides = array<i32>} : memref<512x512xf32, #tpu.memory_space<vmem>>, vector<8x512xf32>,
      %sub3A_929 = arith.constant 63 : i32
      %sub3A_930 = arith.subi %sub3A_929, %scan3A_858 : i32
      %mul3A_931 = arith.constant 8 : i32
      %mul3A_932 = arith.muli %sub3A_930, %mul3A_931 : i32
      %get3A_933 = arith.index_cast %mul3A_932 : i32 to index
      %get3A_934 = arith.constant 0 : index
      %get3A_935 = vector.load %arg2[%get3A_933, %get3A_934] : memref<512x2048xf32, #tpu.memory_space<vmem>>, vector<8x2048xf32>
      %get3A_936 = arith.constant 0 : index
      %get3A_937 = arith.constant 0 : index
      %get3A_938 = vector.load %arg11[%get3A_936, %get3A_937] : memref<8x512xf32, #tpu.memory_space<vmem>>, vector<8x512xf32>
      %convert_element_type3A_939 = arith.truncf %get3A_938 : vector<8x512xf32> to vector<8x512xbf16>
      %get3A_940 = arith.constant 0 : index
      %get3A_941 = arith.constant 0 : index
      %get3A_942 = vector.load %arg6[%get3A_940, %get3A_941] : memref<512x2048xbf16, #tpu.memory_space<vmem>>, vector<512x2048xbf16>
      %dot_general3A_943 = arith.constant dense<0.000000e+00> : vector<8x2048xf32>
      %dot_general3A_944 = tpu.matmul %convert_element_type3A_939, %get3A_942, %dot_general3A_943 {dimension_numbers = #tpu.dot_dimension_numbers<[1], [0], [0], [1], [0, 0, 1, 1], [], []>, transpose_lhs_hint = false} : vector<8x512xbf16>, vector<512x2048xbf16>, vector<8x2048xf32> -> vector<8x2048xf32>
      %add3A_945 = arith.addf %get3A_935, %dot_general3A_944 : vector<8x2048xf32>
      %get3A_946 = arith.constant 0 : index
      %get3A_947 = arith.constant 0 : index
      %get3A_948 = vector.load %arg11[%get3A_946, %get3A_947] : memref<8x512xf32, #tpu.memory_space<vmem>>, vector<8x512xf32>
      %get3A_949 = arith.constant 0 : index
      %get3A_950 = arith.constant 0 : index
      %get3A_951 = vector.load %arg12[%get3A_949, %get3A_950] : memref<8x512xf32, #tpu.memory_space<vmem>>, vector<8x512xf32>
      %get3A_952 = arith.index_cast %mul3A_932 : i32 to index
      %get3A_953 = arith.constant 0 : index
      %get3A_954 = vector.load %arg4[%get3A_952, %get3A_953] : memref<512x1xf32, #tpu.memory_space<vmem>>, vector<8x1xf32>
      %slice3A_955 = vector.extract_strided_slice %add3A_945 {offsets = [0, 0], sizes = [8, 512], strides = [1, 1]} : vector<8x2048xf32> to vector<8x512xf32>
      %logistic3A_956 = arith.negf %slice3A_955 : vector<8x512xf32>
      %logistic3A_957 = math.exp %logistic3A_956 : vector<8x512xf32>
      %logistic3A_958 = arith.constant 1.000000e+00 : f32
      %logistic3A_959 = vector.broadcast %logistic3A_958 : f32 to vector<8x512xf32>
      %logistic3A_960 = arith.addf %logistic3A_959, %logistic3A_957 : vector<8x512xf32>
      %logistic3A_961 = arith.divf %logistic3A_959, %logistic3A_960 : vector<8x512xf32>
      %slice3A_962 = vector.extract_strided_slice %add3A_945 {offsets = [0, 512], sizes = [8, 512], strides = [1, 1]} : vector<8x2048xf32> to vector<8x512xf32>
      %logistic3A_963 = arith.negf %slice3A_962 : vector<8x512xf32>
      %logistic3A_964 = math.exp %logistic3A_963 : vector<8x512xf32>
      %logistic3A_965 = arith.constant 1.000000e+00 : f32
      %logistic3A_966 = vector.broadcast %logistic3A_965 : f32 to vector<8x512xf32>
      %logistic3A_967 = arith.addf %logistic3A_966, %logistic3A_964 : vector<8x512xf32>
      %logistic3A_968 = arith.divf %logistic3A_966, %logistic3A_967 : vector<8x512xf32>
      %slice3A_969 = vector.extract_strided_slice %add3A_945 {offsets = [0, 1024], sizes = [8, 512], strides = [1, 1]} : vector<8x2048xf32> to vector<8x512xf32>
      %tanh3A_970 = math.tanh %slice3A_969 : vector<8x512xf32>
      %slice3A_971 = vector.extract_strided_slice %add3A_945 {offsets = [0, 1536], sizes = [8, 512], strides = [1, 1]} : vector<8x2048xf32> to vector<8x512xf32>
      %logistic3A_972 = arith.negf %slice3A_971 : vector<8x512xf32>
      %logistic3A_973 = math.exp %logistic3A_972 : vector<8x512xf32>
      %logistic3A_974 = arith.constant 1.000000e+00 : f32
      %logistic3A_975 = vector.broadcast %logistic3A_974 : f32 to vector<8x512xf32>
      %logistic3A_976 = arith.addf %logistic3A_975, %logistic3A_973 : vector<8x512xf32>
      %logistic3A_977 = arith.divf %logistic3A_975, %logistic3A_976 : vector<8x512xf32>
      %mul3A_978 = arith.mulf %logistic3A_968, %get3A_951 : vector<8x512xf32>
      %mul3A_979 = arith.mulf %logistic3A_961, %tanh3A_970 : vector<8x512xf32>
      %add3A_980 = arith.addf %mul3A_978, %mul3A_979 : vector<8x512xf32>
      %tanh3A_981 = math.tanh %add3A_980 : vector<8x512xf32>
      %mul3A_982 = arith.mulf %logistic3A_977, %tanh3A_981 : vector<8x512xf32>
      %gt3A_983 = arith.constant 5.000000e-01 : f32
      %gt3A_984 = vector.broadcast %gt3A_983 : f32 to vector<8x1xf32>
      %gt3A_985 = arith.cmpf ogt, %get3A_954, %gt3A_984 : vector<8x1xf32>
      %broadcast_in_dim3A_986 = vector.shape_cast %gt3A_985 : vector<8x1xi1> to vector<8x1xi1>
      %broadcast_in_dim3A_987 = vector.broadcast %broadcast_in_dim3A_986 : vector<8x1xi1> to vector<8x512xi1>
      %select_n3A_988 = arith.select %broadcast_in_dim3A_987, %mul3A_982, %get3A_948 : vector<8x512xi1>, vector<8x512xf32>
      %broadcast_in_dim3A_989 = vector.shape_cast %gt3A_985 : vector<8x1xi1> to vector<8x1xi1>
      %broadcast_in_dim3A_990 = vector.broadcast %broadcast_in_dim3A_989 : vector<8x1xi1> to vector<8x512xi1>
      %select_n3A_991 = arith.select %broadcast_in_dim3A_990, %add3A_980, %get3A_951 : vector<8x512xi1>, vector<8x512xf32>
      %swap3A_992 = arith.constant 0 : index
      %swap3A_993 = arith.constant 0 : index
      %swap3A_994 = vector.load %arg11[%swap3A_992, %swap3A_993] : memref<8x512xf32, #tpu.memory_space<vmem>>, vector<8x512xf32>
      tpu.vector_store %arg11[%swap3A_992, %swap3A_993], %select_n3A_988 {strides = array<i32>} : memref<8x512xf32, #tpu.memory_space<vmem>>, vector<8x512xf32>,
      %swap3A_995 = arith.constant 0 : index
      %swap3A_996 = arith.constant 0 : index
      %swap3A_997 = vector.load %arg12[%swap3A_995, %swap3A_996] : memref<8x512xf32, #tpu.memory_space<vmem>>, vector<8x512xf32>
      tpu.vector_store %arg12[%swap3A_995, %swap3A_996], %select_n3A_991 {strides = array<i32>} : memref<8x512xf32, #tpu.memory_space<vmem>>, vector<8x512xf32>,
      %swap3A_998 = arith.index_cast %mul3A_932 : i32 to index
      %swap3A_999 = arith.constant 0 : index
      %swap3A_1000 = vector.load %arg8[%swap3A_998, %swap3A_999] : memref<512x512xf32, #tpu.memory_space<vmem>>, vector<8x512xf32>
      tpu.vector_store %arg8[%swap3A_998, %swap3A_999], %select_n3A_988 {strides = array<i32>} : memref<512x512xf32, #tpu.memory_space<vmem>>, vector<8x512xf32>,
      %scan3A_1001 = arith.constant 7 : i32
      %scan3A_1002 = arith.addi %scan3A_6, %scan3A_1001 : i32
      %mul3A_1003 = arith.constant 8 : i32
      %mul3A_1004 = arith.muli %scan3A_1002, %mul3A_1003 : i32
      %get3A_1005 = arith.index_cast %mul3A_1004 : i32 to index
      %get3A_1006 = arith.constant 0 : index
      %get3A_1007 = vector.load %arg1[%get3A_1005, %get3A_1006] : memref<512x2048xf32, #tpu.memory_space<vmem>>, vector<8x2048xf32>
      %get3A_1008 = arith.constant 0 : index
      %get3A_1009 = arith.constant 0 : index
      %get3A_1010 = vector.load %arg9[%get3A_1008, %get3A_1009] : memref<8x512xf32, #tpu.memory_space<vmem>>, vector<8x512xf32>
      %convert_element_type3A_1011 = arith.truncf %get3A_1010 : vector<8x512xf32> to vector<8x512xbf16>
      %get3A_1012 = arith.constant 0 : index
      %get3A_1013 = arith.constant 0 : index
      %get3A_1014 = vector.load %arg5[%get3A_1012, %get3A_1013] : memref<512x2048xbf16, #tpu.memory_space<vmem>>, vector<512x2048xbf16>
      %dot_general3A_1015 = arith.constant dense<0.000000e+00> : vector<8x2048xf32>
      %dot_general3A_1016 = tpu.matmul %convert_element_type3A_1011, %get3A_1014, %dot_general3A_1015 {dimension_numbers = #tpu.dot_dimension_numbers<[1], [0], [0], [1], [0, 0, 1, 1], [], []>, transpose_lhs_hint = false} : vector<8x512xbf16>, vector<512x2048xbf16>, vector<8x2048xf32> -> vector<8x2048xf32>
      %add3A_1017 = arith.addf %get3A_1007, %dot_general3A_1016 : vector<8x2048xf32>
      %get3A_1018 = arith.constant 0 : index
      %get3A_1019 = arith.constant 0 : index
      %get3A_1020 = vector.load %arg9[%get3A_1018, %get3A_1019] : memref<8x512xf32, #tpu.memory_space<vmem>>, vector<8x512xf32>
      %get3A_1021 = arith.constant 0 : index
      %get3A_1022 = arith.constant 0 : index
      %get3A_1023 = vector.load %arg10[%get3A_1021, %get3A_1022] : memref<8x512xf32, #tpu.memory_space<vmem>>, vector<8x512xf32>
      %get3A_1024 = arith.index_cast %mul3A_1004 : i32 to index
      %get3A_1025 = arith.constant 0 : index
      %get3A_1026 = vector.load %arg3[%get3A_1024, %get3A_1025] : memref<512x1xf32, #tpu.memory_space<vmem>>, vector<8x1xf32>
      %slice3A_1027 = vector.extract_strided_slice %add3A_1017 {offsets = [0, 0], sizes = [8, 512], strides = [1, 1]} : vector<8x2048xf32> to vector<8x512xf32>
      %logistic3A_1028 = arith.negf %slice3A_1027 : vector<8x512xf32>
      %logistic3A_1029 = math.exp %logistic3A_1028 : vector<8x512xf32>
      %logistic3A_1030 = arith.constant 1.000000e+00 : f32
      %logistic3A_1031 = vector.broadcast %logistic3A_1030 : f32 to vector<8x512xf32>
      %logistic3A_1032 = arith.addf %logistic3A_1031, %logistic3A_1029 : vector<8x512xf32>
      %logistic3A_1033 = arith.divf %logistic3A_1031, %logistic3A_1032 : vector<8x512xf32>
      %slice3A_1034 = vector.extract_strided_slice %add3A_1017 {offsets = [0, 512], sizes = [8, 512], strides = [1, 1]} : vector<8x2048xf32> to vector<8x512xf32>
      %logistic3A_1035 = arith.negf %slice3A_1034 : vector<8x512xf32>
      %logistic3A_1036 = math.exp %logistic3A_1035 : vector<8x512xf32>
      %logistic3A_1037 = arith.constant 1.000000e+00 : f32
      %logistic3A_1038 = vector.broadcast %logistic3A_1037 : f32 to vector<8x512xf32>
      %logistic3A_1039 = arith.addf %logistic3A_1038, %logistic3A_1036 : vector<8x512xf32>
      %logistic3A_1040 = arith.divf %logistic3A_1038, %logistic3A_1039 : vector<8x512xf32>
      %slice3A_1041 = vector.extract_strided_slice %add3A_1017 {offsets = [0, 1024], sizes = [8, 512], strides = [1, 1]} : vector<8x2048xf32> to vector<8x512xf32>
      %tanh3A_1042 = math.tanh %slice3A_1041 : vector<8x512xf32>
      %slice3A_1043 = vector.extract_strided_slice %add3A_1017 {offsets = [0, 1536], sizes = [8, 512], strides = [1, 1]} : vector<8x2048xf32> to vector<8x512xf32>
      %logistic3A_1044 = arith.negf %slice3A_1043 : vector<8x512xf32>
      %logistic3A_1045 = math.exp %logistic3A_1044 : vector<8x512xf32>
      %logistic3A_1046 = arith.constant 1.000000e+00 : f32
      %logistic3A_1047 = vector.broadcast %logistic3A_1046 : f32 to vector<8x512xf32>
      %logistic3A_1048 = arith.addf %logistic3A_1047, %logistic3A_1045 : vector<8x512xf32>
      %logistic3A_1049 = arith.divf %logistic3A_1047, %logistic3A_1048 : vector<8x512xf32>
      %mul3A_1050 = arith.mulf %logistic3A_1040, %get3A_1023 : vector<8x512xf32>
      %mul3A_1051 = arith.mulf %logistic3A_1033, %tanh3A_1042 : vector<8x512xf32>
      %add3A_1052 = arith.addf %mul3A_1050, %mul3A_1051 : vector<8x512xf32>
      %tanh3A_1053 = math.tanh %add3A_1052 : vector<8x512xf32>
      %mul3A_1054 = arith.mulf %logistic3A_1049, %tanh3A_1053 : vector<8x512xf32>
      %gt3A_1055 = arith.constant 5.000000e-01 : f32
      %gt3A_1056 = vector.broadcast %gt3A_1055 : f32 to vector<8x1xf32>
      %gt3A_1057 = arith.cmpf ogt, %get3A_1026, %gt3A_1056 : vector<8x1xf32>
      %broadcast_in_dim3A_1058 = vector.shape_cast %gt3A_1057 : vector<8x1xi1> to vector<8x1xi1>
      %broadcast_in_dim3A_1059 = vector.broadcast %broadcast_in_dim3A_1058 : vector<8x1xi1> to vector<8x512xi1>
      %select_n3A_1060 = arith.select %broadcast_in_dim3A_1059, %mul3A_1054, %get3A_1020 : vector<8x512xi1>, vector<8x512xf32>
      %broadcast_in_dim3A_1061 = vector.shape_cast %gt3A_1057 : vector<8x1xi1> to vector<8x1xi1>
      %broadcast_in_dim3A_1062 = vector.broadcast %broadcast_in_dim3A_1061 : vector<8x1xi1> to vector<8x512xi1>
      %select_n3A_1063 = arith.select %broadcast_in_dim3A_1062, %add3A_1052, %get3A_1023 : vector<8x512xi1>, vector<8x512xf32>
      %swap3A_1064 = arith.constant 0 : index
      %swap3A_1065 = arith.constant 0 : index
      %swap3A_1066 = vector.load %arg9[%swap3A_1064, %swap3A_1065] : memref<8x512xf32, #tpu.memory_space<vmem>>, vector<8x512xf32>
      tpu.vector_store %arg9[%swap3A_1064, %swap3A_1065], %select_n3A_1060 {strides = array<i32>} : memref<8x512xf32, #tpu.memory_space<vmem>>, vector<8x512xf32>,
      %swap3A_1067 = arith.constant 0 : index
      %swap3A_1068 = arith.constant 0 : index
      %swap3A_1069 = vector.load %arg10[%swap3A_1067, %swap3A_1068] : memref<8x512xf32, #tpu.memory_space<vmem>>, vector<8x512xf32>
      tpu.vector_store %arg10[%swap3A_1067, %swap3A_1068], %select_n3A_1063 {strides = array<i32>} : memref<8x512xf32, #tpu.memory_space<vmem>>, vector<8x512xf32>,
      %swap3A_1070 = arith.index_cast %mul3A_1004 : i32 to index
      %swap3A_1071 = arith.constant 0 : index
      %swap3A_1072 = vector.load %arg7[%swap3A_1070, %swap3A_1071] : memref<512x512xf32, #tpu.memory_space<vmem>>, vector<8x512xf32>
      tpu.vector_store %arg7[%swap3A_1070, %swap3A_1071], %select_n3A_1060 {strides = array<i32>} : memref<512x512xf32, #tpu.memory_space<vmem>>, vector<8x512xf32>,
      %sub3A_1073 = arith.constant 63 : i32
      %sub3A_1074 = arith.subi %sub3A_1073, %scan3A_1002 : i32
      %mul3A_1075 = arith.constant 8 : i32
      %mul3A_1076 = arith.muli %sub3A_1074, %mul3A_1075 : i32
      %get3A_1077 = arith.index_cast %mul3A_1076 : i32 to index
      %get3A_1078 = arith.constant 0 : index
      %get3A_1079 = vector.load %arg2[%get3A_1077, %get3A_1078] : memref<512x2048xf32, #tpu.memory_space<vmem>>, vector<8x2048xf32>
      %get3A_1080 = arith.constant 0 : index
      %get3A_1081 = arith.constant 0 : index
      %get3A_1082 = vector.load %arg11[%get3A_1080, %get3A_1081] : memref<8x512xf32, #tpu.memory_space<vmem>>, vector<8x512xf32>
      %convert_element_type3A_1083 = arith.truncf %get3A_1082 : vector<8x512xf32> to vector<8x512xbf16>
      %get3A_1084 = arith.constant 0 : index
      %get3A_1085 = arith.constant 0 : index
      %get3A_1086 = vector.load %arg6[%get3A_1084, %get3A_1085] : memref<512x2048xbf16, #tpu.memory_space<vmem>>, vector<512x2048xbf16>
      %dot_general3A_1087 = arith.constant dense<0.000000e+00> : vector<8x2048xf32>
      %dot_general3A_1088 = tpu.matmul %convert_element_type3A_1083, %get3A_1086, %dot_general3A_1087 {dimension_numbers = #tpu.dot_dimension_numbers<[1], [0], [0], [1], [0, 0, 1, 1], [], []>, transpose_lhs_hint = false} : vector<8x512xbf16>, vector<512x2048xbf16>, vector<8x2048xf32> -> vector<8x2048xf32>
      %add3A_1089 = arith.addf %get3A_1079, %dot_general3A_1088 : vector<8x2048xf32>
      %get3A_1090 = arith.constant 0 : index
      %get3A_1091 = arith.constant 0 : index
      %get3A_1092 = vector.load %arg11[%get3A_1090, %get3A_1091] : memref<8x512xf32, #tpu.memory_space<vmem>>, vector<8x512xf32>
      %get3A_1093 = arith.constant 0 : index
      %get3A_1094 = arith.constant 0 : index
      %get3A_1095 = vector.load %arg12[%get3A_1093, %get3A_1094] : memref<8x512xf32, #tpu.memory_space<vmem>>, vector<8x512xf32>
      %get3A_1096 = arith.index_cast %mul3A_1076 : i32 to index
      %get3A_1097 = arith.constant 0 : index
      %get3A_1098 = vector.load %arg4[%get3A_1096, %get3A_1097] : memref<512x1xf32, #tpu.memory_space<vmem>>, vector<8x1xf32>
      %slice3A_1099 = vector.extract_strided_slice %add3A_1089 {offsets = [0, 0], sizes = [8, 512], strides = [1, 1]} : vector<8x2048xf32> to vector<8x512xf32>
      %logistic3A_1100 = arith.negf %slice3A_1099 : vector<8x512xf32>
      %logistic3A_1101 = math.exp %logistic3A_1100 : vector<8x512xf32>
      %logistic3A_1102 = arith.constant 1.000000e+00 : f32
      %logistic3A_1103 = vector.broadcast %logistic3A_1102 : f32 to vector<8x512xf32>
      %logistic3A_1104 = arith.addf %logistic3A_1103, %logistic3A_1101 : vector<8x512xf32>
      %logistic3A_1105 = arith.divf %logistic3A_1103, %logistic3A_1104 : vector<8x512xf32>
      %slice3A_1106 = vector.extract_strided_slice %add3A_1089 {offsets = [0, 512], sizes = [8, 512], strides = [1, 1]} : vector<8x2048xf32> to vector<8x512xf32>
      %logistic3A_1107 = arith.negf %slice3A_1106 : vector<8x512xf32>
      %logistic3A_1108 = math.exp %logistic3A_1107 : vector<8x512xf32>
      %logistic3A_1109 = arith.constant 1.000000e+00 : f32
      %logistic3A_1110 = vector.broadcast %logistic3A_1109 : f32 to vector<8x512xf32>
      %logistic3A_1111 = arith.addf %logistic3A_1110, %logistic3A_1108 : vector<8x512xf32>
      %logistic3A_1112 = arith.divf %logistic3A_1110, %logistic3A_1111 : vector<8x512xf32>
      %slice3A_1113 = vector.extract_strided_slice %add3A_1089 {offsets = [0, 1024], sizes = [8, 512], strides = [1, 1]} : vector<8x2048xf32> to vector<8x512xf32>
      %tanh3A_1114 = math.tanh %slice3A_1113 : vector<8x512xf32>
      %slice3A_1115 = vector.extract_strided_slice %add3A_1089 {offsets = [0, 1536], sizes = [8, 512], strides = [1, 1]} : vector<8x2048xf32> to vector<8x512xf32>
      %logistic3A_1116 = arith.negf %slice3A_1115 : vector<8x512xf32>
      %logistic3A_1117 = math.exp %logistic3A_1116 : vector<8x512xf32>
      %logistic3A_1118 = arith.constant 1.000000e+00 : f32
      %logistic3A_1119 = vector.broadcast %logistic3A_1118 : f32 to vector<8x512xf32>
      %logistic3A_1120 = arith.addf %logistic3A_1119, %logistic3A_1117 : vector<8x512xf32>
      %logistic3A_1121 = arith.divf %logistic3A_1119, %logistic3A_1120 : vector<8x512xf32>
      %mul3A_1122 = arith.mulf %logistic3A_1112, %get3A_1095 : vector<8x512xf32>
      %mul3A_1123 = arith.mulf %logistic3A_1105, %tanh3A_1114 : vector<8x512xf32>
      %add3A_1124 = arith.addf %mul3A_1122, %mul3A_1123 : vector<8x512xf32>
      %tanh3A_1125 = math.tanh %add3A_1124 : vector<8x512xf32>
      %mul3A_1126 = arith.mulf %logistic3A_1121, %tanh3A_1125 : vector<8x512xf32>
      %gt3A_1127 = arith.constant 5.000000e-01 : f32
      %gt3A_1128 = vector.broadcast %gt3A_1127 : f32 to vector<8x1xf32>
      %gt3A_1129 = arith.cmpf ogt, %get3A_1098, %gt3A_1128 : vector<8x1xf32>
      %broadcast_in_dim3A_1130 = vector.shape_cast %gt3A_1129 : vector<8x1xi1> to vector<8x1xi1>
      %broadcast_in_dim3A_1131 = vector.broadcast %broadcast_in_dim3A_1130 : vector<8x1xi1> to vector<8x512xi1>
      %select_n3A_1132 = arith.select %broadcast_in_dim3A_1131, %mul3A_1126, %get3A_1092 : vector<8x512xi1>, vector<8x512xf32>
      %broadcast_in_dim3A_1133 = vector.shape_cast %gt3A_1129 : vector<8x1xi1> to vector<8x1xi1>
      %broadcast_in_dim3A_1134 = vector.broadcast %broadcast_in_dim3A_1133 : vector<8x1xi1> to vector<8x512xi1>
      %select_n3A_1135 = arith.select %broadcast_in_dim3A_1134, %add3A_1124, %get3A_1095 : vector<8x512xi1>, vector<8x512xf32>
      %swap3A_1136 = arith.constant 0 : index
      %swap3A_1137 = arith.constant 0 : index
      %swap3A_1138 = vector.load %arg11[%swap3A_1136, %swap3A_1137] : memref<8x512xf32, #tpu.memory_space<vmem>>, vector<8x512xf32>
      tpu.vector_store %arg11[%swap3A_1136, %swap3A_1137], %select_n3A_1132 {strides = array<i32>} : memref<8x512xf32, #tpu.memory_space<vmem>>, vector<8x512xf32>,
      %swap3A_1139 = arith.constant 0 : index
      %swap3A_1140 = arith.constant 0 : index
      %swap3A_1141 = vector.load %arg12[%swap3A_1139, %swap3A_1140] : memref<8x512xf32, #tpu.memory_space<vmem>>, vector<8x512xf32>
      tpu.vector_store %arg12[%swap3A_1139, %swap3A_1140], %select_n3A_1135 {strides = array<i32>} : memref<8x512xf32, #tpu.memory_space<vmem>>, vector<8x512xf32>,
      %swap3A_1142 = arith.index_cast %mul3A_1076 : i32 to index
      %swap3A_1143 = arith.constant 0 : index
      %swap3A_1144 = vector.load %arg8[%swap3A_1142, %swap3A_1143] : memref<512x512xf32, #tpu.memory_space<vmem>>, vector<8x512xf32>
      tpu.vector_store %arg8[%swap3A_1142, %swap3A_1143], %select_n3A_1132 {strides = array<i32>} : memref<512x512xf32, #tpu.memory_space<vmem>>, vector<8x512xf32>,
    }
    %scan3A_5 = arith.constant 64 : i32
    return
  }
  func.func @transform_0(%arg0: i32) -> (i32, i32) {
    %c0_i32 = arith.constant 0 : i32
    %c0_i32_0 = arith.constant 0 : i32
    return %arg0, %c0_i32 : i32, i32
  }
  func.func @transform_1(%arg0: i32) -> (i32, i32) {
    %sub3A = arith.constant 7 : i32
    %sub3A_0 = arith.subi %sub3A, %arg0 : i32
    %c0_i32 = arith.constant 0 : i32
    %c0_i32_1 = arith.constant 0 : i32
    return %sub3A_0, %c0_i32 : i32, i32
  }
  func.func @transform_2(%arg0: i32) -> (i32, i32) {
    %c0_i32 = arith.constant 0 : i32
    %c0_i32_0 = arith.constant 0 : i32
    return %arg0, %c0_i32 : i32, i32
  }
  func.func @transform_3(%arg0: i32) -> (i32, i32) {
    %sub3A = arith.constant 7 : i32
    %sub3A_0 = arith.subi %sub3A, %arg0 : i32
    %c0_i32 = arith.constant 0 : i32
    %c0_i32_1 = arith.constant 0 : i32
    return %sub3A_0, %c0_i32 : i32, i32
  }
  func.func @transform_4(%arg0: i32) -> (i32, i32) {
    %c0_i32 = arith.constant 0 : i32
    %c0_i32_0 = arith.constant 0 : i32
    %c0_i32_1 = arith.constant 0 : i32
    return %c0_i32, %c0_i32_0 : i32, i32
  }
  func.func @transform_5(%arg0: i32) -> (i32, i32) {
    %c0_i32 = arith.constant 0 : i32
    %c0_i32_0 = arith.constant 0 : i32
    %c0_i32_1 = arith.constant 0 : i32
    return %c0_i32, %c0_i32_0 : i32, i32
  }
  func.func @transform_6(%arg0: i32) -> (i32, i32) {
    %c0_i32 = arith.constant 0 : i32
    %c0_i32_0 = arith.constant 0 : i32
    return %arg0, %c0_i32 : i32, i32
  }
  func.func @transform_7(%arg0: i32) -> (i32, i32) {
    %sub3A = arith.constant 7 : i32
    %sub3A_0 = arith.subi %sub3A, %arg0 : i32
    %c0_i32 = arith.constant 0 : i32
    %c0_i32_1 = arith.constant 0 : i32
    return %sub3A_0, %c0_i32 : i32, i32
  }
}

module attributes {stable_mosaic.version = 14 : i64} {
  func.func @body(%arg0: i32, %arg1: memref<512x512xf32, #tpu.memory_space<vmem>>, %arg2: memref<512x512xf32, #tpu.memory_space<vmem>>, %arg3: memref<2x512x2048xbf16, #tpu.memory_space<vmem>>, %arg4: memref<2x512x2048xbf16, #tpu.memory_space<vmem>>, %arg5: memref<2x2048xf32, #tpu.memory_space<vmem>>, %arg6: memref<512x2048xf32, #tpu.memory_space<vmem>>, %arg7: memref<512x2048xf32, #tpu.memory_space<vmem>>) attributes {dimension_semantics = [#tpu.dimension_semantics<arbitrary>], iteration_bounds = array<i64: 8>, scalar_prefetch = 0 : i64, scratch_operands = 0 : i64, tpu.core_type = #tpu.core_type<tc>, window_params = [{transform_indices = @transform_0, window_bounds = array<i64: 512, 512>}, {transform_indices = @transform_1, window_bounds = array<i64: 512, 512>}, {pipeline_mode = #tpu.pipeline_mode<synchronous>, transform_indices = @transform_2, window_bounds = array<i64: 2, 512, 2048>}, {pipeline_mode = #tpu.pipeline_mode<synchronous>, transform_indices = @transform_3, window_bounds = array<i64: 2, 512, 2048>}, {pipeline_mode = #tpu.pipeline_mode<synchronous>, transform_indices = @transform_4, window_bounds = array<i64: 2, 2048>}, {transform_indices = @transform_5, window_bounds = array<i64: 512, 2048>}, {transform_indices = @transform_6, window_bounds = array<i64: 512, 2048>}]} {
    %get3A = arith.constant 0 : index
    %get3A_0 = arith.constant 0 : index
    %get3A_1 = vector.load %arg1[%get3A, %get3A_0] : memref<512x512xf32, #tpu.memory_space<vmem>>, vector<512x512xf32>
    %convert_element_type3A = arith.truncf %get3A_1 : vector<512x512xf32> to vector<512x512xbf16>
    %get3A_2 = arith.constant 0 : index
    %get3A_3 = arith.constant 0 : index
    %get3A_4 = vector.load %arg2[%get3A_2, %get3A_3] : memref<512x512xf32, #tpu.memory_space<vmem>>, vector<512x512xf32>
    %convert_element_type3A_5 = arith.truncf %get3A_4 : vector<512x512xf32> to vector<512x512xbf16>
    %get3A_6 = arith.constant 0 : index
    %get3A_7 = arith.constant 0 : index
    %get3A_8 = arith.constant 0 : index
    %get3A_9 = vector.load %arg3[%get3A_6, %get3A_7, %get3A_8] : memref<2x512x2048xbf16, #tpu.memory_space<vmem>>, vector<1x512x2048xbf16>
    %get3A_10 = vector.shape_cast %get3A_9 : vector<1x512x2048xbf16> to vector<512x2048xbf16>
    %dot_general3A = arith.constant dense<0.000000e+00> : vector<512x2048xf32>
    %dot_general3A_11 = tpu.matmul %convert_element_type3A, %get3A_10, %dot_general3A {dimension_numbers = #tpu.dot_dimension_numbers<[1], [0], [0], [1], [0, 0, 1, 1], [], []>, transpose_lhs_hint = false} : vector<512x512xbf16>, vector<512x2048xbf16>, vector<512x2048xf32> -> vector<512x2048xf32>
    %get3A_12 = arith.constant 0 : index
    %get3A_13 = arith.constant 0 : index
    %get3A_14 = arith.constant 0 : index
    %get3A_15 = vector.load %arg4[%get3A_12, %get3A_13, %get3A_14] : memref<2x512x2048xbf16, #tpu.memory_space<vmem>>, vector<1x512x2048xbf16>
    %get3A_16 = vector.shape_cast %get3A_15 : vector<1x512x2048xbf16> to vector<512x2048xbf16>
    %dot_general3A_17 = arith.constant dense<0.000000e+00> : vector<512x2048xf32>
    %dot_general3A_18 = tpu.matmul %convert_element_type3A_5, %get3A_16, %dot_general3A_17 {dimension_numbers = #tpu.dot_dimension_numbers<[1], [0], [0], [1], [0, 0, 1, 1], [], []>, transpose_lhs_hint = false} : vector<512x512xbf16>, vector<512x2048xbf16>, vector<512x2048xf32> -> vector<512x2048xf32>
    %add3A = arith.addf %dot_general3A_11, %dot_general3A_18 : vector<512x2048xf32>
    %get3A_19 = arith.constant 0 : index
    %get3A_20 = arith.constant 0 : index
    %get3A_21 = vector.load %arg5[%get3A_19, %get3A_20] : memref<2x2048xf32, #tpu.memory_space<vmem>>, vector<1x2048xf32>
    %add3A_22 = vector.broadcast %get3A_21 : vector<1x2048xf32> to vector<512x2048xf32>
    %add3A_23 = arith.addf %add3A, %add3A_22 : vector<512x2048xf32>
    %swap3A = arith.constant 0 : index
    %swap3A_24 = arith.constant 0 : index
    %swap3A_25 = vector.load %arg6[%swap3A, %swap3A_24] : memref<512x2048xf32, #tpu.memory_space<vmem>>, vector<512x2048xf32>
    tpu.vector_store %arg6[%swap3A, %swap3A_24], %add3A_23 {strides = array<i32>} : memref<512x2048xf32, #tpu.memory_space<vmem>>, vector<512x2048xf32>,
    %get3A_26 = arith.constant 1 : index
    %get3A_27 = arith.constant 0 : index
    %get3A_28 = arith.constant 0 : index
    %get3A_29 = vector.load %arg3[%get3A_26, %get3A_27, %get3A_28] : memref<2x512x2048xbf16, #tpu.memory_space<vmem>>, vector<1x512x2048xbf16>
    %get3A_30 = vector.shape_cast %get3A_29 : vector<1x512x2048xbf16> to vector<512x2048xbf16>
    %dot_general3A_31 = arith.constant dense<0.000000e+00> : vector<512x2048xf32>
    %dot_general3A_32 = tpu.matmul %convert_element_type3A, %get3A_30, %dot_general3A_31 {dimension_numbers = #tpu.dot_dimension_numbers<[1], [0], [0], [1], [0, 0, 1, 1], [], []>, transpose_lhs_hint = false} : vector<512x512xbf16>, vector<512x2048xbf16>, vector<512x2048xf32> -> vector<512x2048xf32>
    %get3A_33 = arith.constant 1 : index
    %get3A_34 = arith.constant 0 : index
    %get3A_35 = arith.constant 0 : index
    %get3A_36 = vector.load %arg4[%get3A_33, %get3A_34, %get3A_35] : memref<2x512x2048xbf16, #tpu.memory_space<vmem>>, vector<1x512x2048xbf16>
    %get3A_37 = vector.shape_cast %get3A_36 : vector<1x512x2048xbf16> to vector<512x2048xbf16>
    %dot_general3A_38 = arith.constant dense<0.000000e+00> : vector<512x2048xf32>
    %dot_general3A_39 = tpu.matmul %convert_element_type3A_5, %get3A_37, %dot_general3A_38 {dimension_numbers = #tpu.dot_dimension_numbers<[1], [0], [0], [1], [0, 0, 1, 1], [], []>, transpose_lhs_hint = false} : vector<512x512xbf16>, vector<512x2048xbf16>, vector<512x2048xf32> -> vector<512x2048xf32>
    %add3A_40 = arith.addf %dot_general3A_32, %dot_general3A_39 : vector<512x2048xf32>
    %get3A_41 = arith.constant 1 : index
    %get3A_42 = arith.constant 0 : index
    %get3A_43 = vector.load %arg5[%get3A_41, %get3A_42] : memref<2x2048xf32, #tpu.memory_space<vmem>>, vector<1x2048xf32>
    %add3A_44 = vector.broadcast %get3A_43 : vector<1x2048xf32> to vector<512x2048xf32>
    %add3A_45 = arith.addf %add3A_40, %add3A_44 : vector<512x2048xf32>
    %swap3A_46 = arith.constant 0 : index
    %swap3A_47 = arith.constant 0 : index
    %swap3A_48 = vector.load %arg7[%swap3A_46, %swap3A_47] : memref<512x2048xf32, #tpu.memory_space<vmem>>, vector<512x2048xf32>
    tpu.vector_store %arg7[%swap3A_46, %swap3A_47], %add3A_45 {strides = array<i32>} : memref<512x2048xf32, #tpu.memory_space<vmem>>, vector<512x2048xf32>,
    return
  }
  func.func @transform_0(%arg0: i32) -> (i32, i32) {
    %c0_i32 = arith.constant 0 : i32
    %c0_i32_0 = arith.constant 0 : i32
    return %arg0, %c0_i32 : i32, i32
  }
  func.func @transform_1(%arg0: i32) -> (i32, i32) {
    %c0_i32 = arith.constant 0 : i32
    %c0_i32_0 = arith.constant 0 : i32
    return %arg0, %c0_i32 : i32, i32
  }
  func.func @transform_2(%arg0: i32) -> (i32, i32, i32) {
    %c0_i32 = arith.constant 0 : i32
    %c0_i32_0 = arith.constant 0 : i32
    %c0_i32_1 = arith.constant 0 : i32
    %c0_i32_2 = arith.constant 0 : i32
    return %c0_i32, %c0_i32_0, %c0_i32_1 : i32, i32, i32
  }
  func.func @transform_3(%arg0: i32) -> (i32, i32, i32) {
    %c0_i32 = arith.constant 0 : i32
    %c0_i32_0 = arith.constant 0 : i32
    %c0_i32_1 = arith.constant 0 : i32
    %c0_i32_2 = arith.constant 0 : i32
    return %c0_i32, %c0_i32_0, %c0_i32_1 : i32, i32, i32
  }
  func.func @transform_4(%arg0: i32) -> (i32, i32) {
    %c0_i32 = arith.constant 0 : i32
    %c0_i32_0 = arith.constant 0 : i32
    %c0_i32_1 = arith.constant 0 : i32
    return %c0_i32, %c0_i32_0 : i32, i32
  }
  func.func @transform_5(%arg0: i32) -> (i32, i32) {
    %c0_i32 = arith.constant 0 : i32
    %c0_i32_0 = arith.constant 0 : i32
    return %arg0, %c0_i32 : i32, i32
  }
  func.func @transform_6(%arg0: i32) -> (i32, i32) {
    %c0_i32 = arith.constant 0 : i32
    %c0_i32_0 = arith.constant 0 : i32
    return %arg0, %c0_i32 : i32, i32
  }
}

module attributes {stable_mosaic.version = 14 : i64} {
  func.func @body(%arg0: i32, %arg1: memref<512x2048xf32, #tpu.memory_space<vmem>>, %arg2: memref<512x2048xf32, #tpu.memory_space<vmem>>, %arg3: memref<512x1xf32, #tpu.memory_space<vmem>>, %arg4: memref<512x1xf32, #tpu.memory_space<vmem>>, %arg5: memref<512x2048xbf16, #tpu.memory_space<vmem>>, %arg6: memref<512x2048xbf16, #tpu.memory_space<vmem>>, %arg7: memref<8x1024xf32, #tpu.memory_space<vmem>>, %arg8: memref<8x512xf32, #tpu.memory_space<vmem>>, %arg9: memref<8x512xf32, #tpu.memory_space<vmem>>, %arg10: memref<8x512xf32, #tpu.memory_space<vmem>>, %arg11: memref<8x512xf32, #tpu.memory_space<vmem>>) attributes {dimension_semantics = [#tpu.dimension_semantics<arbitrary>], iteration_bounds = array<i64: 8>, scalar_prefetch = 0 : i64, scratch_operands = 4 : i64, tpu.core_type = #tpu.core_type<tc>, window_params = [{transform_indices = @transform_0, window_bounds = array<i64: 512, 2048>}, {transform_indices = @transform_1, window_bounds = array<i64: 512, 2048>}, {transform_indices = @transform_2, window_bounds = array<i64: 512, 1>}, {transform_indices = @transform_3, window_bounds = array<i64: 512, 1>}, {pipeline_mode = #tpu.pipeline_mode<synchronous>, transform_indices = @transform_4, window_bounds = array<i64: 512, 2048>}, {pipeline_mode = #tpu.pipeline_mode<synchronous>, transform_indices = @transform_5, window_bounds = array<i64: 512, 2048>}, {pipeline_mode = #tpu.pipeline_mode<synchronous>, transform_indices = @transform_6, window_bounds = array<i64: 8, 1024>}]} {
    %eq3A = arith.constant 0 : i32
    %eq3A_0 = arith.cmpi eq, %arg0, %eq3A : i32
    %convert_element_type3A = arith.extui %eq3A_0 : i1 to i32
    %cond3A = arith.constant 0 : i32
    %cond3A_1 = arith.cmpi ne, %convert_element_type3A, %cond3A : i32
    scf.if %cond3A_1 {
      %broadcast_in_dim3A = arith.constant 0.000000e+00 : f32
      %broadcast_in_dim3A_16 = vector.broadcast %broadcast_in_dim3A : f32 to vector<8x512xf32>
      %swap3A_17 = arith.constant 0 : index
      %swap3A_18 = arith.constant 0 : index
      %swap3A_19 = vector.load %arg8[%swap3A_17, %swap3A_18] : memref<8x512xf32, #tpu.memory_space<vmem>>, vector<8x512xf32>
      tpu.vector_store %arg8[%swap3A_17, %swap3A_18], %broadcast_in_dim3A_16 {strides = array<i32>} : memref<8x512xf32, #tpu.memory_space<vmem>>, vector<8x512xf32>,
      %broadcast_in_dim3A_20 = arith.constant 0.000000e+00 : f32
      %broadcast_in_dim3A_21 = vector.broadcast %broadcast_in_dim3A_20 : f32 to vector<8x512xf32>
      %swap3A_22 = arith.constant 0 : index
      %swap3A_23 = arith.constant 0 : index
      %swap3A_24 = vector.load %arg9[%swap3A_22, %swap3A_23] : memref<8x512xf32, #tpu.memory_space<vmem>>, vector<8x512xf32>
      tpu.vector_store %arg9[%swap3A_22, %swap3A_23], %broadcast_in_dim3A_21 {strides = array<i32>} : memref<8x512xf32, #tpu.memory_space<vmem>>, vector<8x512xf32>,
      %broadcast_in_dim3A_25 = arith.constant 0.000000e+00 : f32
      %broadcast_in_dim3A_26 = vector.broadcast %broadcast_in_dim3A_25 : f32 to vector<8x512xf32>
      %swap3A_27 = arith.constant 0 : index
      %swap3A_28 = arith.constant 0 : index
      %swap3A_29 = vector.load %arg10[%swap3A_27, %swap3A_28] : memref<8x512xf32, #tpu.memory_space<vmem>>, vector<8x512xf32>
      tpu.vector_store %arg10[%swap3A_27, %swap3A_28], %broadcast_in_dim3A_26 {strides = array<i32>} : memref<8x512xf32, #tpu.memory_space<vmem>>, vector<8x512xf32>,
      %broadcast_in_dim3A_30 = arith.constant 0.000000e+00 : f32
      %broadcast_in_dim3A_31 = vector.broadcast %broadcast_in_dim3A_30 : f32 to vector<8x512xf32>
      %swap3A_32 = arith.constant 0 : index
      %swap3A_33 = arith.constant 0 : index
      %swap3A_34 = vector.load %arg11[%swap3A_32, %swap3A_33] : memref<8x512xf32, #tpu.memory_space<vmem>>, vector<8x512xf32>
      tpu.vector_store %arg11[%swap3A_32, %swap3A_33], %broadcast_in_dim3A_31 {strides = array<i32>} : memref<8x512xf32, #tpu.memory_space<vmem>>, vector<8x512xf32>,
    } else {
    }
    %scan3A = arith.constant 0 : i32
    %scan3A_2 = arith.constant 64 : i32
    %scan3A_3 = arith.addi %scan3A, %scan3A_2 : i32
    %scan3A_4 = arith.constant 8 : i32
    scf.for %scan3A_16 = %scan3A to %scan3A_3 step %scan3A_4  : i32 {
      %mul3A = arith.constant 8 : i32
      %mul3A_17 = arith.muli %scan3A_16, %mul3A : i32
      %get3A_18 = arith.index_cast %mul3A_17 : i32 to index
      %get3A_19 = arith.constant 0 : index
      %get3A_20 = vector.load %arg1[%get3A_18, %get3A_19] : memref<512x2048xf32, #tpu.memory_space<vmem>>, vector<8x2048xf32>
      %get3A_21 = arith.constant 0 : index
      %get3A_22 = arith.constant 0 : index
      %get3A_23 = vector.load %arg8[%get3A_21, %get3A_22] : memref<8x512xf32, #tpu.memory_space<vmem>>, vector<8x512xf32>
      %convert_element_type3A_24 = arith.truncf %get3A_23 : vector<8x512xf32> to vector<8x512xbf16>
      %get3A_25 = arith.constant 0 : index
      %get3A_26 = arith.constant 0 : index
      %get3A_27 = vector.load %arg5[%get3A_25, %get3A_26] : memref<512x2048xbf16, #tpu.memory_space<vmem>>, vector<512x2048xbf16>
      %dot_general3A = arith.constant dense<0.000000e+00> : vector<8x2048xf32>
      %dot_general3A_28 = tpu.matmul %convert_element_type3A_24, %get3A_27, %dot_general3A {dimension_numbers = #tpu.dot_dimension_numbers<[1], [0], [0], [1], [0, 0, 1, 1], [], []>, transpose_lhs_hint = false} : vector<8x512xbf16>, vector<512x2048xbf16>, vector<8x2048xf32> -> vector<8x2048xf32>
      %add3A = arith.addf %get3A_20, %dot_general3A_28 : vector<8x2048xf32>
      %get3A_29 = arith.constant 0 : index
      %get3A_30 = arith.constant 0 : index
      %get3A_31 = vector.load %arg8[%get3A_29, %get3A_30] : memref<8x512xf32, #tpu.memory_space<vmem>>, vector<8x512xf32>
      %get3A_32 = arith.constant 0 : index
      %get3A_33 = arith.constant 0 : index
      %get3A_34 = vector.load %arg9[%get3A_32, %get3A_33] : memref<8x512xf32, #tpu.memory_space<vmem>>, vector<8x512xf32>
      %get3A_35 = arith.index_cast %mul3A_17 : i32 to index
      %get3A_36 = arith.constant 0 : index
      %get3A_37 = vector.load %arg3[%get3A_35, %get3A_36] : memref<512x1xf32, #tpu.memory_space<vmem>>, vector<8x1xf32>
      %slice3A = vector.extract_strided_slice %add3A {offsets = [0, 0], sizes = [8, 512], strides = [1, 1]} : vector<8x2048xf32> to vector<8x512xf32>
      %logistic3A = arith.negf %slice3A : vector<8x512xf32>
      %logistic3A_38 = math.exp %logistic3A : vector<8x512xf32>
      %logistic3A_39 = arith.constant 1.000000e+00 : f32
      %logistic3A_40 = vector.broadcast %logistic3A_39 : f32 to vector<8x512xf32>
      %logistic3A_41 = arith.addf %logistic3A_40, %logistic3A_38 : vector<8x512xf32>
      %logistic3A_42 = arith.divf %logistic3A_40, %logistic3A_41 : vector<8x512xf32>
      %slice3A_43 = vector.extract_strided_slice %add3A {offsets = [0, 512], sizes = [8, 512], strides = [1, 1]} : vector<8x2048xf32> to vector<8x512xf32>
      %logistic3A_44 = arith.negf %slice3A_43 : vector<8x512xf32>
      %logistic3A_45 = math.exp %logistic3A_44 : vector<8x512xf32>
      %logistic3A_46 = arith.constant 1.000000e+00 : f32
      %logistic3A_47 = vector.broadcast %logistic3A_46 : f32 to vector<8x512xf32>
      %logistic3A_48 = arith.addf %logistic3A_47, %logistic3A_45 : vector<8x512xf32>
      %logistic3A_49 = arith.divf %logistic3A_47, %logistic3A_48 : vector<8x512xf32>
      %slice3A_50 = vector.extract_strided_slice %add3A {offsets = [0, 1024], sizes = [8, 512], strides = [1, 1]} : vector<8x2048xf32> to vector<8x512xf32>
      %tanh3A = math.tanh %slice3A_50 : vector<8x512xf32>
      %slice3A_51 = vector.extract_strided_slice %add3A {offsets = [0, 1536], sizes = [8, 512], strides = [1, 1]} : vector<8x2048xf32> to vector<8x512xf32>
      %logistic3A_52 = arith.negf %slice3A_51 : vector<8x512xf32>
      %logistic3A_53 = math.exp %logistic3A_52 : vector<8x512xf32>
      %logistic3A_54 = arith.constant 1.000000e+00 : f32
      %logistic3A_55 = vector.broadcast %logistic3A_54 : f32 to vector<8x512xf32>
      %logistic3A_56 = arith.addf %logistic3A_55, %logistic3A_53 : vector<8x512xf32>
      %logistic3A_57 = arith.divf %logistic3A_55, %logistic3A_56 : vector<8x512xf32>
      %mul3A_58 = arith.mulf %logistic3A_49, %get3A_34 : vector<8x512xf32>
      %mul3A_59 = arith.mulf %logistic3A_42, %tanh3A : vector<8x512xf32>
      %add3A_60 = arith.addf %mul3A_58, %mul3A_59 : vector<8x512xf32>
      %tanh3A_61 = math.tanh %add3A_60 : vector<8x512xf32>
      %mul3A_62 = arith.mulf %logistic3A_57, %tanh3A_61 : vector<8x512xf32>
      %gt3A = arith.constant 5.000000e-01 : f32
      %gt3A_63 = vector.broadcast %gt3A : f32 to vector<8x1xf32>
      %gt3A_64 = arith.cmpf ogt, %get3A_37, %gt3A_63 : vector<8x1xf32>
      %broadcast_in_dim3A = vector.shape_cast %gt3A_64 : vector<8x1xi1> to vector<8x1xi1>
      %broadcast_in_dim3A_65 = vector.broadcast %broadcast_in_dim3A : vector<8x1xi1> to vector<8x512xi1>
      %select_n3A = arith.select %broadcast_in_dim3A_65, %mul3A_62, %get3A_31 : vector<8x512xi1>, vector<8x512xf32>
      %broadcast_in_dim3A_66 = vector.shape_cast %gt3A_64 : vector<8x1xi1> to vector<8x1xi1>
      %broadcast_in_dim3A_67 = vector.broadcast %broadcast_in_dim3A_66 : vector<8x1xi1> to vector<8x512xi1>
      %select_n3A_68 = arith.select %broadcast_in_dim3A_67, %add3A_60, %get3A_34 : vector<8x512xi1>, vector<8x512xf32>
      %swap3A_69 = arith.constant 0 : index
      %swap3A_70 = arith.constant 0 : index
      %swap3A_71 = vector.load %arg8[%swap3A_69, %swap3A_70] : memref<8x512xf32, #tpu.memory_space<vmem>>, vector<8x512xf32>
      tpu.vector_store %arg8[%swap3A_69, %swap3A_70], %select_n3A {strides = array<i32>} : memref<8x512xf32, #tpu.memory_space<vmem>>, vector<8x512xf32>,
      %swap3A_72 = arith.constant 0 : index
      %swap3A_73 = arith.constant 0 : index
      %swap3A_74 = vector.load %arg9[%swap3A_72, %swap3A_73] : memref<8x512xf32, #tpu.memory_space<vmem>>, vector<8x512xf32>
      tpu.vector_store %arg9[%swap3A_72, %swap3A_73], %select_n3A_68 {strides = array<i32>} : memref<8x512xf32, #tpu.memory_space<vmem>>, vector<8x512xf32>,
      %sub3A = arith.constant 63 : i32
      %sub3A_75 = arith.subi %sub3A, %scan3A_16 : i32
      %mul3A_76 = arith.constant 8 : i32
      %mul3A_77 = arith.muli %sub3A_75, %mul3A_76 : i32
      %get3A_78 = arith.index_cast %mul3A_77 : i32 to index
      %get3A_79 = arith.constant 0 : index
      %get3A_80 = vector.load %arg2[%get3A_78, %get3A_79] : memref<512x2048xf32, #tpu.memory_space<vmem>>, vector<8x2048xf32>
      %get3A_81 = arith.constant 0 : index
      %get3A_82 = arith.constant 0 : index
      %get3A_83 = vector.load %arg10[%get3A_81, %get3A_82] : memref<8x512xf32, #tpu.memory_space<vmem>>, vector<8x512xf32>
      %convert_element_type3A_84 = arith.truncf %get3A_83 : vector<8x512xf32> to vector<8x512xbf16>
      %get3A_85 = arith.constant 0 : index
      %get3A_86 = arith.constant 0 : index
      %get3A_87 = vector.load %arg6[%get3A_85, %get3A_86] : memref<512x2048xbf16, #tpu.memory_space<vmem>>, vector<512x2048xbf16>
      %dot_general3A_88 = arith.constant dense<0.000000e+00> : vector<8x2048xf32>
      %dot_general3A_89 = tpu.matmul %convert_element_type3A_84, %get3A_87, %dot_general3A_88 {dimension_numbers = #tpu.dot_dimension_numbers<[1], [0], [0], [1], [0, 0, 1, 1], [], []>, transpose_lhs_hint = false} : vector<8x512xbf16>, vector<512x2048xbf16>, vector<8x2048xf32> -> vector<8x2048xf32>
      %add3A_90 = arith.addf %get3A_80, %dot_general3A_89 : vector<8x2048xf32>
      %get3A_91 = arith.constant 0 : index
      %get3A_92 = arith.constant 0 : index
      %get3A_93 = vector.load %arg10[%get3A_91, %get3A_92] : memref<8x512xf32, #tpu.memory_space<vmem>>, vector<8x512xf32>
      %get3A_94 = arith.constant 0 : index
      %get3A_95 = arith.constant 0 : index
      %get3A_96 = vector.load %arg11[%get3A_94, %get3A_95] : memref<8x512xf32, #tpu.memory_space<vmem>>, vector<8x512xf32>
      %get3A_97 = arith.index_cast %mul3A_77 : i32 to index
      %get3A_98 = arith.constant 0 : index
      %get3A_99 = vector.load %arg4[%get3A_97, %get3A_98] : memref<512x1xf32, #tpu.memory_space<vmem>>, vector<8x1xf32>
      %slice3A_100 = vector.extract_strided_slice %add3A_90 {offsets = [0, 0], sizes = [8, 512], strides = [1, 1]} : vector<8x2048xf32> to vector<8x512xf32>
      %logistic3A_101 = arith.negf %slice3A_100 : vector<8x512xf32>
      %logistic3A_102 = math.exp %logistic3A_101 : vector<8x512xf32>
      %logistic3A_103 = arith.constant 1.000000e+00 : f32
      %logistic3A_104 = vector.broadcast %logistic3A_103 : f32 to vector<8x512xf32>
      %logistic3A_105 = arith.addf %logistic3A_104, %logistic3A_102 : vector<8x512xf32>
      %logistic3A_106 = arith.divf %logistic3A_104, %logistic3A_105 : vector<8x512xf32>
      %slice3A_107 = vector.extract_strided_slice %add3A_90 {offsets = [0, 512], sizes = [8, 512], strides = [1, 1]} : vector<8x2048xf32> to vector<8x512xf32>
      %logistic3A_108 = arith.negf %slice3A_107 : vector<8x512xf32>
      %logistic3A_109 = math.exp %logistic3A_108 : vector<8x512xf32>
      %logistic3A_110 = arith.constant 1.000000e+00 : f32
      %logistic3A_111 = vector.broadcast %logistic3A_110 : f32 to vector<8x512xf32>
      %logistic3A_112 = arith.addf %logistic3A_111, %logistic3A_109 : vector<8x512xf32>
      %logistic3A_113 = arith.divf %logistic3A_111, %logistic3A_112 : vector<8x512xf32>
      %slice3A_114 = vector.extract_strided_slice %add3A_90 {offsets = [0, 1024], sizes = [8, 512], strides = [1, 1]} : vector<8x2048xf32> to vector<8x512xf32>
      %tanh3A_115 = math.tanh %slice3A_114 : vector<8x512xf32>
      %slice3A_116 = vector.extract_strided_slice %add3A_90 {offsets = [0, 1536], sizes = [8, 512], strides = [1, 1]} : vector<8x2048xf32> to vector<8x512xf32>
      %logistic3A_117 = arith.negf %slice3A_116 : vector<8x512xf32>
      %logistic3A_118 = math.exp %logistic3A_117 : vector<8x512xf32>
      %logistic3A_119 = arith.constant 1.000000e+00 : f32
      %logistic3A_120 = vector.broadcast %logistic3A_119 : f32 to vector<8x512xf32>
      %logistic3A_121 = arith.addf %logistic3A_120, %logistic3A_118 : vector<8x512xf32>
      %logistic3A_122 = arith.divf %logistic3A_120, %logistic3A_121 : vector<8x512xf32>
      %mul3A_123 = arith.mulf %logistic3A_113, %get3A_96 : vector<8x512xf32>
      %mul3A_124 = arith.mulf %logistic3A_106, %tanh3A_115 : vector<8x512xf32>
      %add3A_125 = arith.addf %mul3A_123, %mul3A_124 : vector<8x512xf32>
      %tanh3A_126 = math.tanh %add3A_125 : vector<8x512xf32>
      %mul3A_127 = arith.mulf %logistic3A_122, %tanh3A_126 : vector<8x512xf32>
      %gt3A_128 = arith.constant 5.000000e-01 : f32
      %gt3A_129 = vector.broadcast %gt3A_128 : f32 to vector<8x1xf32>
      %gt3A_130 = arith.cmpf ogt, %get3A_99, %gt3A_129 : vector<8x1xf32>
      %broadcast_in_dim3A_131 = vector.shape_cast %gt3A_130 : vector<8x1xi1> to vector<8x1xi1>
      %broadcast_in_dim3A_132 = vector.broadcast %broadcast_in_dim3A_131 : vector<8x1xi1> to vector<8x512xi1>
      %select_n3A_133 = arith.select %broadcast_in_dim3A_132, %mul3A_127, %get3A_93 : vector<8x512xi1>, vector<8x512xf32>
      %broadcast_in_dim3A_134 = vector.shape_cast %gt3A_130 : vector<8x1xi1> to vector<8x1xi1>
      %broadcast_in_dim3A_135 = vector.broadcast %broadcast_in_dim3A_134 : vector<8x1xi1> to vector<8x512xi1>
      %select_n3A_136 = arith.select %broadcast_in_dim3A_135, %add3A_125, %get3A_96 : vector<8x512xi1>, vector<8x512xf32>
      %swap3A_137 = arith.constant 0 : index
      %swap3A_138 = arith.constant 0 : index
      %swap3A_139 = vector.load %arg10[%swap3A_137, %swap3A_138] : memref<8x512xf32, #tpu.memory_space<vmem>>, vector<8x512xf32>
      tpu.vector_store %arg10[%swap3A_137, %swap3A_138], %select_n3A_133 {strides = array<i32>} : memref<8x512xf32, #tpu.memory_space<vmem>>, vector<8x512xf32>,
      %swap3A_140 = arith.constant 0 : index
      %swap3A_141 = arith.constant 0 : index
      %swap3A_142 = vector.load %arg11[%swap3A_140, %swap3A_141] : memref<8x512xf32, #tpu.memory_space<vmem>>, vector<8x512xf32>
      tpu.vector_store %arg11[%swap3A_140, %swap3A_141], %select_n3A_136 {strides = array<i32>} : memref<8x512xf32, #tpu.memory_space<vmem>>, vector<8x512xf32>,
      %scan3A_143 = arith.constant 1 : i32
      %scan3A_144 = arith.addi %scan3A_16, %scan3A_143 : i32
      %mul3A_145 = arith.constant 8 : i32
      %mul3A_146 = arith.muli %scan3A_144, %mul3A_145 : i32
      %get3A_147 = arith.index_cast %mul3A_146 : i32 to index
      %get3A_148 = arith.constant 0 : index
      %get3A_149 = vector.load %arg1[%get3A_147, %get3A_148] : memref<512x2048xf32, #tpu.memory_space<vmem>>, vector<8x2048xf32>
      %get3A_150 = arith.constant 0 : index
      %get3A_151 = arith.constant 0 : index
      %get3A_152 = vector.load %arg8[%get3A_150, %get3A_151] : memref<8x512xf32, #tpu.memory_space<vmem>>, vector<8x512xf32>
      %convert_element_type3A_153 = arith.truncf %get3A_152 : vector<8x512xf32> to vector<8x512xbf16>
      %get3A_154 = arith.constant 0 : index
      %get3A_155 = arith.constant 0 : index
      %get3A_156 = vector.load %arg5[%get3A_154, %get3A_155] : memref<512x2048xbf16, #tpu.memory_space<vmem>>, vector<512x2048xbf16>
      %dot_general3A_157 = arith.constant dense<0.000000e+00> : vector<8x2048xf32>
      %dot_general3A_158 = tpu.matmul %convert_element_type3A_153, %get3A_156, %dot_general3A_157 {dimension_numbers = #tpu.dot_dimension_numbers<[1], [0], [0], [1], [0, 0, 1, 1], [], []>, transpose_lhs_hint = false} : vector<8x512xbf16>, vector<512x2048xbf16>, vector<8x2048xf32> -> vector<8x2048xf32>
      %add3A_159 = arith.addf %get3A_149, %dot_general3A_158 : vector<8x2048xf32>
      %get3A_160 = arith.constant 0 : index
      %get3A_161 = arith.constant 0 : index
      %get3A_162 = vector.load %arg8[%get3A_160, %get3A_161] : memref<8x512xf32, #tpu.memory_space<vmem>>, vector<8x512xf32>
      %get3A_163 = arith.constant 0 : index
      %get3A_164 = arith.constant 0 : index
      %get3A_165 = vector.load %arg9[%get3A_163, %get3A_164] : memref<8x512xf32, #tpu.memory_space<vmem>>, vector<8x512xf32>
      %get3A_166 = arith.index_cast %mul3A_146 : i32 to index
      %get3A_167 = arith.constant 0 : index
      %get3A_168 = vector.load %arg3[%get3A_166, %get3A_167] : memref<512x1xf32, #tpu.memory_space<vmem>>, vector<8x1xf32>
      %slice3A_169 = vector.extract_strided_slice %add3A_159 {offsets = [0, 0], sizes = [8, 512], strides = [1, 1]} : vector<8x2048xf32> to vector<8x512xf32>
      %logistic3A_170 = arith.negf %slice3A_169 : vector<8x512xf32>
      %logistic3A_171 = math.exp %logistic3A_170 : vector<8x512xf32>
      %logistic3A_172 = arith.constant 1.000000e+00 : f32
      %logistic3A_173 = vector.broadcast %logistic3A_172 : f32 to vector<8x512xf32>
      %logistic3A_174 = arith.addf %logistic3A_173, %logistic3A_171 : vector<8x512xf32>
      %logistic3A_175 = arith.divf %logistic3A_173, %logistic3A_174 : vector<8x512xf32>
      %slice3A_176 = vector.extract_strided_slice %add3A_159 {offsets = [0, 512], sizes = [8, 512], strides = [1, 1]} : vector<8x2048xf32> to vector<8x512xf32>
      %logistic3A_177 = arith.negf %slice3A_176 : vector<8x512xf32>
      %logistic3A_178 = math.exp %logistic3A_177 : vector<8x512xf32>
      %logistic3A_179 = arith.constant 1.000000e+00 : f32
      %logistic3A_180 = vector.broadcast %logistic3A_179 : f32 to vector<8x512xf32>
      %logistic3A_181 = arith.addf %logistic3A_180, %logistic3A_178 : vector<8x512xf32>
      %logistic3A_182 = arith.divf %logistic3A_180, %logistic3A_181 : vector<8x512xf32>
      %slice3A_183 = vector.extract_strided_slice %add3A_159 {offsets = [0, 1024], sizes = [8, 512], strides = [1, 1]} : vector<8x2048xf32> to vector<8x512xf32>
      %tanh3A_184 = math.tanh %slice3A_183 : vector<8x512xf32>
      %slice3A_185 = vector.extract_strided_slice %add3A_159 {offsets = [0, 1536], sizes = [8, 512], strides = [1, 1]} : vector<8x2048xf32> to vector<8x512xf32>
      %logistic3A_186 = arith.negf %slice3A_185 : vector<8x512xf32>
      %logistic3A_187 = math.exp %logistic3A_186 : vector<8x512xf32>
      %logistic3A_188 = arith.constant 1.000000e+00 : f32
      %logistic3A_189 = vector.broadcast %logistic3A_188 : f32 to vector<8x512xf32>
      %logistic3A_190 = arith.addf %logistic3A_189, %logistic3A_187 : vector<8x512xf32>
      %logistic3A_191 = arith.divf %logistic3A_189, %logistic3A_190 : vector<8x512xf32>
      %mul3A_192 = arith.mulf %logistic3A_182, %get3A_165 : vector<8x512xf32>
      %mul3A_193 = arith.mulf %logistic3A_175, %tanh3A_184 : vector<8x512xf32>
      %add3A_194 = arith.addf %mul3A_192, %mul3A_193 : vector<8x512xf32>
      %tanh3A_195 = math.tanh %add3A_194 : vector<8x512xf32>
      %mul3A_196 = arith.mulf %logistic3A_191, %tanh3A_195 : vector<8x512xf32>
      %gt3A_197 = arith.constant 5.000000e-01 : f32
      %gt3A_198 = vector.broadcast %gt3A_197 : f32 to vector<8x1xf32>
      %gt3A_199 = arith.cmpf ogt, %get3A_168, %gt3A_198 : vector<8x1xf32>
      %broadcast_in_dim3A_200 = vector.shape_cast %gt3A_199 : vector<8x1xi1> to vector<8x1xi1>
      %broadcast_in_dim3A_201 = vector.broadcast %broadcast_in_dim3A_200 : vector<8x1xi1> to vector<8x512xi1>
      %select_n3A_202 = arith.select %broadcast_in_dim3A_201, %mul3A_196, %get3A_162 : vector<8x512xi1>, vector<8x512xf32>
      %broadcast_in_dim3A_203 = vector.shape_cast %gt3A_199 : vector<8x1xi1> to vector<8x1xi1>
      %broadcast_in_dim3A_204 = vector.broadcast %broadcast_in_dim3A_203 : vector<8x1xi1> to vector<8x512xi1>
      %select_n3A_205 = arith.select %broadcast_in_dim3A_204, %add3A_194, %get3A_165 : vector<8x512xi1>, vector<8x512xf32>
      %swap3A_206 = arith.constant 0 : index
      %swap3A_207 = arith.constant 0 : index
      %swap3A_208 = vector.load %arg8[%swap3A_206, %swap3A_207] : memref<8x512xf32, #tpu.memory_space<vmem>>, vector<8x512xf32>
      tpu.vector_store %arg8[%swap3A_206, %swap3A_207], %select_n3A_202 {strides = array<i32>} : memref<8x512xf32, #tpu.memory_space<vmem>>, vector<8x512xf32>,
      %swap3A_209 = arith.constant 0 : index
      %swap3A_210 = arith.constant 0 : index
      %swap3A_211 = vector.load %arg9[%swap3A_209, %swap3A_210] : memref<8x512xf32, #tpu.memory_space<vmem>>, vector<8x512xf32>
      tpu.vector_store %arg9[%swap3A_209, %swap3A_210], %select_n3A_205 {strides = array<i32>} : memref<8x512xf32, #tpu.memory_space<vmem>>, vector<8x512xf32>,
      %sub3A_212 = arith.constant 63 : i32
      %sub3A_213 = arith.subi %sub3A_212, %scan3A_144 : i32
      %mul3A_214 = arith.constant 8 : i32
      %mul3A_215 = arith.muli %sub3A_213, %mul3A_214 : i32
      %get3A_216 = arith.index_cast %mul3A_215 : i32 to index
      %get3A_217 = arith.constant 0 : index
      %get3A_218 = vector.load %arg2[%get3A_216, %get3A_217] : memref<512x2048xf32, #tpu.memory_space<vmem>>, vector<8x2048xf32>
      %get3A_219 = arith.constant 0 : index
      %get3A_220 = arith.constant 0 : index
      %get3A_221 = vector.load %arg10[%get3A_219, %get3A_220] : memref<8x512xf32, #tpu.memory_space<vmem>>, vector<8x512xf32>
      %convert_element_type3A_222 = arith.truncf %get3A_221 : vector<8x512xf32> to vector<8x512xbf16>
      %get3A_223 = arith.constant 0 : index
      %get3A_224 = arith.constant 0 : index
      %get3A_225 = vector.load %arg6[%get3A_223, %get3A_224] : memref<512x2048xbf16, #tpu.memory_space<vmem>>, vector<512x2048xbf16>
      %dot_general3A_226 = arith.constant dense<0.000000e+00> : vector<8x2048xf32>
      %dot_general3A_227 = tpu.matmul %convert_element_type3A_222, %get3A_225, %dot_general3A_226 {dimension_numbers = #tpu.dot_dimension_numbers<[1], [0], [0], [1], [0, 0, 1, 1], [], []>, transpose_lhs_hint = false} : vector<8x512xbf16>, vector<512x2048xbf16>, vector<8x2048xf32> -> vector<8x2048xf32>
      %add3A_228 = arith.addf %get3A_218, %dot_general3A_227 : vector<8x2048xf32>
      %get3A_229 = arith.constant 0 : index
      %get3A_230 = arith.constant 0 : index
      %get3A_231 = vector.load %arg10[%get3A_229, %get3A_230] : memref<8x512xf32, #tpu.memory_space<vmem>>, vector<8x512xf32>
      %get3A_232 = arith.constant 0 : index
      %get3A_233 = arith.constant 0 : index
      %get3A_234 = vector.load %arg11[%get3A_232, %get3A_233] : memref<8x512xf32, #tpu.memory_space<vmem>>, vector<8x512xf32>
      %get3A_235 = arith.index_cast %mul3A_215 : i32 to index
      %get3A_236 = arith.constant 0 : index
      %get3A_237 = vector.load %arg4[%get3A_235, %get3A_236] : memref<512x1xf32, #tpu.memory_space<vmem>>, vector<8x1xf32>
      %slice3A_238 = vector.extract_strided_slice %add3A_228 {offsets = [0, 0], sizes = [8, 512], strides = [1, 1]} : vector<8x2048xf32> to vector<8x512xf32>
      %logistic3A_239 = arith.negf %slice3A_238 : vector<8x512xf32>
      %logistic3A_240 = math.exp %logistic3A_239 : vector<8x512xf32>
      %logistic3A_241 = arith.constant 1.000000e+00 : f32
      %logistic3A_242 = vector.broadcast %logistic3A_241 : f32 to vector<8x512xf32>
      %logistic3A_243 = arith.addf %logistic3A_242, %logistic3A_240 : vector<8x512xf32>
      %logistic3A_244 = arith.divf %logistic3A_242, %logistic3A_243 : vector<8x512xf32>
      %slice3A_245 = vector.extract_strided_slice %add3A_228 {offsets = [0, 512], sizes = [8, 512], strides = [1, 1]} : vector<8x2048xf32> to vector<8x512xf32>
      %logistic3A_246 = arith.negf %slice3A_245 : vector<8x512xf32>
      %logistic3A_247 = math.exp %logistic3A_246 : vector<8x512xf32>
      %logistic3A_248 = arith.constant 1.000000e+00 : f32
      %logistic3A_249 = vector.broadcast %logistic3A_248 : f32 to vector<8x512xf32>
      %logistic3A_250 = arith.addf %logistic3A_249, %logistic3A_247 : vector<8x512xf32>
      %logistic3A_251 = arith.divf %logistic3A_249, %logistic3A_250 : vector<8x512xf32>
      %slice3A_252 = vector.extract_strided_slice %add3A_228 {offsets = [0, 1024], sizes = [8, 512], strides = [1, 1]} : vector<8x2048xf32> to vector<8x512xf32>
      %tanh3A_253 = math.tanh %slice3A_252 : vector<8x512xf32>
      %slice3A_254 = vector.extract_strided_slice %add3A_228 {offsets = [0, 1536], sizes = [8, 512], strides = [1, 1]} : vector<8x2048xf32> to vector<8x512xf32>
      %logistic3A_255 = arith.negf %slice3A_254 : vector<8x512xf32>
      %logistic3A_256 = math.exp %logistic3A_255 : vector<8x512xf32>
      %logistic3A_257 = arith.constant 1.000000e+00 : f32
      %logistic3A_258 = vector.broadcast %logistic3A_257 : f32 to vector<8x512xf32>
      %logistic3A_259 = arith.addf %logistic3A_258, %logistic3A_256 : vector<8x512xf32>
      %logistic3A_260 = arith.divf %logistic3A_258, %logistic3A_259 : vector<8x512xf32>
      %mul3A_261 = arith.mulf %logistic3A_251, %get3A_234 : vector<8x512xf32>
      %mul3A_262 = arith.mulf %logistic3A_244, %tanh3A_253 : vector<8x512xf32>
      %add3A_263 = arith.addf %mul3A_261, %mul3A_262 : vector<8x512xf32>
      %tanh3A_264 = math.tanh %add3A_263 : vector<8x512xf32>
      %mul3A_265 = arith.mulf %logistic3A_260, %tanh3A_264 : vector<8x512xf32>
      %gt3A_266 = arith.constant 5.000000e-01 : f32
      %gt3A_267 = vector.broadcast %gt3A_266 : f32 to vector<8x1xf32>
      %gt3A_268 = arith.cmpf ogt, %get3A_237, %gt3A_267 : vector<8x1xf32>
      %broadcast_in_dim3A_269 = vector.shape_cast %gt3A_268 : vector<8x1xi1> to vector<8x1xi1>
      %broadcast_in_dim3A_270 = vector.broadcast %broadcast_in_dim3A_269 : vector<8x1xi1> to vector<8x512xi1>
      %select_n3A_271 = arith.select %broadcast_in_dim3A_270, %mul3A_265, %get3A_231 : vector<8x512xi1>, vector<8x512xf32>
      %broadcast_in_dim3A_272 = vector.shape_cast %gt3A_268 : vector<8x1xi1> to vector<8x1xi1>
      %broadcast_in_dim3A_273 = vector.broadcast %broadcast_in_dim3A_272 : vector<8x1xi1> to vector<8x512xi1>
      %select_n3A_274 = arith.select %broadcast_in_dim3A_273, %add3A_263, %get3A_234 : vector<8x512xi1>, vector<8x512xf32>
      %swap3A_275 = arith.constant 0 : index
      %swap3A_276 = arith.constant 0 : index
      %swap3A_277 = vector.load %arg10[%swap3A_275, %swap3A_276] : memref<8x512xf32, #tpu.memory_space<vmem>>, vector<8x512xf32>
      tpu.vector_store %arg10[%swap3A_275, %swap3A_276], %select_n3A_271 {strides = array<i32>} : memref<8x512xf32, #tpu.memory_space<vmem>>, vector<8x512xf32>,
      %swap3A_278 = arith.constant 0 : index
      %swap3A_279 = arith.constant 0 : index
      %swap3A_280 = vector.load %arg11[%swap3A_278, %swap3A_279] : memref<8x512xf32, #tpu.memory_space<vmem>>, vector<8x512xf32>
      tpu.vector_store %arg11[%swap3A_278, %swap3A_279], %select_n3A_274 {strides = array<i32>} : memref<8x512xf32, #tpu.memory_space<vmem>>, vector<8x512xf32>,
      %scan3A_281 = arith.constant 2 : i32
      %scan3A_282 = arith.addi %scan3A_16, %scan3A_281 : i32
      %mul3A_283 = arith.constant 8 : i32
      %mul3A_284 = arith.muli %scan3A_282, %mul3A_283 : i32
      %get3A_285 = arith.index_cast %mul3A_284 : i32 to index
      %get3A_286 = arith.constant 0 : index
      %get3A_287 = vector.load %arg1[%get3A_285, %get3A_286] : memref<512x2048xf32, #tpu.memory_space<vmem>>, vector<8x2048xf32>
      %get3A_288 = arith.constant 0 : index
      %get3A_289 = arith.constant 0 : index
      %get3A_290 = vector.load %arg8[%get3A_288, %get3A_289] : memref<8x512xf32, #tpu.memory_space<vmem>>, vector<8x512xf32>
      %convert_element_type3A_291 = arith.truncf %get3A_290 : vector<8x512xf32> to vector<8x512xbf16>
      %get3A_292 = arith.constant 0 : index
      %get3A_293 = arith.constant 0 : index
      %get3A_294 = vector.load %arg5[%get3A_292, %get3A_293] : memref<512x2048xbf16, #tpu.memory_space<vmem>>, vector<512x2048xbf16>
      %dot_general3A_295 = arith.constant dense<0.000000e+00> : vector<8x2048xf32>
      %dot_general3A_296 = tpu.matmul %convert_element_type3A_291, %get3A_294, %dot_general3A_295 {dimension_numbers = #tpu.dot_dimension_numbers<[1], [0], [0], [1], [0, 0, 1, 1], [], []>, transpose_lhs_hint = false} : vector<8x512xbf16>, vector<512x2048xbf16>, vector<8x2048xf32> -> vector<8x2048xf32>
      %add3A_297 = arith.addf %get3A_287, %dot_general3A_296 : vector<8x2048xf32>
      %get3A_298 = arith.constant 0 : index
      %get3A_299 = arith.constant 0 : index
      %get3A_300 = vector.load %arg8[%get3A_298, %get3A_299] : memref<8x512xf32, #tpu.memory_space<vmem>>, vector<8x512xf32>
      %get3A_301 = arith.constant 0 : index
      %get3A_302 = arith.constant 0 : index
      %get3A_303 = vector.load %arg9[%get3A_301, %get3A_302] : memref<8x512xf32, #tpu.memory_space<vmem>>, vector<8x512xf32>
      %get3A_304 = arith.index_cast %mul3A_284 : i32 to index
      %get3A_305 = arith.constant 0 : index
      %get3A_306 = vector.load %arg3[%get3A_304, %get3A_305] : memref<512x1xf32, #tpu.memory_space<vmem>>, vector<8x1xf32>
      %slice3A_307 = vector.extract_strided_slice %add3A_297 {offsets = [0, 0], sizes = [8, 512], strides = [1, 1]} : vector<8x2048xf32> to vector<8x512xf32>
      %logistic3A_308 = arith.negf %slice3A_307 : vector<8x512xf32>
      %logistic3A_309 = math.exp %logistic3A_308 : vector<8x512xf32>
      %logistic3A_310 = arith.constant 1.000000e+00 : f32
      %logistic3A_311 = vector.broadcast %logistic3A_310 : f32 to vector<8x512xf32>
      %logistic3A_312 = arith.addf %logistic3A_311, %logistic3A_309 : vector<8x512xf32>
      %logistic3A_313 = arith.divf %logistic3A_311, %logistic3A_312 : vector<8x512xf32>
      %slice3A_314 = vector.extract_strided_slice %add3A_297 {offsets = [0, 512], sizes = [8, 512], strides = [1, 1]} : vector<8x2048xf32> to vector<8x512xf32>
      %logistic3A_315 = arith.negf %slice3A_314 : vector<8x512xf32>
      %logistic3A_316 = math.exp %logistic3A_315 : vector<8x512xf32>
      %logistic3A_317 = arith.constant 1.000000e+00 : f32
      %logistic3A_318 = vector.broadcast %logistic3A_317 : f32 to vector<8x512xf32>
      %logistic3A_319 = arith.addf %logistic3A_318, %logistic3A_316 : vector<8x512xf32>
      %logistic3A_320 = arith.divf %logistic3A_318, %logistic3A_319 : vector<8x512xf32>
      %slice3A_321 = vector.extract_strided_slice %add3A_297 {offsets = [0, 1024], sizes = [8, 512], strides = [1, 1]} : vector<8x2048xf32> to vector<8x512xf32>
      %tanh3A_322 = math.tanh %slice3A_321 : vector<8x512xf32>
      %slice3A_323 = vector.extract_strided_slice %add3A_297 {offsets = [0, 1536], sizes = [8, 512], strides = [1, 1]} : vector<8x2048xf32> to vector<8x512xf32>
      %logistic3A_324 = arith.negf %slice3A_323 : vector<8x512xf32>
      %logistic3A_325 = math.exp %logistic3A_324 : vector<8x512xf32>
      %logistic3A_326 = arith.constant 1.000000e+00 : f32
      %logistic3A_327 = vector.broadcast %logistic3A_326 : f32 to vector<8x512xf32>
      %logistic3A_328 = arith.addf %logistic3A_327, %logistic3A_325 : vector<8x512xf32>
      %logistic3A_329 = arith.divf %logistic3A_327, %logistic3A_328 : vector<8x512xf32>
      %mul3A_330 = arith.mulf %logistic3A_320, %get3A_303 : vector<8x512xf32>
      %mul3A_331 = arith.mulf %logistic3A_313, %tanh3A_322 : vector<8x512xf32>
      %add3A_332 = arith.addf %mul3A_330, %mul3A_331 : vector<8x512xf32>
      %tanh3A_333 = math.tanh %add3A_332 : vector<8x512xf32>
      %mul3A_334 = arith.mulf %logistic3A_329, %tanh3A_333 : vector<8x512xf32>
      %gt3A_335 = arith.constant 5.000000e-01 : f32
      %gt3A_336 = vector.broadcast %gt3A_335 : f32 to vector<8x1xf32>
      %gt3A_337 = arith.cmpf ogt, %get3A_306, %gt3A_336 : vector<8x1xf32>
      %broadcast_in_dim3A_338 = vector.shape_cast %gt3A_337 : vector<8x1xi1> to vector<8x1xi1>
      %broadcast_in_dim3A_339 = vector.broadcast %broadcast_in_dim3A_338 : vector<8x1xi1> to vector<8x512xi1>
      %select_n3A_340 = arith.select %broadcast_in_dim3A_339, %mul3A_334, %get3A_300 : vector<8x512xi1>, vector<8x512xf32>
      %broadcast_in_dim3A_341 = vector.shape_cast %gt3A_337 : vector<8x1xi1> to vector<8x1xi1>
      %broadcast_in_dim3A_342 = vector.broadcast %broadcast_in_dim3A_341 : vector<8x1xi1> to vector<8x512xi1>
      %select_n3A_343 = arith.select %broadcast_in_dim3A_342, %add3A_332, %get3A_303 : vector<8x512xi1>, vector<8x512xf32>
      %swap3A_344 = arith.constant 0 : index
      %swap3A_345 = arith.constant 0 : index
      %swap3A_346 = vector.load %arg8[%swap3A_344, %swap3A_345] : memref<8x512xf32, #tpu.memory_space<vmem>>, vector<8x512xf32>
      tpu.vector_store %arg8[%swap3A_344, %swap3A_345], %select_n3A_340 {strides = array<i32>} : memref<8x512xf32, #tpu.memory_space<vmem>>, vector<8x512xf32>,
      %swap3A_347 = arith.constant 0 : index
      %swap3A_348 = arith.constant 0 : index
      %swap3A_349 = vector.load %arg9[%swap3A_347, %swap3A_348] : memref<8x512xf32, #tpu.memory_space<vmem>>, vector<8x512xf32>
      tpu.vector_store %arg9[%swap3A_347, %swap3A_348], %select_n3A_343 {strides = array<i32>} : memref<8x512xf32, #tpu.memory_space<vmem>>, vector<8x512xf32>,
      %sub3A_350 = arith.constant 63 : i32
      %sub3A_351 = arith.subi %sub3A_350, %scan3A_282 : i32
      %mul3A_352 = arith.constant 8 : i32
      %mul3A_353 = arith.muli %sub3A_351, %mul3A_352 : i32
      %get3A_354 = arith.index_cast %mul3A_353 : i32 to index
      %get3A_355 = arith.constant 0 : index
      %get3A_356 = vector.load %arg2[%get3A_354, %get3A_355] : memref<512x2048xf32, #tpu.memory_space<vmem>>, vector<8x2048xf32>
      %get3A_357 = arith.constant 0 : index
      %get3A_358 = arith.constant 0 : index
      %get3A_359 = vector.load %arg10[%get3A_357, %get3A_358] : memref<8x512xf32, #tpu.memory_space<vmem>>, vector<8x512xf32>
      %convert_element_type3A_360 = arith.truncf %get3A_359 : vector<8x512xf32> to vector<8x512xbf16>
      %get3A_361 = arith.constant 0 : index
      %get3A_362 = arith.constant 0 : index
      %get3A_363 = vector.load %arg6[%get3A_361, %get3A_362] : memref<512x2048xbf16, #tpu.memory_space<vmem>>, vector<512x2048xbf16>
      %dot_general3A_364 = arith.constant dense<0.000000e+00> : vector<8x2048xf32>
      %dot_general3A_365 = tpu.matmul %convert_element_type3A_360, %get3A_363, %dot_general3A_364 {dimension_numbers = #tpu.dot_dimension_numbers<[1], [0], [0], [1], [0, 0, 1, 1], [], []>, transpose_lhs_hint = false} : vector<8x512xbf16>, vector<512x2048xbf16>, vector<8x2048xf32> -> vector<8x2048xf32>
      %add3A_366 = arith.addf %get3A_356, %dot_general3A_365 : vector<8x2048xf32>
      %get3A_367 = arith.constant 0 : index
      %get3A_368 = arith.constant 0 : index
      %get3A_369 = vector.load %arg10[%get3A_367, %get3A_368] : memref<8x512xf32, #tpu.memory_space<vmem>>, vector<8x512xf32>
      %get3A_370 = arith.constant 0 : index
      %get3A_371 = arith.constant 0 : index
      %get3A_372 = vector.load %arg11[%get3A_370, %get3A_371] : memref<8x512xf32, #tpu.memory_space<vmem>>, vector<8x512xf32>
      %get3A_373 = arith.index_cast %mul3A_353 : i32 to index
      %get3A_374 = arith.constant 0 : index
      %get3A_375 = vector.load %arg4[%get3A_373, %get3A_374] : memref<512x1xf32, #tpu.memory_space<vmem>>, vector<8x1xf32>
      %slice3A_376 = vector.extract_strided_slice %add3A_366 {offsets = [0, 0], sizes = [8, 512], strides = [1, 1]} : vector<8x2048xf32> to vector<8x512xf32>
      %logistic3A_377 = arith.negf %slice3A_376 : vector<8x512xf32>
      %logistic3A_378 = math.exp %logistic3A_377 : vector<8x512xf32>
      %logistic3A_379 = arith.constant 1.000000e+00 : f32
      %logistic3A_380 = vector.broadcast %logistic3A_379 : f32 to vector<8x512xf32>
      %logistic3A_381 = arith.addf %logistic3A_380, %logistic3A_378 : vector<8x512xf32>
      %logistic3A_382 = arith.divf %logistic3A_380, %logistic3A_381 : vector<8x512xf32>
      %slice3A_383 = vector.extract_strided_slice %add3A_366 {offsets = [0, 512], sizes = [8, 512], strides = [1, 1]} : vector<8x2048xf32> to vector<8x512xf32>
      %logistic3A_384 = arith.negf %slice3A_383 : vector<8x512xf32>
      %logistic3A_385 = math.exp %logistic3A_384 : vector<8x512xf32>
      %logistic3A_386 = arith.constant 1.000000e+00 : f32
      %logistic3A_387 = vector.broadcast %logistic3A_386 : f32 to vector<8x512xf32>
      %logistic3A_388 = arith.addf %logistic3A_387, %logistic3A_385 : vector<8x512xf32>
      %logistic3A_389 = arith.divf %logistic3A_387, %logistic3A_388 : vector<8x512xf32>
      %slice3A_390 = vector.extract_strided_slice %add3A_366 {offsets = [0, 1024], sizes = [8, 512], strides = [1, 1]} : vector<8x2048xf32> to vector<8x512xf32>
      %tanh3A_391 = math.tanh %slice3A_390 : vector<8x512xf32>
      %slice3A_392 = vector.extract_strided_slice %add3A_366 {offsets = [0, 1536], sizes = [8, 512], strides = [1, 1]} : vector<8x2048xf32> to vector<8x512xf32>
      %logistic3A_393 = arith.negf %slice3A_392 : vector<8x512xf32>
      %logistic3A_394 = math.exp %logistic3A_393 : vector<8x512xf32>
      %logistic3A_395 = arith.constant 1.000000e+00 : f32
      %logistic3A_396 = vector.broadcast %logistic3A_395 : f32 to vector<8x512xf32>
      %logistic3A_397 = arith.addf %logistic3A_396, %logistic3A_394 : vector<8x512xf32>
      %logistic3A_398 = arith.divf %logistic3A_396, %logistic3A_397 : vector<8x512xf32>
      %mul3A_399 = arith.mulf %logistic3A_389, %get3A_372 : vector<8x512xf32>
      %mul3A_400 = arith.mulf %logistic3A_382, %tanh3A_391 : vector<8x512xf32>
      %add3A_401 = arith.addf %mul3A_399, %mul3A_400 : vector<8x512xf32>
      %tanh3A_402 = math.tanh %add3A_401 : vector<8x512xf32>
      %mul3A_403 = arith.mulf %logistic3A_398, %tanh3A_402 : vector<8x512xf32>
      %gt3A_404 = arith.constant 5.000000e-01 : f32
      %gt3A_405 = vector.broadcast %gt3A_404 : f32 to vector<8x1xf32>
      %gt3A_406 = arith.cmpf ogt, %get3A_375, %gt3A_405 : vector<8x1xf32>
      %broadcast_in_dim3A_407 = vector.shape_cast %gt3A_406 : vector<8x1xi1> to vector<8x1xi1>
      %broadcast_in_dim3A_408 = vector.broadcast %broadcast_in_dim3A_407 : vector<8x1xi1> to vector<8x512xi1>
      %select_n3A_409 = arith.select %broadcast_in_dim3A_408, %mul3A_403, %get3A_369 : vector<8x512xi1>, vector<8x512xf32>
      %broadcast_in_dim3A_410 = vector.shape_cast %gt3A_406 : vector<8x1xi1> to vector<8x1xi1>
      %broadcast_in_dim3A_411 = vector.broadcast %broadcast_in_dim3A_410 : vector<8x1xi1> to vector<8x512xi1>
      %select_n3A_412 = arith.select %broadcast_in_dim3A_411, %add3A_401, %get3A_372 : vector<8x512xi1>, vector<8x512xf32>
      %swap3A_413 = arith.constant 0 : index
      %swap3A_414 = arith.constant 0 : index
      %swap3A_415 = vector.load %arg10[%swap3A_413, %swap3A_414] : memref<8x512xf32, #tpu.memory_space<vmem>>, vector<8x512xf32>
      tpu.vector_store %arg10[%swap3A_413, %swap3A_414], %select_n3A_409 {strides = array<i32>} : memref<8x512xf32, #tpu.memory_space<vmem>>, vector<8x512xf32>,
      %swap3A_416 = arith.constant 0 : index
      %swap3A_417 = arith.constant 0 : index
      %swap3A_418 = vector.load %arg11[%swap3A_416, %swap3A_417] : memref<8x512xf32, #tpu.memory_space<vmem>>, vector<8x512xf32>
      tpu.vector_store %arg11[%swap3A_416, %swap3A_417], %select_n3A_412 {strides = array<i32>} : memref<8x512xf32, #tpu.memory_space<vmem>>, vector<8x512xf32>,
      %scan3A_419 = arith.constant 3 : i32
      %scan3A_420 = arith.addi %scan3A_16, %scan3A_419 : i32
      %mul3A_421 = arith.constant 8 : i32
      %mul3A_422 = arith.muli %scan3A_420, %mul3A_421 : i32
      %get3A_423 = arith.index_cast %mul3A_422 : i32 to index
      %get3A_424 = arith.constant 0 : index
      %get3A_425 = vector.load %arg1[%get3A_423, %get3A_424] : memref<512x2048xf32, #tpu.memory_space<vmem>>, vector<8x2048xf32>
      %get3A_426 = arith.constant 0 : index
      %get3A_427 = arith.constant 0 : index
      %get3A_428 = vector.load %arg8[%get3A_426, %get3A_427] : memref<8x512xf32, #tpu.memory_space<vmem>>, vector<8x512xf32>
      %convert_element_type3A_429 = arith.truncf %get3A_428 : vector<8x512xf32> to vector<8x512xbf16>
      %get3A_430 = arith.constant 0 : index
      %get3A_431 = arith.constant 0 : index
      %get3A_432 = vector.load %arg5[%get3A_430, %get3A_431] : memref<512x2048xbf16, #tpu.memory_space<vmem>>, vector<512x2048xbf16>
      %dot_general3A_433 = arith.constant dense<0.000000e+00> : vector<8x2048xf32>
      %dot_general3A_434 = tpu.matmul %convert_element_type3A_429, %get3A_432, %dot_general3A_433 {dimension_numbers = #tpu.dot_dimension_numbers<[1], [0], [0], [1], [0, 0, 1, 1], [], []>, transpose_lhs_hint = false} : vector<8x512xbf16>, vector<512x2048xbf16>, vector<8x2048xf32> -> vector<8x2048xf32>
      %add3A_435 = arith.addf %get3A_425, %dot_general3A_434 : vector<8x2048xf32>
      %get3A_436 = arith.constant 0 : index
      %get3A_437 = arith.constant 0 : index
      %get3A_438 = vector.load %arg8[%get3A_436, %get3A_437] : memref<8x512xf32, #tpu.memory_space<vmem>>, vector<8x512xf32>
      %get3A_439 = arith.constant 0 : index
      %get3A_440 = arith.constant 0 : index
      %get3A_441 = vector.load %arg9[%get3A_439, %get3A_440] : memref<8x512xf32, #tpu.memory_space<vmem>>, vector<8x512xf32>
      %get3A_442 = arith.index_cast %mul3A_422 : i32 to index
      %get3A_443 = arith.constant 0 : index
      %get3A_444 = vector.load %arg3[%get3A_442, %get3A_443] : memref<512x1xf32, #tpu.memory_space<vmem>>, vector<8x1xf32>
      %slice3A_445 = vector.extract_strided_slice %add3A_435 {offsets = [0, 0], sizes = [8, 512], strides = [1, 1]} : vector<8x2048xf32> to vector<8x512xf32>
      %logistic3A_446 = arith.negf %slice3A_445 : vector<8x512xf32>
      %logistic3A_447 = math.exp %logistic3A_446 : vector<8x512xf32>
      %logistic3A_448 = arith.constant 1.000000e+00 : f32
      %logistic3A_449 = vector.broadcast %logistic3A_448 : f32 to vector<8x512xf32>
      %logistic3A_450 = arith.addf %logistic3A_449, %logistic3A_447 : vector<8x512xf32>
      %logistic3A_451 = arith.divf %logistic3A_449, %logistic3A_450 : vector<8x512xf32>
      %slice3A_452 = vector.extract_strided_slice %add3A_435 {offsets = [0, 512], sizes = [8, 512], strides = [1, 1]} : vector<8x2048xf32> to vector<8x512xf32>
      %logistic3A_453 = arith.negf %slice3A_452 : vector<8x512xf32>
      %logistic3A_454 = math.exp %logistic3A_453 : vector<8x512xf32>
      %logistic3A_455 = arith.constant 1.000000e+00 : f32
      %logistic3A_456 = vector.broadcast %logistic3A_455 : f32 to vector<8x512xf32>
      %logistic3A_457 = arith.addf %logistic3A_456, %logistic3A_454 : vector<8x512xf32>
      %logistic3A_458 = arith.divf %logistic3A_456, %logistic3A_457 : vector<8x512xf32>
      %slice3A_459 = vector.extract_strided_slice %add3A_435 {offsets = [0, 1024], sizes = [8, 512], strides = [1, 1]} : vector<8x2048xf32> to vector<8x512xf32>
      %tanh3A_460 = math.tanh %slice3A_459 : vector<8x512xf32>
      %slice3A_461 = vector.extract_strided_slice %add3A_435 {offsets = [0, 1536], sizes = [8, 512], strides = [1, 1]} : vector<8x2048xf32> to vector<8x512xf32>
      %logistic3A_462 = arith.negf %slice3A_461 : vector<8x512xf32>
      %logistic3A_463 = math.exp %logistic3A_462 : vector<8x512xf32>
      %logistic3A_464 = arith.constant 1.000000e+00 : f32
      %logistic3A_465 = vector.broadcast %logistic3A_464 : f32 to vector<8x512xf32>
      %logistic3A_466 = arith.addf %logistic3A_465, %logistic3A_463 : vector<8x512xf32>
      %logistic3A_467 = arith.divf %logistic3A_465, %logistic3A_466 : vector<8x512xf32>
      %mul3A_468 = arith.mulf %logistic3A_458, %get3A_441 : vector<8x512xf32>
      %mul3A_469 = arith.mulf %logistic3A_451, %tanh3A_460 : vector<8x512xf32>
      %add3A_470 = arith.addf %mul3A_468, %mul3A_469 : vector<8x512xf32>
      %tanh3A_471 = math.tanh %add3A_470 : vector<8x512xf32>
      %mul3A_472 = arith.mulf %logistic3A_467, %tanh3A_471 : vector<8x512xf32>
      %gt3A_473 = arith.constant 5.000000e-01 : f32
      %gt3A_474 = vector.broadcast %gt3A_473 : f32 to vector<8x1xf32>
      %gt3A_475 = arith.cmpf ogt, %get3A_444, %gt3A_474 : vector<8x1xf32>
      %broadcast_in_dim3A_476 = vector.shape_cast %gt3A_475 : vector<8x1xi1> to vector<8x1xi1>
      %broadcast_in_dim3A_477 = vector.broadcast %broadcast_in_dim3A_476 : vector<8x1xi1> to vector<8x512xi1>
      %select_n3A_478 = arith.select %broadcast_in_dim3A_477, %mul3A_472, %get3A_438 : vector<8x512xi1>, vector<8x512xf32>
      %broadcast_in_dim3A_479 = vector.shape_cast %gt3A_475 : vector<8x1xi1> to vector<8x1xi1>
      %broadcast_in_dim3A_480 = vector.broadcast %broadcast_in_dim3A_479 : vector<8x1xi1> to vector<8x512xi1>
      %select_n3A_481 = arith.select %broadcast_in_dim3A_480, %add3A_470, %get3A_441 : vector<8x512xi1>, vector<8x512xf32>
      %swap3A_482 = arith.constant 0 : index
      %swap3A_483 = arith.constant 0 : index
      %swap3A_484 = vector.load %arg8[%swap3A_482, %swap3A_483] : memref<8x512xf32, #tpu.memory_space<vmem>>, vector<8x512xf32>
      tpu.vector_store %arg8[%swap3A_482, %swap3A_483], %select_n3A_478 {strides = array<i32>} : memref<8x512xf32, #tpu.memory_space<vmem>>, vector<8x512xf32>,
      %swap3A_485 = arith.constant 0 : index
      %swap3A_486 = arith.constant 0 : index
      %swap3A_487 = vector.load %arg9[%swap3A_485, %swap3A_486] : memref<8x512xf32, #tpu.memory_space<vmem>>, vector<8x512xf32>
      tpu.vector_store %arg9[%swap3A_485, %swap3A_486], %select_n3A_481 {strides = array<i32>} : memref<8x512xf32, #tpu.memory_space<vmem>>, vector<8x512xf32>,
      %sub3A_488 = arith.constant 63 : i32
      %sub3A_489 = arith.subi %sub3A_488, %scan3A_420 : i32
      %mul3A_490 = arith.constant 8 : i32
      %mul3A_491 = arith.muli %sub3A_489, %mul3A_490 : i32
      %get3A_492 = arith.index_cast %mul3A_491 : i32 to index
      %get3A_493 = arith.constant 0 : index
      %get3A_494 = vector.load %arg2[%get3A_492, %get3A_493] : memref<512x2048xf32, #tpu.memory_space<vmem>>, vector<8x2048xf32>
      %get3A_495 = arith.constant 0 : index
      %get3A_496 = arith.constant 0 : index
      %get3A_497 = vector.load %arg10[%get3A_495, %get3A_496] : memref<8x512xf32, #tpu.memory_space<vmem>>, vector<8x512xf32>
      %convert_element_type3A_498 = arith.truncf %get3A_497 : vector<8x512xf32> to vector<8x512xbf16>
      %get3A_499 = arith.constant 0 : index
      %get3A_500 = arith.constant 0 : index
      %get3A_501 = vector.load %arg6[%get3A_499, %get3A_500] : memref<512x2048xbf16, #tpu.memory_space<vmem>>, vector<512x2048xbf16>
      %dot_general3A_502 = arith.constant dense<0.000000e+00> : vector<8x2048xf32>
      %dot_general3A_503 = tpu.matmul %convert_element_type3A_498, %get3A_501, %dot_general3A_502 {dimension_numbers = #tpu.dot_dimension_numbers<[1], [0], [0], [1], [0, 0, 1, 1], [], []>, transpose_lhs_hint = false} : vector<8x512xbf16>, vector<512x2048xbf16>, vector<8x2048xf32> -> vector<8x2048xf32>
      %add3A_504 = arith.addf %get3A_494, %dot_general3A_503 : vector<8x2048xf32>
      %get3A_505 = arith.constant 0 : index
      %get3A_506 = arith.constant 0 : index
      %get3A_507 = vector.load %arg10[%get3A_505, %get3A_506] : memref<8x512xf32, #tpu.memory_space<vmem>>, vector<8x512xf32>
      %get3A_508 = arith.constant 0 : index
      %get3A_509 = arith.constant 0 : index
      %get3A_510 = vector.load %arg11[%get3A_508, %get3A_509] : memref<8x512xf32, #tpu.memory_space<vmem>>, vector<8x512xf32>
      %get3A_511 = arith.index_cast %mul3A_491 : i32 to index
      %get3A_512 = arith.constant 0 : index
      %get3A_513 = vector.load %arg4[%get3A_511, %get3A_512] : memref<512x1xf32, #tpu.memory_space<vmem>>, vector<8x1xf32>
      %slice3A_514 = vector.extract_strided_slice %add3A_504 {offsets = [0, 0], sizes = [8, 512], strides = [1, 1]} : vector<8x2048xf32> to vector<8x512xf32>
      %logistic3A_515 = arith.negf %slice3A_514 : vector<8x512xf32>
      %logistic3A_516 = math.exp %logistic3A_515 : vector<8x512xf32>
      %logistic3A_517 = arith.constant 1.000000e+00 : f32
      %logistic3A_518 = vector.broadcast %logistic3A_517 : f32 to vector<8x512xf32>
      %logistic3A_519 = arith.addf %logistic3A_518, %logistic3A_516 : vector<8x512xf32>
      %logistic3A_520 = arith.divf %logistic3A_518, %logistic3A_519 : vector<8x512xf32>
      %slice3A_521 = vector.extract_strided_slice %add3A_504 {offsets = [0, 512], sizes = [8, 512], strides = [1, 1]} : vector<8x2048xf32> to vector<8x512xf32>
      %logistic3A_522 = arith.negf %slice3A_521 : vector<8x512xf32>
      %logistic3A_523 = math.exp %logistic3A_522 : vector<8x512xf32>
      %logistic3A_524 = arith.constant 1.000000e+00 : f32
      %logistic3A_525 = vector.broadcast %logistic3A_524 : f32 to vector<8x512xf32>
      %logistic3A_526 = arith.addf %logistic3A_525, %logistic3A_523 : vector<8x512xf32>
      %logistic3A_527 = arith.divf %logistic3A_525, %logistic3A_526 : vector<8x512xf32>
      %slice3A_528 = vector.extract_strided_slice %add3A_504 {offsets = [0, 1024], sizes = [8, 512], strides = [1, 1]} : vector<8x2048xf32> to vector<8x512xf32>
      %tanh3A_529 = math.tanh %slice3A_528 : vector<8x512xf32>
      %slice3A_530 = vector.extract_strided_slice %add3A_504 {offsets = [0, 1536], sizes = [8, 512], strides = [1, 1]} : vector<8x2048xf32> to vector<8x512xf32>
      %logistic3A_531 = arith.negf %slice3A_530 : vector<8x512xf32>
      %logistic3A_532 = math.exp %logistic3A_531 : vector<8x512xf32>
      %logistic3A_533 = arith.constant 1.000000e+00 : f32
      %logistic3A_534 = vector.broadcast %logistic3A_533 : f32 to vector<8x512xf32>
      %logistic3A_535 = arith.addf %logistic3A_534, %logistic3A_532 : vector<8x512xf32>
      %logistic3A_536 = arith.divf %logistic3A_534, %logistic3A_535 : vector<8x512xf32>
      %mul3A_537 = arith.mulf %logistic3A_527, %get3A_510 : vector<8x512xf32>
      %mul3A_538 = arith.mulf %logistic3A_520, %tanh3A_529 : vector<8x512xf32>
      %add3A_539 = arith.addf %mul3A_537, %mul3A_538 : vector<8x512xf32>
      %tanh3A_540 = math.tanh %add3A_539 : vector<8x512xf32>
      %mul3A_541 = arith.mulf %logistic3A_536, %tanh3A_540 : vector<8x512xf32>
      %gt3A_542 = arith.constant 5.000000e-01 : f32
      %gt3A_543 = vector.broadcast %gt3A_542 : f32 to vector<8x1xf32>
      %gt3A_544 = arith.cmpf ogt, %get3A_513, %gt3A_543 : vector<8x1xf32>
      %broadcast_in_dim3A_545 = vector.shape_cast %gt3A_544 : vector<8x1xi1> to vector<8x1xi1>
      %broadcast_in_dim3A_546 = vector.broadcast %broadcast_in_dim3A_545 : vector<8x1xi1> to vector<8x512xi1>
      %select_n3A_547 = arith.select %broadcast_in_dim3A_546, %mul3A_541, %get3A_507 : vector<8x512xi1>, vector<8x512xf32>
      %broadcast_in_dim3A_548 = vector.shape_cast %gt3A_544 : vector<8x1xi1> to vector<8x1xi1>
      %broadcast_in_dim3A_549 = vector.broadcast %broadcast_in_dim3A_548 : vector<8x1xi1> to vector<8x512xi1>
      %select_n3A_550 = arith.select %broadcast_in_dim3A_549, %add3A_539, %get3A_510 : vector<8x512xi1>, vector<8x512xf32>
      %swap3A_551 = arith.constant 0 : index
      %swap3A_552 = arith.constant 0 : index
      %swap3A_553 = vector.load %arg10[%swap3A_551, %swap3A_552] : memref<8x512xf32, #tpu.memory_space<vmem>>, vector<8x512xf32>
      tpu.vector_store %arg10[%swap3A_551, %swap3A_552], %select_n3A_547 {strides = array<i32>} : memref<8x512xf32, #tpu.memory_space<vmem>>, vector<8x512xf32>,
      %swap3A_554 = arith.constant 0 : index
      %swap3A_555 = arith.constant 0 : index
      %swap3A_556 = vector.load %arg11[%swap3A_554, %swap3A_555] : memref<8x512xf32, #tpu.memory_space<vmem>>, vector<8x512xf32>
      tpu.vector_store %arg11[%swap3A_554, %swap3A_555], %select_n3A_550 {strides = array<i32>} : memref<8x512xf32, #tpu.memory_space<vmem>>, vector<8x512xf32>,
      %scan3A_557 = arith.constant 4 : i32
      %scan3A_558 = arith.addi %scan3A_16, %scan3A_557 : i32
      %mul3A_559 = arith.constant 8 : i32
      %mul3A_560 = arith.muli %scan3A_558, %mul3A_559 : i32
      %get3A_561 = arith.index_cast %mul3A_560 : i32 to index
      %get3A_562 = arith.constant 0 : index
      %get3A_563 = vector.load %arg1[%get3A_561, %get3A_562] : memref<512x2048xf32, #tpu.memory_space<vmem>>, vector<8x2048xf32>
      %get3A_564 = arith.constant 0 : index
      %get3A_565 = arith.constant 0 : index
      %get3A_566 = vector.load %arg8[%get3A_564, %get3A_565] : memref<8x512xf32, #tpu.memory_space<vmem>>, vector<8x512xf32>
      %convert_element_type3A_567 = arith.truncf %get3A_566 : vector<8x512xf32> to vector<8x512xbf16>
      %get3A_568 = arith.constant 0 : index
      %get3A_569 = arith.constant 0 : index
      %get3A_570 = vector.load %arg5[%get3A_568, %get3A_569] : memref<512x2048xbf16, #tpu.memory_space<vmem>>, vector<512x2048xbf16>
      %dot_general3A_571 = arith.constant dense<0.000000e+00> : vector<8x2048xf32>
      %dot_general3A_572 = tpu.matmul %convert_element_type3A_567, %get3A_570, %dot_general3A_571 {dimension_numbers = #tpu.dot_dimension_numbers<[1], [0], [0], [1], [0, 0, 1, 1], [], []>, transpose_lhs_hint = false} : vector<8x512xbf16>, vector<512x2048xbf16>, vector<8x2048xf32> -> vector<8x2048xf32>
      %add3A_573 = arith.addf %get3A_563, %dot_general3A_572 : vector<8x2048xf32>
      %get3A_574 = arith.constant 0 : index
      %get3A_575 = arith.constant 0 : index
      %get3A_576 = vector.load %arg8[%get3A_574, %get3A_575] : memref<8x512xf32, #tpu.memory_space<vmem>>, vector<8x512xf32>
      %get3A_577 = arith.constant 0 : index
      %get3A_578 = arith.constant 0 : index
      %get3A_579 = vector.load %arg9[%get3A_577, %get3A_578] : memref<8x512xf32, #tpu.memory_space<vmem>>, vector<8x512xf32>
      %get3A_580 = arith.index_cast %mul3A_560 : i32 to index
      %get3A_581 = arith.constant 0 : index
      %get3A_582 = vector.load %arg3[%get3A_580, %get3A_581] : memref<512x1xf32, #tpu.memory_space<vmem>>, vector<8x1xf32>
      %slice3A_583 = vector.extract_strided_slice %add3A_573 {offsets = [0, 0], sizes = [8, 512], strides = [1, 1]} : vector<8x2048xf32> to vector<8x512xf32>
      %logistic3A_584 = arith.negf %slice3A_583 : vector<8x512xf32>
      %logistic3A_585 = math.exp %logistic3A_584 : vector<8x512xf32>
      %logistic3A_586 = arith.constant 1.000000e+00 : f32
      %logistic3A_587 = vector.broadcast %logistic3A_586 : f32 to vector<8x512xf32>
      %logistic3A_588 = arith.addf %logistic3A_587, %logistic3A_585 : vector<8x512xf32>
      %logistic3A_589 = arith.divf %logistic3A_587, %logistic3A_588 : vector<8x512xf32>
      %slice3A_590 = vector.extract_strided_slice %add3A_573 {offsets = [0, 512], sizes = [8, 512], strides = [1, 1]} : vector<8x2048xf32> to vector<8x512xf32>
      %logistic3A_591 = arith.negf %slice3A_590 : vector<8x512xf32>
      %logistic3A_592 = math.exp %logistic3A_591 : vector<8x512xf32>
      %logistic3A_593 = arith.constant 1.000000e+00 : f32
      %logistic3A_594 = vector.broadcast %logistic3A_593 : f32 to vector<8x512xf32>
      %logistic3A_595 = arith.addf %logistic3A_594, %logistic3A_592 : vector<8x512xf32>
      %logistic3A_596 = arith.divf %logistic3A_594, %logistic3A_595 : vector<8x512xf32>
      %slice3A_597 = vector.extract_strided_slice %add3A_573 {offsets = [0, 1024], sizes = [8, 512], strides = [1, 1]} : vector<8x2048xf32> to vector<8x512xf32>
      %tanh3A_598 = math.tanh %slice3A_597 : vector<8x512xf32>
      %slice3A_599 = vector.extract_strided_slice %add3A_573 {offsets = [0, 1536], sizes = [8, 512], strides = [1, 1]} : vector<8x2048xf32> to vector<8x512xf32>
      %logistic3A_600 = arith.negf %slice3A_599 : vector<8x512xf32>
      %logistic3A_601 = math.exp %logistic3A_600 : vector<8x512xf32>
      %logistic3A_602 = arith.constant 1.000000e+00 : f32
      %logistic3A_603 = vector.broadcast %logistic3A_602 : f32 to vector<8x512xf32>
      %logistic3A_604 = arith.addf %logistic3A_603, %logistic3A_601 : vector<8x512xf32>
      %logistic3A_605 = arith.divf %logistic3A_603, %logistic3A_604 : vector<8x512xf32>
      %mul3A_606 = arith.mulf %logistic3A_596, %get3A_579 : vector<8x512xf32>
      %mul3A_607 = arith.mulf %logistic3A_589, %tanh3A_598 : vector<8x512xf32>
      %add3A_608 = arith.addf %mul3A_606, %mul3A_607 : vector<8x512xf32>
      %tanh3A_609 = math.tanh %add3A_608 : vector<8x512xf32>
      %mul3A_610 = arith.mulf %logistic3A_605, %tanh3A_609 : vector<8x512xf32>
      %gt3A_611 = arith.constant 5.000000e-01 : f32
      %gt3A_612 = vector.broadcast %gt3A_611 : f32 to vector<8x1xf32>
      %gt3A_613 = arith.cmpf ogt, %get3A_582, %gt3A_612 : vector<8x1xf32>
      %broadcast_in_dim3A_614 = vector.shape_cast %gt3A_613 : vector<8x1xi1> to vector<8x1xi1>
      %broadcast_in_dim3A_615 = vector.broadcast %broadcast_in_dim3A_614 : vector<8x1xi1> to vector<8x512xi1>
      %select_n3A_616 = arith.select %broadcast_in_dim3A_615, %mul3A_610, %get3A_576 : vector<8x512xi1>, vector<8x512xf32>
      %broadcast_in_dim3A_617 = vector.shape_cast %gt3A_613 : vector<8x1xi1> to vector<8x1xi1>
      %broadcast_in_dim3A_618 = vector.broadcast %broadcast_in_dim3A_617 : vector<8x1xi1> to vector<8x512xi1>
      %select_n3A_619 = arith.select %broadcast_in_dim3A_618, %add3A_608, %get3A_579 : vector<8x512xi1>, vector<8x512xf32>
      %swap3A_620 = arith.constant 0 : index
      %swap3A_621 = arith.constant 0 : index
      %swap3A_622 = vector.load %arg8[%swap3A_620, %swap3A_621] : memref<8x512xf32, #tpu.memory_space<vmem>>, vector<8x512xf32>
      tpu.vector_store %arg8[%swap3A_620, %swap3A_621], %select_n3A_616 {strides = array<i32>} : memref<8x512xf32, #tpu.memory_space<vmem>>, vector<8x512xf32>,
      %swap3A_623 = arith.constant 0 : index
      %swap3A_624 = arith.constant 0 : index
      %swap3A_625 = vector.load %arg9[%swap3A_623, %swap3A_624] : memref<8x512xf32, #tpu.memory_space<vmem>>, vector<8x512xf32>
      tpu.vector_store %arg9[%swap3A_623, %swap3A_624], %select_n3A_619 {strides = array<i32>} : memref<8x512xf32, #tpu.memory_space<vmem>>, vector<8x512xf32>,
      %sub3A_626 = arith.constant 63 : i32
      %sub3A_627 = arith.subi %sub3A_626, %scan3A_558 : i32
      %mul3A_628 = arith.constant 8 : i32
      %mul3A_629 = arith.muli %sub3A_627, %mul3A_628 : i32
      %get3A_630 = arith.index_cast %mul3A_629 : i32 to index
      %get3A_631 = arith.constant 0 : index
      %get3A_632 = vector.load %arg2[%get3A_630, %get3A_631] : memref<512x2048xf32, #tpu.memory_space<vmem>>, vector<8x2048xf32>
      %get3A_633 = arith.constant 0 : index
      %get3A_634 = arith.constant 0 : index
      %get3A_635 = vector.load %arg10[%get3A_633, %get3A_634] : memref<8x512xf32, #tpu.memory_space<vmem>>, vector<8x512xf32>
      %convert_element_type3A_636 = arith.truncf %get3A_635 : vector<8x512xf32> to vector<8x512xbf16>
      %get3A_637 = arith.constant 0 : index
      %get3A_638 = arith.constant 0 : index
      %get3A_639 = vector.load %arg6[%get3A_637, %get3A_638] : memref<512x2048xbf16, #tpu.memory_space<vmem>>, vector<512x2048xbf16>
      %dot_general3A_640 = arith.constant dense<0.000000e+00> : vector<8x2048xf32>
      %dot_general3A_641 = tpu.matmul %convert_element_type3A_636, %get3A_639, %dot_general3A_640 {dimension_numbers = #tpu.dot_dimension_numbers<[1], [0], [0], [1], [0, 0, 1, 1], [], []>, transpose_lhs_hint = false} : vector<8x512xbf16>, vector<512x2048xbf16>, vector<8x2048xf32> -> vector<8x2048xf32>
      %add3A_642 = arith.addf %get3A_632, %dot_general3A_641 : vector<8x2048xf32>
      %get3A_643 = arith.constant 0 : index
      %get3A_644 = arith.constant 0 : index
      %get3A_645 = vector.load %arg10[%get3A_643, %get3A_644] : memref<8x512xf32, #tpu.memory_space<vmem>>, vector<8x512xf32>
      %get3A_646 = arith.constant 0 : index
      %get3A_647 = arith.constant 0 : index
      %get3A_648 = vector.load %arg11[%get3A_646, %get3A_647] : memref<8x512xf32, #tpu.memory_space<vmem>>, vector<8x512xf32>
      %get3A_649 = arith.index_cast %mul3A_629 : i32 to index
      %get3A_650 = arith.constant 0 : index
      %get3A_651 = vector.load %arg4[%get3A_649, %get3A_650] : memref<512x1xf32, #tpu.memory_space<vmem>>, vector<8x1xf32>
      %slice3A_652 = vector.extract_strided_slice %add3A_642 {offsets = [0, 0], sizes = [8, 512], strides = [1, 1]} : vector<8x2048xf32> to vector<8x512xf32>
      %logistic3A_653 = arith.negf %slice3A_652 : vector<8x512xf32>
      %logistic3A_654 = math.exp %logistic3A_653 : vector<8x512xf32>
      %logistic3A_655 = arith.constant 1.000000e+00 : f32
      %logistic3A_656 = vector.broadcast %logistic3A_655 : f32 to vector<8x512xf32>
      %logistic3A_657 = arith.addf %logistic3A_656, %logistic3A_654 : vector<8x512xf32>
      %logistic3A_658 = arith.divf %logistic3A_656, %logistic3A_657 : vector<8x512xf32>
      %slice3A_659 = vector.extract_strided_slice %add3A_642 {offsets = [0, 512], sizes = [8, 512], strides = [1, 1]} : vector<8x2048xf32> to vector<8x512xf32>
      %logistic3A_660 = arith.negf %slice3A_659 : vector<8x512xf32>
      %logistic3A_661 = math.exp %logistic3A_660 : vector<8x512xf32>
      %logistic3A_662 = arith.constant 1.000000e+00 : f32
      %logistic3A_663 = vector.broadcast %logistic3A_662 : f32 to vector<8x512xf32>
      %logistic3A_664 = arith.addf %logistic3A_663, %logistic3A_661 : vector<8x512xf32>
      %logistic3A_665 = arith.divf %logistic3A_663, %logistic3A_664 : vector<8x512xf32>
      %slice3A_666 = vector.extract_strided_slice %add3A_642 {offsets = [0, 1024], sizes = [8, 512], strides = [1, 1]} : vector<8x2048xf32> to vector<8x512xf32>
      %tanh3A_667 = math.tanh %slice3A_666 : vector<8x512xf32>
      %slice3A_668 = vector.extract_strided_slice %add3A_642 {offsets = [0, 1536], sizes = [8, 512], strides = [1, 1]} : vector<8x2048xf32> to vector<8x512xf32>
      %logistic3A_669 = arith.negf %slice3A_668 : vector<8x512xf32>
      %logistic3A_670 = math.exp %logistic3A_669 : vector<8x512xf32>
      %logistic3A_671 = arith.constant 1.000000e+00 : f32
      %logistic3A_672 = vector.broadcast %logistic3A_671 : f32 to vector<8x512xf32>
      %logistic3A_673 = arith.addf %logistic3A_672, %logistic3A_670 : vector<8x512xf32>
      %logistic3A_674 = arith.divf %logistic3A_672, %logistic3A_673 : vector<8x512xf32>
      %mul3A_675 = arith.mulf %logistic3A_665, %get3A_648 : vector<8x512xf32>
      %mul3A_676 = arith.mulf %logistic3A_658, %tanh3A_667 : vector<8x512xf32>
      %add3A_677 = arith.addf %mul3A_675, %mul3A_676 : vector<8x512xf32>
      %tanh3A_678 = math.tanh %add3A_677 : vector<8x512xf32>
      %mul3A_679 = arith.mulf %logistic3A_674, %tanh3A_678 : vector<8x512xf32>
      %gt3A_680 = arith.constant 5.000000e-01 : f32
      %gt3A_681 = vector.broadcast %gt3A_680 : f32 to vector<8x1xf32>
      %gt3A_682 = arith.cmpf ogt, %get3A_651, %gt3A_681 : vector<8x1xf32>
      %broadcast_in_dim3A_683 = vector.shape_cast %gt3A_682 : vector<8x1xi1> to vector<8x1xi1>
      %broadcast_in_dim3A_684 = vector.broadcast %broadcast_in_dim3A_683 : vector<8x1xi1> to vector<8x512xi1>
      %select_n3A_685 = arith.select %broadcast_in_dim3A_684, %mul3A_679, %get3A_645 : vector<8x512xi1>, vector<8x512xf32>
      %broadcast_in_dim3A_686 = vector.shape_cast %gt3A_682 : vector<8x1xi1> to vector<8x1xi1>
      %broadcast_in_dim3A_687 = vector.broadcast %broadcast_in_dim3A_686 : vector<8x1xi1> to vector<8x512xi1>
      %select_n3A_688 = arith.select %broadcast_in_dim3A_687, %add3A_677, %get3A_648 : vector<8x512xi1>, vector<8x512xf32>
      %swap3A_689 = arith.constant 0 : index
      %swap3A_690 = arith.constant 0 : index
      %swap3A_691 = vector.load %arg10[%swap3A_689, %swap3A_690] : memref<8x512xf32, #tpu.memory_space<vmem>>, vector<8x512xf32>
      tpu.vector_store %arg10[%swap3A_689, %swap3A_690], %select_n3A_685 {strides = array<i32>} : memref<8x512xf32, #tpu.memory_space<vmem>>, vector<8x512xf32>,
      %swap3A_692 = arith.constant 0 : index
      %swap3A_693 = arith.constant 0 : index
      %swap3A_694 = vector.load %arg11[%swap3A_692, %swap3A_693] : memref<8x512xf32, #tpu.memory_space<vmem>>, vector<8x512xf32>
      tpu.vector_store %arg11[%swap3A_692, %swap3A_693], %select_n3A_688 {strides = array<i32>} : memref<8x512xf32, #tpu.memory_space<vmem>>, vector<8x512xf32>,
      %scan3A_695 = arith.constant 5 : i32
      %scan3A_696 = arith.addi %scan3A_16, %scan3A_695 : i32
      %mul3A_697 = arith.constant 8 : i32
      %mul3A_698 = arith.muli %scan3A_696, %mul3A_697 : i32
      %get3A_699 = arith.index_cast %mul3A_698 : i32 to index
      %get3A_700 = arith.constant 0 : index
      %get3A_701 = vector.load %arg1[%get3A_699, %get3A_700] : memref<512x2048xf32, #tpu.memory_space<vmem>>, vector<8x2048xf32>
      %get3A_702 = arith.constant 0 : index
      %get3A_703 = arith.constant 0 : index
      %get3A_704 = vector.load %arg8[%get3A_702, %get3A_703] : memref<8x512xf32, #tpu.memory_space<vmem>>, vector<8x512xf32>
      %convert_element_type3A_705 = arith.truncf %get3A_704 : vector<8x512xf32> to vector<8x512xbf16>
      %get3A_706 = arith.constant 0 : index
      %get3A_707 = arith.constant 0 : index
      %get3A_708 = vector.load %arg5[%get3A_706, %get3A_707] : memref<512x2048xbf16, #tpu.memory_space<vmem>>, vector<512x2048xbf16>
      %dot_general3A_709 = arith.constant dense<0.000000e+00> : vector<8x2048xf32>
      %dot_general3A_710 = tpu.matmul %convert_element_type3A_705, %get3A_708, %dot_general3A_709 {dimension_numbers = #tpu.dot_dimension_numbers<[1], [0], [0], [1], [0, 0, 1, 1], [], []>, transpose_lhs_hint = false} : vector<8x512xbf16>, vector<512x2048xbf16>, vector<8x2048xf32> -> vector<8x2048xf32>
      %add3A_711 = arith.addf %get3A_701, %dot_general3A_710 : vector<8x2048xf32>
      %get3A_712 = arith.constant 0 : index
      %get3A_713 = arith.constant 0 : index
      %get3A_714 = vector.load %arg8[%get3A_712, %get3A_713] : memref<8x512xf32, #tpu.memory_space<vmem>>, vector<8x512xf32>
      %get3A_715 = arith.constant 0 : index
      %get3A_716 = arith.constant 0 : index
      %get3A_717 = vector.load %arg9[%get3A_715, %get3A_716] : memref<8x512xf32, #tpu.memory_space<vmem>>, vector<8x512xf32>
      %get3A_718 = arith.index_cast %mul3A_698 : i32 to index
      %get3A_719 = arith.constant 0 : index
      %get3A_720 = vector.load %arg3[%get3A_718, %get3A_719] : memref<512x1xf32, #tpu.memory_space<vmem>>, vector<8x1xf32>
      %slice3A_721 = vector.extract_strided_slice %add3A_711 {offsets = [0, 0], sizes = [8, 512], strides = [1, 1]} : vector<8x2048xf32> to vector<8x512xf32>
      %logistic3A_722 = arith.negf %slice3A_721 : vector<8x512xf32>
      %logistic3A_723 = math.exp %logistic3A_722 : vector<8x512xf32>
      %logistic3A_724 = arith.constant 1.000000e+00 : f32
      %logistic3A_725 = vector.broadcast %logistic3A_724 : f32 to vector<8x512xf32>
      %logistic3A_726 = arith.addf %logistic3A_725, %logistic3A_723 : vector<8x512xf32>
      %logistic3A_727 = arith.divf %logistic3A_725, %logistic3A_726 : vector<8x512xf32>
      %slice3A_728 = vector.extract_strided_slice %add3A_711 {offsets = [0, 512], sizes = [8, 512], strides = [1, 1]} : vector<8x2048xf32> to vector<8x512xf32>
      %logistic3A_729 = arith.negf %slice3A_728 : vector<8x512xf32>
      %logistic3A_730 = math.exp %logistic3A_729 : vector<8x512xf32>
      %logistic3A_731 = arith.constant 1.000000e+00 : f32
      %logistic3A_732 = vector.broadcast %logistic3A_731 : f32 to vector<8x512xf32>
      %logistic3A_733 = arith.addf %logistic3A_732, %logistic3A_730 : vector<8x512xf32>
      %logistic3A_734 = arith.divf %logistic3A_732, %logistic3A_733 : vector<8x512xf32>
      %slice3A_735 = vector.extract_strided_slice %add3A_711 {offsets = [0, 1024], sizes = [8, 512], strides = [1, 1]} : vector<8x2048xf32> to vector<8x512xf32>
      %tanh3A_736 = math.tanh %slice3A_735 : vector<8x512xf32>
      %slice3A_737 = vector.extract_strided_slice %add3A_711 {offsets = [0, 1536], sizes = [8, 512], strides = [1, 1]} : vector<8x2048xf32> to vector<8x512xf32>
      %logistic3A_738 = arith.negf %slice3A_737 : vector<8x512xf32>
      %logistic3A_739 = math.exp %logistic3A_738 : vector<8x512xf32>
      %logistic3A_740 = arith.constant 1.000000e+00 : f32
      %logistic3A_741 = vector.broadcast %logistic3A_740 : f32 to vector<8x512xf32>
      %logistic3A_742 = arith.addf %logistic3A_741, %logistic3A_739 : vector<8x512xf32>
      %logistic3A_743 = arith.divf %logistic3A_741, %logistic3A_742 : vector<8x512xf32>
      %mul3A_744 = arith.mulf %logistic3A_734, %get3A_717 : vector<8x512xf32>
      %mul3A_745 = arith.mulf %logistic3A_727, %tanh3A_736 : vector<8x512xf32>
      %add3A_746 = arith.addf %mul3A_744, %mul3A_745 : vector<8x512xf32>
      %tanh3A_747 = math.tanh %add3A_746 : vector<8x512xf32>
      %mul3A_748 = arith.mulf %logistic3A_743, %tanh3A_747 : vector<8x512xf32>
      %gt3A_749 = arith.constant 5.000000e-01 : f32
      %gt3A_750 = vector.broadcast %gt3A_749 : f32 to vector<8x1xf32>
      %gt3A_751 = arith.cmpf ogt, %get3A_720, %gt3A_750 : vector<8x1xf32>
      %broadcast_in_dim3A_752 = vector.shape_cast %gt3A_751 : vector<8x1xi1> to vector<8x1xi1>
      %broadcast_in_dim3A_753 = vector.broadcast %broadcast_in_dim3A_752 : vector<8x1xi1> to vector<8x512xi1>
      %select_n3A_754 = arith.select %broadcast_in_dim3A_753, %mul3A_748, %get3A_714 : vector<8x512xi1>, vector<8x512xf32>
      %broadcast_in_dim3A_755 = vector.shape_cast %gt3A_751 : vector<8x1xi1> to vector<8x1xi1>
      %broadcast_in_dim3A_756 = vector.broadcast %broadcast_in_dim3A_755 : vector<8x1xi1> to vector<8x512xi1>
      %select_n3A_757 = arith.select %broadcast_in_dim3A_756, %add3A_746, %get3A_717 : vector<8x512xi1>, vector<8x512xf32>
      %swap3A_758 = arith.constant 0 : index
      %swap3A_759 = arith.constant 0 : index
      %swap3A_760 = vector.load %arg8[%swap3A_758, %swap3A_759] : memref<8x512xf32, #tpu.memory_space<vmem>>, vector<8x512xf32>
      tpu.vector_store %arg8[%swap3A_758, %swap3A_759], %select_n3A_754 {strides = array<i32>} : memref<8x512xf32, #tpu.memory_space<vmem>>, vector<8x512xf32>,
      %swap3A_761 = arith.constant 0 : index
      %swap3A_762 = arith.constant 0 : index
      %swap3A_763 = vector.load %arg9[%swap3A_761, %swap3A_762] : memref<8x512xf32, #tpu.memory_space<vmem>>, vector<8x512xf32>
      tpu.vector_store %arg9[%swap3A_761, %swap3A_762], %select_n3A_757 {strides = array<i32>} : memref<8x512xf32, #tpu.memory_space<vmem>>, vector<8x512xf32>,
      %sub3A_764 = arith.constant 63 : i32
      %sub3A_765 = arith.subi %sub3A_764, %scan3A_696 : i32
      %mul3A_766 = arith.constant 8 : i32
      %mul3A_767 = arith.muli %sub3A_765, %mul3A_766 : i32
      %get3A_768 = arith.index_cast %mul3A_767 : i32 to index
      %get3A_769 = arith.constant 0 : index
      %get3A_770 = vector.load %arg2[%get3A_768, %get3A_769] : memref<512x2048xf32, #tpu.memory_space<vmem>>, vector<8x2048xf32>
      %get3A_771 = arith.constant 0 : index
      %get3A_772 = arith.constant 0 : index
      %get3A_773 = vector.load %arg10[%get3A_771, %get3A_772] : memref<8x512xf32, #tpu.memory_space<vmem>>, vector<8x512xf32>
      %convert_element_type3A_774 = arith.truncf %get3A_773 : vector<8x512xf32> to vector<8x512xbf16>
      %get3A_775 = arith.constant 0 : index
      %get3A_776 = arith.constant 0 : index
      %get3A_777 = vector.load %arg6[%get3A_775, %get3A_776] : memref<512x2048xbf16, #tpu.memory_space<vmem>>, vector<512x2048xbf16>
      %dot_general3A_778 = arith.constant dense<0.000000e+00> : vector<8x2048xf32>
      %dot_general3A_779 = tpu.matmul %convert_element_type3A_774, %get3A_777, %dot_general3A_778 {dimension_numbers = #tpu.dot_dimension_numbers<[1], [0], [0], [1], [0, 0, 1, 1], [], []>, transpose_lhs_hint = false} : vector<8x512xbf16>, vector<512x2048xbf16>, vector<8x2048xf32> -> vector<8x2048xf32>
      %add3A_780 = arith.addf %get3A_770, %dot_general3A_779 : vector<8x2048xf32>
      %get3A_781 = arith.constant 0 : index
      %get3A_782 = arith.constant 0 : index
      %get3A_783 = vector.load %arg10[%get3A_781, %get3A_782] : memref<8x512xf32, #tpu.memory_space<vmem>>, vector<8x512xf32>
      %get3A_784 = arith.constant 0 : index
      %get3A_785 = arith.constant 0 : index
      %get3A_786 = vector.load %arg11[%get3A_784, %get3A_785] : memref<8x512xf32, #tpu.memory_space<vmem>>, vector<8x512xf32>
      %get3A_787 = arith.index_cast %mul3A_767 : i32 to index
      %get3A_788 = arith.constant 0 : index
      %get3A_789 = vector.load %arg4[%get3A_787, %get3A_788] : memref<512x1xf32, #tpu.memory_space<vmem>>, vector<8x1xf32>
      %slice3A_790 = vector.extract_strided_slice %add3A_780 {offsets = [0, 0], sizes = [8, 512], strides = [1, 1]} : vector<8x2048xf32> to vector<8x512xf32>
      %logistic3A_791 = arith.negf %slice3A_790 : vector<8x512xf32>
      %logistic3A_792 = math.exp %logistic3A_791 : vector<8x512xf32>
      %logistic3A_793 = arith.constant 1.000000e+00 : f32
      %logistic3A_794 = vector.broadcast %logistic3A_793 : f32 to vector<8x512xf32>
      %logistic3A_795 = arith.addf %logistic3A_794, %logistic3A_792 : vector<8x512xf32>
      %logistic3A_796 = arith.divf %logistic3A_794, %logistic3A_795 : vector<8x512xf32>
      %slice3A_797 = vector.extract_strided_slice %add3A_780 {offsets = [0, 512], sizes = [8, 512], strides = [1, 1]} : vector<8x2048xf32> to vector<8x512xf32>
      %logistic3A_798 = arith.negf %slice3A_797 : vector<8x512xf32>
      %logistic3A_799 = math.exp %logistic3A_798 : vector<8x512xf32>
      %logistic3A_800 = arith.constant 1.000000e+00 : f32
      %logistic3A_801 = vector.broadcast %logistic3A_800 : f32 to vector<8x512xf32>
      %logistic3A_802 = arith.addf %logistic3A_801, %logistic3A_799 : vector<8x512xf32>
      %logistic3A_803 = arith.divf %logistic3A_801, %logistic3A_802 : vector<8x512xf32>
      %slice3A_804 = vector.extract_strided_slice %add3A_780 {offsets = [0, 1024], sizes = [8, 512], strides = [1, 1]} : vector<8x2048xf32> to vector<8x512xf32>
      %tanh3A_805 = math.tanh %slice3A_804 : vector<8x512xf32>
      %slice3A_806 = vector.extract_strided_slice %add3A_780 {offsets = [0, 1536], sizes = [8, 512], strides = [1, 1]} : vector<8x2048xf32> to vector<8x512xf32>
      %logistic3A_807 = arith.negf %slice3A_806 : vector<8x512xf32>
      %logistic3A_808 = math.exp %logistic3A_807 : vector<8x512xf32>
      %logistic3A_809 = arith.constant 1.000000e+00 : f32
      %logistic3A_810 = vector.broadcast %logistic3A_809 : f32 to vector<8x512xf32>
      %logistic3A_811 = arith.addf %logistic3A_810, %logistic3A_808 : vector<8x512xf32>
      %logistic3A_812 = arith.divf %logistic3A_810, %logistic3A_811 : vector<8x512xf32>
      %mul3A_813 = arith.mulf %logistic3A_803, %get3A_786 : vector<8x512xf32>
      %mul3A_814 = arith.mulf %logistic3A_796, %tanh3A_805 : vector<8x512xf32>
      %add3A_815 = arith.addf %mul3A_813, %mul3A_814 : vector<8x512xf32>
      %tanh3A_816 = math.tanh %add3A_815 : vector<8x512xf32>
      %mul3A_817 = arith.mulf %logistic3A_812, %tanh3A_816 : vector<8x512xf32>
      %gt3A_818 = arith.constant 5.000000e-01 : f32
      %gt3A_819 = vector.broadcast %gt3A_818 : f32 to vector<8x1xf32>
      %gt3A_820 = arith.cmpf ogt, %get3A_789, %gt3A_819 : vector<8x1xf32>
      %broadcast_in_dim3A_821 = vector.shape_cast %gt3A_820 : vector<8x1xi1> to vector<8x1xi1>
      %broadcast_in_dim3A_822 = vector.broadcast %broadcast_in_dim3A_821 : vector<8x1xi1> to vector<8x512xi1>
      %select_n3A_823 = arith.select %broadcast_in_dim3A_822, %mul3A_817, %get3A_783 : vector<8x512xi1>, vector<8x512xf32>
      %broadcast_in_dim3A_824 = vector.shape_cast %gt3A_820 : vector<8x1xi1> to vector<8x1xi1>
      %broadcast_in_dim3A_825 = vector.broadcast %broadcast_in_dim3A_824 : vector<8x1xi1> to vector<8x512xi1>
      %select_n3A_826 = arith.select %broadcast_in_dim3A_825, %add3A_815, %get3A_786 : vector<8x512xi1>, vector<8x512xf32>
      %swap3A_827 = arith.constant 0 : index
      %swap3A_828 = arith.constant 0 : index
      %swap3A_829 = vector.load %arg10[%swap3A_827, %swap3A_828] : memref<8x512xf32, #tpu.memory_space<vmem>>, vector<8x512xf32>
      tpu.vector_store %arg10[%swap3A_827, %swap3A_828], %select_n3A_823 {strides = array<i32>} : memref<8x512xf32, #tpu.memory_space<vmem>>, vector<8x512xf32>,
      %swap3A_830 = arith.constant 0 : index
      %swap3A_831 = arith.constant 0 : index
      %swap3A_832 = vector.load %arg11[%swap3A_830, %swap3A_831] : memref<8x512xf32, #tpu.memory_space<vmem>>, vector<8x512xf32>
      tpu.vector_store %arg11[%swap3A_830, %swap3A_831], %select_n3A_826 {strides = array<i32>} : memref<8x512xf32, #tpu.memory_space<vmem>>, vector<8x512xf32>,
      %scan3A_833 = arith.constant 6 : i32
      %scan3A_834 = arith.addi %scan3A_16, %scan3A_833 : i32
      %mul3A_835 = arith.constant 8 : i32
      %mul3A_836 = arith.muli %scan3A_834, %mul3A_835 : i32
      %get3A_837 = arith.index_cast %mul3A_836 : i32 to index
      %get3A_838 = arith.constant 0 : index
      %get3A_839 = vector.load %arg1[%get3A_837, %get3A_838] : memref<512x2048xf32, #tpu.memory_space<vmem>>, vector<8x2048xf32>
      %get3A_840 = arith.constant 0 : index
      %get3A_841 = arith.constant 0 : index
      %get3A_842 = vector.load %arg8[%get3A_840, %get3A_841] : memref<8x512xf32, #tpu.memory_space<vmem>>, vector<8x512xf32>
      %convert_element_type3A_843 = arith.truncf %get3A_842 : vector<8x512xf32> to vector<8x512xbf16>
      %get3A_844 = arith.constant 0 : index
      %get3A_845 = arith.constant 0 : index
      %get3A_846 = vector.load %arg5[%get3A_844, %get3A_845] : memref<512x2048xbf16, #tpu.memory_space<vmem>>, vector<512x2048xbf16>
      %dot_general3A_847 = arith.constant dense<0.000000e+00> : vector<8x2048xf32>
      %dot_general3A_848 = tpu.matmul %convert_element_type3A_843, %get3A_846, %dot_general3A_847 {dimension_numbers = #tpu.dot_dimension_numbers<[1], [0], [0], [1], [0, 0, 1, 1], [], []>, transpose_lhs_hint = false} : vector<8x512xbf16>, vector<512x2048xbf16>, vector<8x2048xf32> -> vector<8x2048xf32>
      %add3A_849 = arith.addf %get3A_839, %dot_general3A_848 : vector<8x2048xf32>
      %get3A_850 = arith.constant 0 : index
      %get3A_851 = arith.constant 0 : index
      %get3A_852 = vector.load %arg8[%get3A_850, %get3A_851] : memref<8x512xf32, #tpu.memory_space<vmem>>, vector<8x512xf32>
      %get3A_853 = arith.constant 0 : index
      %get3A_854 = arith.constant 0 : index
      %get3A_855 = vector.load %arg9[%get3A_853, %get3A_854] : memref<8x512xf32, #tpu.memory_space<vmem>>, vector<8x512xf32>
      %get3A_856 = arith.index_cast %mul3A_836 : i32 to index
      %get3A_857 = arith.constant 0 : index
      %get3A_858 = vector.load %arg3[%get3A_856, %get3A_857] : memref<512x1xf32, #tpu.memory_space<vmem>>, vector<8x1xf32>
      %slice3A_859 = vector.extract_strided_slice %add3A_849 {offsets = [0, 0], sizes = [8, 512], strides = [1, 1]} : vector<8x2048xf32> to vector<8x512xf32>
      %logistic3A_860 = arith.negf %slice3A_859 : vector<8x512xf32>
      %logistic3A_861 = math.exp %logistic3A_860 : vector<8x512xf32>
      %logistic3A_862 = arith.constant 1.000000e+00 : f32
      %logistic3A_863 = vector.broadcast %logistic3A_862 : f32 to vector<8x512xf32>
      %logistic3A_864 = arith.addf %logistic3A_863, %logistic3A_861 : vector<8x512xf32>
      %logistic3A_865 = arith.divf %logistic3A_863, %logistic3A_864 : vector<8x512xf32>
      %slice3A_866 = vector.extract_strided_slice %add3A_849 {offsets = [0, 512], sizes = [8, 512], strides = [1, 1]} : vector<8x2048xf32> to vector<8x512xf32>
      %logistic3A_867 = arith.negf %slice3A_866 : vector<8x512xf32>
      %logistic3A_868 = math.exp %logistic3A_867 : vector<8x512xf32>
      %logistic3A_869 = arith.constant 1.000000e+00 : f32
      %logistic3A_870 = vector.broadcast %logistic3A_869 : f32 to vector<8x512xf32>
      %logistic3A_871 = arith.addf %logistic3A_870, %logistic3A_868 : vector<8x512xf32>
      %logistic3A_872 = arith.divf %logistic3A_870, %logistic3A_871 : vector<8x512xf32>
      %slice3A_873 = vector.extract_strided_slice %add3A_849 {offsets = [0, 1024], sizes = [8, 512], strides = [1, 1]} : vector<8x2048xf32> to vector<8x512xf32>
      %tanh3A_874 = math.tanh %slice3A_873 : vector<8x512xf32>
      %slice3A_875 = vector.extract_strided_slice %add3A_849 {offsets = [0, 1536], sizes = [8, 512], strides = [1, 1]} : vector<8x2048xf32> to vector<8x512xf32>
      %logistic3A_876 = arith.negf %slice3A_875 : vector<8x512xf32>
      %logistic3A_877 = math.exp %logistic3A_876 : vector<8x512xf32>
      %logistic3A_878 = arith.constant 1.000000e+00 : f32
      %logistic3A_879 = vector.broadcast %logistic3A_878 : f32 to vector<8x512xf32>
      %logistic3A_880 = arith.addf %logistic3A_879, %logistic3A_877 : vector<8x512xf32>
      %logistic3A_881 = arith.divf %logistic3A_879, %logistic3A_880 : vector<8x512xf32>
      %mul3A_882 = arith.mulf %logistic3A_872, %get3A_855 : vector<8x512xf32>
      %mul3A_883 = arith.mulf %logistic3A_865, %tanh3A_874 : vector<8x512xf32>
      %add3A_884 = arith.addf %mul3A_882, %mul3A_883 : vector<8x512xf32>
      %tanh3A_885 = math.tanh %add3A_884 : vector<8x512xf32>
      %mul3A_886 = arith.mulf %logistic3A_881, %tanh3A_885 : vector<8x512xf32>
      %gt3A_887 = arith.constant 5.000000e-01 : f32
      %gt3A_888 = vector.broadcast %gt3A_887 : f32 to vector<8x1xf32>
      %gt3A_889 = arith.cmpf ogt, %get3A_858, %gt3A_888 : vector<8x1xf32>
      %broadcast_in_dim3A_890 = vector.shape_cast %gt3A_889 : vector<8x1xi1> to vector<8x1xi1>
      %broadcast_in_dim3A_891 = vector.broadcast %broadcast_in_dim3A_890 : vector<8x1xi1> to vector<8x512xi1>
      %select_n3A_892 = arith.select %broadcast_in_dim3A_891, %mul3A_886, %get3A_852 : vector<8x512xi1>, vector<8x512xf32>
      %broadcast_in_dim3A_893 = vector.shape_cast %gt3A_889 : vector<8x1xi1> to vector<8x1xi1>
      %broadcast_in_dim3A_894 = vector.broadcast %broadcast_in_dim3A_893 : vector<8x1xi1> to vector<8x512xi1>
      %select_n3A_895 = arith.select %broadcast_in_dim3A_894, %add3A_884, %get3A_855 : vector<8x512xi1>, vector<8x512xf32>
      %swap3A_896 = arith.constant 0 : index
      %swap3A_897 = arith.constant 0 : index
      %swap3A_898 = vector.load %arg8[%swap3A_896, %swap3A_897] : memref<8x512xf32, #tpu.memory_space<vmem>>, vector<8x512xf32>
      tpu.vector_store %arg8[%swap3A_896, %swap3A_897], %select_n3A_892 {strides = array<i32>} : memref<8x512xf32, #tpu.memory_space<vmem>>, vector<8x512xf32>,
      %swap3A_899 = arith.constant 0 : index
      %swap3A_900 = arith.constant 0 : index
      %swap3A_901 = vector.load %arg9[%swap3A_899, %swap3A_900] : memref<8x512xf32, #tpu.memory_space<vmem>>, vector<8x512xf32>
      tpu.vector_store %arg9[%swap3A_899, %swap3A_900], %select_n3A_895 {strides = array<i32>} : memref<8x512xf32, #tpu.memory_space<vmem>>, vector<8x512xf32>,
      %sub3A_902 = arith.constant 63 : i32
      %sub3A_903 = arith.subi %sub3A_902, %scan3A_834 : i32
      %mul3A_904 = arith.constant 8 : i32
      %mul3A_905 = arith.muli %sub3A_903, %mul3A_904 : i32
      %get3A_906 = arith.index_cast %mul3A_905 : i32 to index
      %get3A_907 = arith.constant 0 : index
      %get3A_908 = vector.load %arg2[%get3A_906, %get3A_907] : memref<512x2048xf32, #tpu.memory_space<vmem>>, vector<8x2048xf32>
      %get3A_909 = arith.constant 0 : index
      %get3A_910 = arith.constant 0 : index
      %get3A_911 = vector.load %arg10[%get3A_909, %get3A_910] : memref<8x512xf32, #tpu.memory_space<vmem>>, vector<8x512xf32>
      %convert_element_type3A_912 = arith.truncf %get3A_911 : vector<8x512xf32> to vector<8x512xbf16>
      %get3A_913 = arith.constant 0 : index
      %get3A_914 = arith.constant 0 : index
      %get3A_915 = vector.load %arg6[%get3A_913, %get3A_914] : memref<512x2048xbf16, #tpu.memory_space<vmem>>, vector<512x2048xbf16>
      %dot_general3A_916 = arith.constant dense<0.000000e+00> : vector<8x2048xf32>
      %dot_general3A_917 = tpu.matmul %convert_element_type3A_912, %get3A_915, %dot_general3A_916 {dimension_numbers = #tpu.dot_dimension_numbers<[1], [0], [0], [1], [0, 0, 1, 1], [], []>, transpose_lhs_hint = false} : vector<8x512xbf16>, vector<512x2048xbf16>, vector<8x2048xf32> -> vector<8x2048xf32>
      %add3A_918 = arith.addf %get3A_908, %dot_general3A_917 : vector<8x2048xf32>
      %get3A_919 = arith.constant 0 : index
      %get3A_920 = arith.constant 0 : index
      %get3A_921 = vector.load %arg10[%get3A_919, %get3A_920] : memref<8x512xf32, #tpu.memory_space<vmem>>, vector<8x512xf32>
      %get3A_922 = arith.constant 0 : index
      %get3A_923 = arith.constant 0 : index
      %get3A_924 = vector.load %arg11[%get3A_922, %get3A_923] : memref<8x512xf32, #tpu.memory_space<vmem>>, vector<8x512xf32>
      %get3A_925 = arith.index_cast %mul3A_905 : i32 to index
      %get3A_926 = arith.constant 0 : index
      %get3A_927 = vector.load %arg4[%get3A_925, %get3A_926] : memref<512x1xf32, #tpu.memory_space<vmem>>, vector<8x1xf32>
      %slice3A_928 = vector.extract_strided_slice %add3A_918 {offsets = [0, 0], sizes = [8, 512], strides = [1, 1]} : vector<8x2048xf32> to vector<8x512xf32>
      %logistic3A_929 = arith.negf %slice3A_928 : vector<8x512xf32>
      %logistic3A_930 = math.exp %logistic3A_929 : vector<8x512xf32>
      %logistic3A_931 = arith.constant 1.000000e+00 : f32
      %logistic3A_932 = vector.broadcast %logistic3A_931 : f32 to vector<8x512xf32>
      %logistic3A_933 = arith.addf %logistic3A_932, %logistic3A_930 : vector<8x512xf32>
      %logistic3A_934 = arith.divf %logistic3A_932, %logistic3A_933 : vector<8x512xf32>
      %slice3A_935 = vector.extract_strided_slice %add3A_918 {offsets = [0, 512], sizes = [8, 512], strides = [1, 1]} : vector<8x2048xf32> to vector<8x512xf32>
      %logistic3A_936 = arith.negf %slice3A_935 : vector<8x512xf32>
      %logistic3A_937 = math.exp %logistic3A_936 : vector<8x512xf32>
      %logistic3A_938 = arith.constant 1.000000e+00 : f32
      %logistic3A_939 = vector.broadcast %logistic3A_938 : f32 to vector<8x512xf32>
      %logistic3A_940 = arith.addf %logistic3A_939, %logistic3A_937 : vector<8x512xf32>
      %logistic3A_941 = arith.divf %logistic3A_939, %logistic3A_940 : vector<8x512xf32>
      %slice3A_942 = vector.extract_strided_slice %add3A_918 {offsets = [0, 1024], sizes = [8, 512], strides = [1, 1]} : vector<8x2048xf32> to vector<8x512xf32>
      %tanh3A_943 = math.tanh %slice3A_942 : vector<8x512xf32>
      %slice3A_944 = vector.extract_strided_slice %add3A_918 {offsets = [0, 1536], sizes = [8, 512], strides = [1, 1]} : vector<8x2048xf32> to vector<8x512xf32>
      %logistic3A_945 = arith.negf %slice3A_944 : vector<8x512xf32>
      %logistic3A_946 = math.exp %logistic3A_945 : vector<8x512xf32>
      %logistic3A_947 = arith.constant 1.000000e+00 : f32
      %logistic3A_948 = vector.broadcast %logistic3A_947 : f32 to vector<8x512xf32>
      %logistic3A_949 = arith.addf %logistic3A_948, %logistic3A_946 : vector<8x512xf32>
      %logistic3A_950 = arith.divf %logistic3A_948, %logistic3A_949 : vector<8x512xf32>
      %mul3A_951 = arith.mulf %logistic3A_941, %get3A_924 : vector<8x512xf32>
      %mul3A_952 = arith.mulf %logistic3A_934, %tanh3A_943 : vector<8x512xf32>
      %add3A_953 = arith.addf %mul3A_951, %mul3A_952 : vector<8x512xf32>
      %tanh3A_954 = math.tanh %add3A_953 : vector<8x512xf32>
      %mul3A_955 = arith.mulf %logistic3A_950, %tanh3A_954 : vector<8x512xf32>
      %gt3A_956 = arith.constant 5.000000e-01 : f32
      %gt3A_957 = vector.broadcast %gt3A_956 : f32 to vector<8x1xf32>
      %gt3A_958 = arith.cmpf ogt, %get3A_927, %gt3A_957 : vector<8x1xf32>
      %broadcast_in_dim3A_959 = vector.shape_cast %gt3A_958 : vector<8x1xi1> to vector<8x1xi1>
      %broadcast_in_dim3A_960 = vector.broadcast %broadcast_in_dim3A_959 : vector<8x1xi1> to vector<8x512xi1>
      %select_n3A_961 = arith.select %broadcast_in_dim3A_960, %mul3A_955, %get3A_921 : vector<8x512xi1>, vector<8x512xf32>
      %broadcast_in_dim3A_962 = vector.shape_cast %gt3A_958 : vector<8x1xi1> to vector<8x1xi1>
      %broadcast_in_dim3A_963 = vector.broadcast %broadcast_in_dim3A_962 : vector<8x1xi1> to vector<8x512xi1>
      %select_n3A_964 = arith.select %broadcast_in_dim3A_963, %add3A_953, %get3A_924 : vector<8x512xi1>, vector<8x512xf32>
      %swap3A_965 = arith.constant 0 : index
      %swap3A_966 = arith.constant 0 : index
      %swap3A_967 = vector.load %arg10[%swap3A_965, %swap3A_966] : memref<8x512xf32, #tpu.memory_space<vmem>>, vector<8x512xf32>
      tpu.vector_store %arg10[%swap3A_965, %swap3A_966], %select_n3A_961 {strides = array<i32>} : memref<8x512xf32, #tpu.memory_space<vmem>>, vector<8x512xf32>,
      %swap3A_968 = arith.constant 0 : index
      %swap3A_969 = arith.constant 0 : index
      %swap3A_970 = vector.load %arg11[%swap3A_968, %swap3A_969] : memref<8x512xf32, #tpu.memory_space<vmem>>, vector<8x512xf32>
      tpu.vector_store %arg11[%swap3A_968, %swap3A_969], %select_n3A_964 {strides = array<i32>} : memref<8x512xf32, #tpu.memory_space<vmem>>, vector<8x512xf32>,
      %scan3A_971 = arith.constant 7 : i32
      %scan3A_972 = arith.addi %scan3A_16, %scan3A_971 : i32
      %mul3A_973 = arith.constant 8 : i32
      %mul3A_974 = arith.muli %scan3A_972, %mul3A_973 : i32
      %get3A_975 = arith.index_cast %mul3A_974 : i32 to index
      %get3A_976 = arith.constant 0 : index
      %get3A_977 = vector.load %arg1[%get3A_975, %get3A_976] : memref<512x2048xf32, #tpu.memory_space<vmem>>, vector<8x2048xf32>
      %get3A_978 = arith.constant 0 : index
      %get3A_979 = arith.constant 0 : index
      %get3A_980 = vector.load %arg8[%get3A_978, %get3A_979] : memref<8x512xf32, #tpu.memory_space<vmem>>, vector<8x512xf32>
      %convert_element_type3A_981 = arith.truncf %get3A_980 : vector<8x512xf32> to vector<8x512xbf16>
      %get3A_982 = arith.constant 0 : index
      %get3A_983 = arith.constant 0 : index
      %get3A_984 = vector.load %arg5[%get3A_982, %get3A_983] : memref<512x2048xbf16, #tpu.memory_space<vmem>>, vector<512x2048xbf16>
      %dot_general3A_985 = arith.constant dense<0.000000e+00> : vector<8x2048xf32>
      %dot_general3A_986 = tpu.matmul %convert_element_type3A_981, %get3A_984, %dot_general3A_985 {dimension_numbers = #tpu.dot_dimension_numbers<[1], [0], [0], [1], [0, 0, 1, 1], [], []>, transpose_lhs_hint = false} : vector<8x512xbf16>, vector<512x2048xbf16>, vector<8x2048xf32> -> vector<8x2048xf32>
      %add3A_987 = arith.addf %get3A_977, %dot_general3A_986 : vector<8x2048xf32>
      %get3A_988 = arith.constant 0 : index
      %get3A_989 = arith.constant 0 : index
      %get3A_990 = vector.load %arg8[%get3A_988, %get3A_989] : memref<8x512xf32, #tpu.memory_space<vmem>>, vector<8x512xf32>
      %get3A_991 = arith.constant 0 : index
      %get3A_992 = arith.constant 0 : index
      %get3A_993 = vector.load %arg9[%get3A_991, %get3A_992] : memref<8x512xf32, #tpu.memory_space<vmem>>, vector<8x512xf32>
      %get3A_994 = arith.index_cast %mul3A_974 : i32 to index
      %get3A_995 = arith.constant 0 : index
      %get3A_996 = vector.load %arg3[%get3A_994, %get3A_995] : memref<512x1xf32, #tpu.memory_space<vmem>>, vector<8x1xf32>
      %slice3A_997 = vector.extract_strided_slice %add3A_987 {offsets = [0, 0], sizes = [8, 512], strides = [1, 1]} : vector<8x2048xf32> to vector<8x512xf32>
      %logistic3A_998 = arith.negf %slice3A_997 : vector<8x512xf32>
      %logistic3A_999 = math.exp %logistic3A_998 : vector<8x512xf32>
      %logistic3A_1000 = arith.constant 1.000000e+00 : f32
      %logistic3A_1001 = vector.broadcast %logistic3A_1000 : f32 to vector<8x512xf32>
      %logistic3A_1002 = arith.addf %logistic3A_1001, %logistic3A_999 : vector<8x512xf32>
      %logistic3A_1003 = arith.divf %logistic3A_1001, %logistic3A_1002 : vector<8x512xf32>
      %slice3A_1004 = vector.extract_strided_slice %add3A_987 {offsets = [0, 512], sizes = [8, 512], strides = [1, 1]} : vector<8x2048xf32> to vector<8x512xf32>
      %logistic3A_1005 = arith.negf %slice3A_1004 : vector<8x512xf32>
      %logistic3A_1006 = math.exp %logistic3A_1005 : vector<8x512xf32>
      %logistic3A_1007 = arith.constant 1.000000e+00 : f32
      %logistic3A_1008 = vector.broadcast %logistic3A_1007 : f32 to vector<8x512xf32>
      %logistic3A_1009 = arith.addf %logistic3A_1008, %logistic3A_1006 : vector<8x512xf32>
      %logistic3A_1010 = arith.divf %logistic3A_1008, %logistic3A_1009 : vector<8x512xf32>
      %slice3A_1011 = vector.extract_strided_slice %add3A_987 {offsets = [0, 1024], sizes = [8, 512], strides = [1, 1]} : vector<8x2048xf32> to vector<8x512xf32>
      %tanh3A_1012 = math.tanh %slice3A_1011 : vector<8x512xf32>
      %slice3A_1013 = vector.extract_strided_slice %add3A_987 {offsets = [0, 1536], sizes = [8, 512], strides = [1, 1]} : vector<8x2048xf32> to vector<8x512xf32>
      %logistic3A_1014 = arith.negf %slice3A_1013 : vector<8x512xf32>
      %logistic3A_1015 = math.exp %logistic3A_1014 : vector<8x512xf32>
      %logistic3A_1016 = arith.constant 1.000000e+00 : f32
      %logistic3A_1017 = vector.broadcast %logistic3A_1016 : f32 to vector<8x512xf32>
      %logistic3A_1018 = arith.addf %logistic3A_1017, %logistic3A_1015 : vector<8x512xf32>
      %logistic3A_1019 = arith.divf %logistic3A_1017, %logistic3A_1018 : vector<8x512xf32>
      %mul3A_1020 = arith.mulf %logistic3A_1010, %get3A_993 : vector<8x512xf32>
      %mul3A_1021 = arith.mulf %logistic3A_1003, %tanh3A_1012 : vector<8x512xf32>
      %add3A_1022 = arith.addf %mul3A_1020, %mul3A_1021 : vector<8x512xf32>
      %tanh3A_1023 = math.tanh %add3A_1022 : vector<8x512xf32>
      %mul3A_1024 = arith.mulf %logistic3A_1019, %tanh3A_1023 : vector<8x512xf32>
      %gt3A_1025 = arith.constant 5.000000e-01 : f32
      %gt3A_1026 = vector.broadcast %gt3A_1025 : f32 to vector<8x1xf32>
      %gt3A_1027 = arith.cmpf ogt, %get3A_996, %gt3A_1026 : vector<8x1xf32>
      %broadcast_in_dim3A_1028 = vector.shape_cast %gt3A_1027 : vector<8x1xi1> to vector<8x1xi1>
      %broadcast_in_dim3A_1029 = vector.broadcast %broadcast_in_dim3A_1028 : vector<8x1xi1> to vector<8x512xi1>
      %select_n3A_1030 = arith.select %broadcast_in_dim3A_1029, %mul3A_1024, %get3A_990 : vector<8x512xi1>, vector<8x512xf32>
      %broadcast_in_dim3A_1031 = vector.shape_cast %gt3A_1027 : vector<8x1xi1> to vector<8x1xi1>
      %broadcast_in_dim3A_1032 = vector.broadcast %broadcast_in_dim3A_1031 : vector<8x1xi1> to vector<8x512xi1>
      %select_n3A_1033 = arith.select %broadcast_in_dim3A_1032, %add3A_1022, %get3A_993 : vector<8x512xi1>, vector<8x512xf32>
      %swap3A_1034 = arith.constant 0 : index
      %swap3A_1035 = arith.constant 0 : index
      %swap3A_1036 = vector.load %arg8[%swap3A_1034, %swap3A_1035] : memref<8x512xf32, #tpu.memory_space<vmem>>, vector<8x512xf32>
      tpu.vector_store %arg8[%swap3A_1034, %swap3A_1035], %select_n3A_1030 {strides = array<i32>} : memref<8x512xf32, #tpu.memory_space<vmem>>, vector<8x512xf32>,
      %swap3A_1037 = arith.constant 0 : index
      %swap3A_1038 = arith.constant 0 : index
      %swap3A_1039 = vector.load %arg9[%swap3A_1037, %swap3A_1038] : memref<8x512xf32, #tpu.memory_space<vmem>>, vector<8x512xf32>
      tpu.vector_store %arg9[%swap3A_1037, %swap3A_1038], %select_n3A_1033 {strides = array<i32>} : memref<8x512xf32, #tpu.memory_space<vmem>>, vector<8x512xf32>,
      %sub3A_1040 = arith.constant 63 : i32
      %sub3A_1041 = arith.subi %sub3A_1040, %scan3A_972 : i32
      %mul3A_1042 = arith.constant 8 : i32
      %mul3A_1043 = arith.muli %sub3A_1041, %mul3A_1042 : i32
      %get3A_1044 = arith.index_cast %mul3A_1043 : i32 to index
      %get3A_1045 = arith.constant 0 : index
      %get3A_1046 = vector.load %arg2[%get3A_1044, %get3A_1045] : memref<512x2048xf32, #tpu.memory_space<vmem>>, vector<8x2048xf32>
      %get3A_1047 = arith.constant 0 : index
      %get3A_1048 = arith.constant 0 : index
      %get3A_1049 = vector.load %arg10[%get3A_1047, %get3A_1048] : memref<8x512xf32, #tpu.memory_space<vmem>>, vector<8x512xf32>
      %convert_element_type3A_1050 = arith.truncf %get3A_1049 : vector<8x512xf32> to vector<8x512xbf16>
      %get3A_1051 = arith.constant 0 : index
      %get3A_1052 = arith.constant 0 : index
      %get3A_1053 = vector.load %arg6[%get3A_1051, %get3A_1052] : memref<512x2048xbf16, #tpu.memory_space<vmem>>, vector<512x2048xbf16>
      %dot_general3A_1054 = arith.constant dense<0.000000e+00> : vector<8x2048xf32>
      %dot_general3A_1055 = tpu.matmul %convert_element_type3A_1050, %get3A_1053, %dot_general3A_1054 {dimension_numbers = #tpu.dot_dimension_numbers<[1], [0], [0], [1], [0, 0, 1, 1], [], []>, transpose_lhs_hint = false} : vector<8x512xbf16>, vector<512x2048xbf16>, vector<8x2048xf32> -> vector<8x2048xf32>
      %add3A_1056 = arith.addf %get3A_1046, %dot_general3A_1055 : vector<8x2048xf32>
      %get3A_1057 = arith.constant 0 : index
      %get3A_1058 = arith.constant 0 : index
      %get3A_1059 = vector.load %arg10[%get3A_1057, %get3A_1058] : memref<8x512xf32, #tpu.memory_space<vmem>>, vector<8x512xf32>
      %get3A_1060 = arith.constant 0 : index
      %get3A_1061 = arith.constant 0 : index
      %get3A_1062 = vector.load %arg11[%get3A_1060, %get3A_1061] : memref<8x512xf32, #tpu.memory_space<vmem>>, vector<8x512xf32>
      %get3A_1063 = arith.index_cast %mul3A_1043 : i32 to index
      %get3A_1064 = arith.constant 0 : index
      %get3A_1065 = vector.load %arg4[%get3A_1063, %get3A_1064] : memref<512x1xf32, #tpu.memory_space<vmem>>, vector<8x1xf32>
      %slice3A_1066 = vector.extract_strided_slice %add3A_1056 {offsets = [0, 0], sizes = [8, 512], strides = [1, 1]} : vector<8x2048xf32> to vector<8x512xf32>
      %logistic3A_1067 = arith.negf %slice3A_1066 : vector<8x512xf32>
      %logistic3A_1068 = math.exp %logistic3A_1067 : vector<8x512xf32>
      %logistic3A_1069 = arith.constant 1.000000e+00 : f32
      %logistic3A_1070 = vector.broadcast %logistic3A_1069 : f32 to vector<8x512xf32>
      %logistic3A_1071 = arith.addf %logistic3A_1070, %logistic3A_1068 : vector<8x512xf32>
      %logistic3A_1072 = arith.divf %logistic3A_1070, %logistic3A_1071 : vector<8x512xf32>
      %slice3A_1073 = vector.extract_strided_slice %add3A_1056 {offsets = [0, 512], sizes = [8, 512], strides = [1, 1]} : vector<8x2048xf32> to vector<8x512xf32>
      %logistic3A_1074 = arith.negf %slice3A_1073 : vector<8x512xf32>
      %logistic3A_1075 = math.exp %logistic3A_1074 : vector<8x512xf32>
      %logistic3A_1076 = arith.constant 1.000000e+00 : f32
      %logistic3A_1077 = vector.broadcast %logistic3A_1076 : f32 to vector<8x512xf32>
      %logistic3A_1078 = arith.addf %logistic3A_1077, %logistic3A_1075 : vector<8x512xf32>
      %logistic3A_1079 = arith.divf %logistic3A_1077, %logistic3A_1078 : vector<8x512xf32>
      %slice3A_1080 = vector.extract_strided_slice %add3A_1056 {offsets = [0, 1024], sizes = [8, 512], strides = [1, 1]} : vector<8x2048xf32> to vector<8x512xf32>
      %tanh3A_1081 = math.tanh %slice3A_1080 : vector<8x512xf32>
      %slice3A_1082 = vector.extract_strided_slice %add3A_1056 {offsets = [0, 1536], sizes = [8, 512], strides = [1, 1]} : vector<8x2048xf32> to vector<8x512xf32>
      %logistic3A_1083 = arith.negf %slice3A_1082 : vector<8x512xf32>
      %logistic3A_1084 = math.exp %logistic3A_1083 : vector<8x512xf32>
      %logistic3A_1085 = arith.constant 1.000000e+00 : f32
      %logistic3A_1086 = vector.broadcast %logistic3A_1085 : f32 to vector<8x512xf32>
      %logistic3A_1087 = arith.addf %logistic3A_1086, %logistic3A_1084 : vector<8x512xf32>
      %logistic3A_1088 = arith.divf %logistic3A_1086, %logistic3A_1087 : vector<8x512xf32>
      %mul3A_1089 = arith.mulf %logistic3A_1079, %get3A_1062 : vector<8x512xf32>
      %mul3A_1090 = arith.mulf %logistic3A_1072, %tanh3A_1081 : vector<8x512xf32>
      %add3A_1091 = arith.addf %mul3A_1089, %mul3A_1090 : vector<8x512xf32>
      %tanh3A_1092 = math.tanh %add3A_1091 : vector<8x512xf32>
      %mul3A_1093 = arith.mulf %logistic3A_1088, %tanh3A_1092 : vector<8x512xf32>
      %gt3A_1094 = arith.constant 5.000000e-01 : f32
      %gt3A_1095 = vector.broadcast %gt3A_1094 : f32 to vector<8x1xf32>
      %gt3A_1096 = arith.cmpf ogt, %get3A_1065, %gt3A_1095 : vector<8x1xf32>
      %broadcast_in_dim3A_1097 = vector.shape_cast %gt3A_1096 : vector<8x1xi1> to vector<8x1xi1>
      %broadcast_in_dim3A_1098 = vector.broadcast %broadcast_in_dim3A_1097 : vector<8x1xi1> to vector<8x512xi1>
      %select_n3A_1099 = arith.select %broadcast_in_dim3A_1098, %mul3A_1093, %get3A_1059 : vector<8x512xi1>, vector<8x512xf32>
      %broadcast_in_dim3A_1100 = vector.shape_cast %gt3A_1096 : vector<8x1xi1> to vector<8x1xi1>
      %broadcast_in_dim3A_1101 = vector.broadcast %broadcast_in_dim3A_1100 : vector<8x1xi1> to vector<8x512xi1>
      %select_n3A_1102 = arith.select %broadcast_in_dim3A_1101, %add3A_1091, %get3A_1062 : vector<8x512xi1>, vector<8x512xf32>
      %swap3A_1103 = arith.constant 0 : index
      %swap3A_1104 = arith.constant 0 : index
      %swap3A_1105 = vector.load %arg10[%swap3A_1103, %swap3A_1104] : memref<8x512xf32, #tpu.memory_space<vmem>>, vector<8x512xf32>
      tpu.vector_store %arg10[%swap3A_1103, %swap3A_1104], %select_n3A_1099 {strides = array<i32>} : memref<8x512xf32, #tpu.memory_space<vmem>>, vector<8x512xf32>,
      %swap3A_1106 = arith.constant 0 : index
      %swap3A_1107 = arith.constant 0 : index
      %swap3A_1108 = vector.load %arg11[%swap3A_1106, %swap3A_1107] : memref<8x512xf32, #tpu.memory_space<vmem>>, vector<8x512xf32>
      tpu.vector_store %arg11[%swap3A_1106, %swap3A_1107], %select_n3A_1102 {strides = array<i32>} : memref<8x512xf32, #tpu.memory_space<vmem>>, vector<8x512xf32>,
    }
    %scan3A_5 = arith.constant 64 : i32
    %get3A = arith.constant 0 : index
    %get3A_6 = arith.constant 0 : index
    %get3A_7 = vector.load %arg8[%get3A, %get3A_6] : memref<8x512xf32, #tpu.memory_space<vmem>>, vector<8x512xf32>
    %swap3A = arith.constant 0 : index
    %swap3A_8 = arith.constant 0 : index
    %swap3A_9 = vector.load %arg7[%swap3A, %swap3A_8] : memref<8x1024xf32, #tpu.memory_space<vmem>>, vector<8x512xf32>
    tpu.vector_store %arg7[%swap3A, %swap3A_8], %get3A_7 {strides = array<i32>} : memref<8x1024xf32, #tpu.memory_space<vmem>>, vector<8x512xf32>,
    %get3A_10 = arith.constant 0 : index
    %get3A_11 = arith.constant 0 : index
    %get3A_12 = vector.load %arg10[%get3A_10, %get3A_11] : memref<8x512xf32, #tpu.memory_space<vmem>>, vector<8x512xf32>
    %swap3A_13 = arith.constant 0 : index
    %swap3A_14 = arith.constant 512 : index
    %swap3A_15 = vector.load %arg7[%swap3A_13, %swap3A_14] : memref<8x1024xf32, #tpu.memory_space<vmem>>, vector<8x512xf32>
    tpu.vector_store %arg7[%swap3A_13, %swap3A_14], %get3A_12 {strides = array<i32>} : memref<8x1024xf32, #tpu.memory_space<vmem>>, vector<8x512xf32>,
    return
  }
  func.func @transform_0(%arg0: i32) -> (i32, i32) {
    %c0_i32 = arith.constant 0 : i32
    %c0_i32_0 = arith.constant 0 : i32
    return %arg0, %c0_i32 : i32, i32
  }
  func.func @transform_1(%arg0: i32) -> (i32, i32) {
    %sub3A = arith.constant 7 : i32
    %sub3A_0 = arith.subi %sub3A, %arg0 : i32
    %c0_i32 = arith.constant 0 : i32
    %c0_i32_1 = arith.constant 0 : i32
    return %sub3A_0, %c0_i32 : i32, i32
  }
  func.func @transform_2(%arg0: i32) -> (i32, i32) {
    %c0_i32 = arith.constant 0 : i32
    %c0_i32_0 = arith.constant 0 : i32
    return %arg0, %c0_i32 : i32, i32
  }
  func.func @transform_3(%arg0: i32) -> (i32, i32) {
    %sub3A = arith.constant 7 : i32
    %sub3A_0 = arith.subi %sub3A, %arg0 : i32
    %c0_i32 = arith.constant 0 : i32
    %c0_i32_1 = arith.constant 0 : i32
    return %sub3A_0, %c0_i32 : i32, i32
  }
  func.func @transform_4(%arg0: i32) -> (i32, i32) {
    %c0_i32 = arith.constant 0 : i32
    %c0_i32_0 = arith.constant 0 : i32
    %c0_i32_1 = arith.constant 0 : i32
    return %c0_i32, %c0_i32_0 : i32, i32
  }
  func.func @transform_5(%arg0: i32) -> (i32, i32) {
    %c0_i32 = arith.constant 0 : i32
    %c0_i32_0 = arith.constant 0 : i32
    %c0_i32_1 = arith.constant 0 : i32
    return %c0_i32, %c0_i32_0 : i32, i32
  }
  func.func @transform_6(%arg0: i32) -> (i32, i32) {
    %c0_i32 = arith.constant 0 : i32
    %c0_i32_0 = arith.constant 0 : i32
    %c0_i32_1 = arith.constant 0 : i32
    return %c0_i32, %c0_i32_0 : i32, i32
  }
}

</mosaic_0001>

<sc_bundles>
// kernel: kernel.7.cloned.1.call-start
scs
__scs_entry_jumppad:
0x0: {  	(pc) =	sbr.rel $0x88, $3  }
0x1: {  	(tag) =	ssettag $0x0;
	lr =	simm.s32 $0x1  }
0x2: {  	[smem:$0x3F96] =	sst lr;
	_ =	strace $0xD0000000  }
0x3: {  	_ = 	snop  }
0x4: {  	_ = 	snop  }
0x5: {  	_ = 	snop  }
0x6: {  	_ = 	snop  }
0x7: {  	_ = 	snop  }
__scs_overlays_trampoline_lowered:
0x8: {  	[smem:$0x3FA5] =	sst s0  }
0x9: {  	[smem:$0x3FA6] =	sst s1  }
0xa: {  	[smem:$0x3FA7] =	sst s2  }
0xb: {  	[smem:$0x3FA8] =	sst s3  }
0xc: {  	[smem:$0x3FA9] =	sst s4  }
0xd: {  	[smem:$0x3FAA] =	sst s5  }
0xe: {  	[smem:$0x3FAB] =	sst s6  }
0xf: {  	[smem:$0x3FAC] =	sst s7  }
0x10: {  	[smem:$0x3FAD] =	sst s8  }
0x11: {  	[smem:$0x3FAE] =	sst s9;
	s0 =	simm.s32 @!p0 $0x0  }
0x12: {  	s1 =	sld [smem:$0x3F94];
	s0 =	simm.s32 @p0 $0x1  }
0x13: {  	[smem:$0x3FAF] =	sst s0;
	s0 =	simm.s32 @!p1 $0x0  }
0x14: {  	s2 =	sld [smem:$0x3F93];
	s0 =	simm.s32 @p1 $0x1  }
0x15: {  	[smem:$0x3FB0] =	sst s0;
	s0 =	simm.s32 @!p2 $0x0  }
0x16: {  	s3 =	sld [smem:$0x3FDB];
	s0 =	simm.s32 @p2 $0x1  }
0x17: {  	s4 =	simm.s32 $0x1BF5;
	[smem:$0x3FB2] =	sst s0  }
0x18: {  	s0 =	sld [smem:$0x3F95];
	_ =	swait.ge [sflag:s4], $0x0  }
0x19: {  	s7 =	sld [smem:$0x3F96]  }
0x1a: {  	s8 =	sadd.s32 $0xFFFFE003, lr  }
0x1b: {  	s9 =	sadd.s32 $0xFFFFFEF7, lr;
	s5 =	simm.s32 $0xFFFFFFFF;
	p2 =	slt.u32 s8, $0xFFFFF086  }
0x1c: {  	p1 =	slt.u32 s9, $0xF7A;
	s5 =	simm.s32 @!p2 $0x0  }
0x1d: {  	s5 =	simm.s32 @p1 $0x1;
	p0 =	seq.s32 s7, s2  }
0x1e: {  	s7 =	smul.u32 @!p0 $0xF7A, s2;
	p2 =	seq.s32 @!p0 s5, $0x0  }
0x1f: {  	s9 =	smul.u32 $0xF7A, s1;
	s8 =	simm.s32 @!p0 $0x1BF5;
	p2 =	por !p2, p0  }
0x20: {  	[sflag:s8] =	ssyncset.s32 @!p0 $0xFFFFF086;
	s6 =	sadd.s32 @!p0 s3, s7;
	s7 =	simm.s32 @!p0 $0x108  }
0x21: {  	s3 =	sadd.s32 s3, s9;
	s6 =	sadd.s32 @!p0 $0x88, s6;
	s7 =	simm.s32 @p2 $0x1082  }
0x22: {  	[simem:s7], [sflag:s8] =	dma.local @!p0 [hbm:s6], $0xF7A  }
0x23: {  	s9 =	sor.u32 $0xD0000000, s2;
	s6 =	simm.s32 $0x108;
	_ =	swait.ge @!p0 [sflag:s8], $0x0  }
0x24: {  	s3 =	sadd.s32 $0x88, s3;
	s6 =	simm.s32 @!p1 $0x1082;
	[sflag:s4] =	ssyncset.s32 $0xFFFFF086  }
0x25: {  	[simem:s6], [sflag:s4] =	dma.local [hbm:s3], $0xF7A  }
0x26: {  	[smem:$0x3F96] =	sst s1;
	(tag) =	ssettag s2;
	_ =	strace s9  }
0x27: {  	s1 =	sld [smem:$0x3FA6]  }
0x28: {  	s2 =	sld [smem:$0x3FA7]  }
0x29: {  	s4 =	sld [smem:$0x3FA9]  }
0x2a: {  	p0 =	seq.s32 s5, $0x0;
	s5 =	sld [smem:$0x3FAA]  }
0x2b: {  	s6 =	sld [smem:$0x3FAB]  }
0x2c: {  	s7 =	sld [smem:$0x3FAC]  }
0x2d: {  	s3 =	simm.s32 $0x108;
	s8 =	sld [smem:$0x3FAD]  }
0x2e: {  	s3 =	simm.s32 @!p0 $0x1082;
	s9 =	sld [smem:$0x3FAE]  }
0x2f: {  	lr =	sadd.s32 s0, s3;
	s0 =	sld [smem:$0x3FA5]  }
0x30: {  	s3 =	sld [smem:$0x3FA8]  }
0x31: {  	[smem:$0x3FB1] =	sst s10  }
0x32: {  	s10 =	sld [smem:$0x3FAF];
	_ =	sdelay $0x3  }
0x33: {  	p0 =	seq.s32 s10, $0x1;
	s10 =	sld [smem:$0x3FB1];
	_ =	sdelay $0x3  }
0x34: {  	[smem:$0x3FB1] =	sst s10  }
0x35: {  	s10 =	sld [smem:$0x3FB0];
	_ =	sdelay $0x3  }
0x36: {  	p1 =	seq.s32 s10, $0x1;
	s10 =	sld [smem:$0x3FB1];
	_ =	sdelay $0x3  }
0x37: {  	[smem:$0x3FB1] =	sst s10  }
0x38: {  	s10 =	sld [smem:$0x3FB2]  }
0x39: {  	_ = 	snop;
	(pc) =	sbr.ind lr, $3  }
0x3a: {  	_ = 	snop  }
0x3b: {  	_ = 	snop  }
0x3c: {  	p2 =	seq.s32 s10, $0x1;
	s10 =	sld [smem:$0x3FB1]  }
0x3d: {  	_ =	shalt  }
0x3e: {  	_ =	shalt  }
0x3f: {  	_ =	shalt  }
0x40: {  	_ =	shalt  }
0x41: {  	_ =	shalt  }
0x42: {  	_ =	shalt  }
0x43: {  	_ =	shalt  }
0x44: {  	_ =	shalt  }
0x45: {  	_ =	shalt  }
0x46: {  	_ =	shalt  }
0x47: {  	_ =	shalt  }
0x48: {  	_ =	shalt  }
0x49: {  	_ =	shalt  }
0x4a: {  	_ =	shalt  }
0x4b: {  	_ =	shalt  }
0x4c: {  	_ =	shalt  }
0x4d: {  	_ =	shalt  }
0x4e: {  	_ =	shalt  }
0x4f: {  	_ =	shalt  }
0x50: {  	_ =	shalt  }
0x51: {  	_ =	shalt  }
0x52: {  	_ =	shalt  }
0x53: {  	_ =	shalt  }
0x54: {  	_ =	shalt  }
0x55: {  	_ =	shalt  }
0x56: {  	_ =	shalt  }
0x57: {  	_ =	shalt  }
0x58: {  	_ =	shalt  }
0x59: {  	_ =	shalt  }
0x5a: {  	_ =	shalt  }
0x5b: {  	_ =	shalt  }
0x5c: {  	_ =	shalt  }
0x5d: {  	_ =	shalt  }
0x5e: {  	_ =	shalt  }
0x5f: {  	_ =	shalt  }
0x60: {  	_ =	shalt  }
0x61: {  	_ =	shalt  }
0x62: {  	_ =	shalt  }
0x63: {  	_ =	shalt  }
0x64: {  	_ =	shalt  }
0x65: {  	_ =	shalt  }
0x66: {  	_ =	shalt  }
0x67: {  	_ =	shalt  }
0x68: {  	_ =	shalt  }
0x69: {  	_ =	shalt  }
0x6a: {  	_ =	shalt  }
0x6b: {  	_ =	shalt  }
0x6c: {  	_ =	shalt  }
0x6d: {  	_ =	shalt  }
0x6e: {  	_ =	shalt  }
0x6f: {  	_ =	shalt  }
0x70: {  	_ =	shalt  }
0x71: {  	_ =	shalt  }
0x72: {  	_ =	shalt  }
0x73: {  	_ =	shalt  }
0x74: {  	_ =	shalt  }
0x75: {  	_ =	shalt  }
0x76: {  	_ =	shalt  }
0x77: {  	_ =	shalt  }
0x78: {  	_ =	shalt  }
0x79: {  	_ =	shalt  }
0x7a: {  	_ =	shalt  }
0x7b: {  	_ =	shalt  }
0x7c: {  	_ =	shalt  }
0x7d: {  	_ =	shalt  }
0x7e: {  	_ =	shalt  }
0x7f: {  	_ =	shalt  }
0x80: {  	_ =	shalt  }
0x81: {  	_ =	shalt  }
0x82: {  	_ =	shalt  }
0x83: {  	_ =	shalt  }
0x84: {  	_ =	shalt  }
0x85: {  	_ =	shalt  }
0x86: {  	_ =	shalt  }
0x87: {  	_ =	shalt  }
.Lfunc_end0:
.L_simem_size_0:
called_computation_lowered:
.L_overlay_start_0:
0x88: {  	s2 =	sld [smem:$0x3FD9]  }
0x89: {  	s3 =	sld [smem:$0x3FFE];
	_ =	sdelay $0x1  }
0x8a: {  	s1 =	srdreg.scid  }
0x8b: {  	s0 =	sand.u32 $0x1, s1  }
0x8c: {  	s17 =	sshll.u32 s0, $0xA;
	s2 =	sadd.s32 s3, s2  }
0x8d: {  	s2 =	sadd.s32 s2, s17  }
0x8e: {  	[smem:$0x3FBD] =	sst s2  }
0x8f: {  	_ = 	snop  }
0x90: {  	s2 =	sld [smem:$0x3FC9]  }
0x91: {  	s18 =	sld [smem:$0x3FC7]  }
0x92: {  	s4 =	sld [smem:$0x3FD0];
	(tm) =	ssettm $0x1  }
0x93: {  	s5 =	sld [smem:$0x3FFB];
	_ =	sdelay $0x3  }
0x94: {  	_ =	strace s5  }
0x95: {  	s5 =	sld [smem:$0x3FFC];
	_ =	sdelay $0x3  }
0x96: {  	_ =	strace s5  }
0x97: {  	s5 =	sld [smem:$0x3FFD];
	_ =	sdelay $0x3  }
0x98: {  	_ =	strace s5  }
0x99: {  	_ =	strace $0x8FFFFFFF  }
0x9a: {  	s19 =	sld [smem:$0x3FDB];
	_ =	sdelay $0x1  }
0x9b: {  	s6 =	simm.s32 $_scs_section_size  }
0x9c: {  	s7 =	simm.s32 $_size__tile_overlayer_lowered;
	s8 =	simm.s32 $_tile_overlayer_lowered  }
0x9d: {  	s22 =	simm.s32 $0x1BFF;
	s21 =	sshll.u32 s8, $0x1;
	s5 =	sadd.s32 s6, s19  }
0x9e: {  	s9 =	simm.s32 $0x0;
	s20 =	sshll.u32 s7, $0x1;
	s7 =	sadd.s32 s21, s5  }
0x9f: {  	[timem:s9], [sflag:s22] =	dma.local [hbm:s7], s20  }
0xa0: {  	_ =	swait.ge [sflag:s22], s20  }
0xa1: {  	s6 =	ssub.s32 $0x0, s20;
	[sflag:s22] =	ssyncset.done $0x0  }
0xa2: {  	[sflag:s22] =	ssyncadd.s32 s6;
	_ =	sdelay $0x1  }
0xa3: {  	s23 =	simm.s32 $0x1B8B  }
0xa4: {  	_ =	swait.ge [sflag:s23], $0x1  }
0xa5: {  	[sflag:s23] =	ssyncset.done $0x0  }
0xa6: {  	s25 =	simm.s32 $0x1B8E;
	s24 =	sld [smem:$0x3FFE];
	[sflag:s23] =	ssyncadd.s32 $0xFFFFFFFF  }
0xa7: {  	s26 =	simm.s32 $execute0_lowered;
	[smem:$0x3FD2] =	sst s25  }
0xa8: {  	s7 =	sshll.u32 s26, $0x1;
	_ =	strace $0x80000046;
	[dreg:$0x1] =	wrdreg $0xFFFFFFFF  }
0xa9: {  	s28 =	simm.s32 $_size_execute0_lowered;
	s5 =	sadd.s32 s5, s7;
	[dreg:$0x0] =	wrdreg $0x0  }
0xaa: {  	s7 =	sshll.u32 s28, $0x1;
	[dreg:$0x2] =	wrdreg s5  }
0xab: {  	[dreg:$0x3] =	wrdreg s7  }
0xac: {  	[dreg:$0x4] =	wrdreg $0xC0  }
0xad: {  	_ =	task [dreg:s9], $0x5FFFF  }
0xae: {  	[dreg:$0x1] =	wrdreg $0xFFFFFFFF  }
0xaf: {  	[dreg:$0x0] =	wrdreg $0x60  }
0xb0: {  	[dreg:$0x2] =	wrdreg s2  }
0xb1: {  	[dreg:$0x3] =	wrdreg s4  }
0xb2: {  	[dreg:$0x4] =	wrdreg s18  }
0xb3: {  	[dreg:$0x5] =	wrdreg s24  }
0xb4: {  	[dreg:$0x6] =	wrdreg $0x9  }
0xb5: {  	_ =	task.clear_ibuf [dreg:s9], $0x7FFFF;
	_ =	strace $0x90000046  }
0xb6: {  	s29 =	simm.s32 $0x9;
	_ =	strace $0x80000048  }
0xb7: {  	_ =	swait.ge [sflag:s29], $0x1  }
0xb8: {  	[sflag:s29] =	ssyncadd.s32 $0xFFFFFFFF  }
0xb9: {  	_ =	strace $0x90000048  }
0xba: {  	_ =	sfence  }
0xbb: {  	s30 =	sld [smem:$0x0];
	_ =	sdelay $0x2  }
0xbc: {  	s31 =	sshll.u32 s1, $0xD;
	s1 =	sshrl.u32 s1, $0x2  }
0xbd: {  	s3 =	sand.u32 $0x4000, s31;
	s1 =	sadd.s32 s1, s30  }
0xbe: {  	s0 =	sor.u32 s3, s0;
	s1 =	sshll.u32 s1, $0x11  }
0xbf: {  	s0 =	sor.u32 s1, s0  }
0xc0: {  	s0 =	sadd.s32 $0x8F2B, s0  }
0xc1: {  	[sflag:s0] =	ssyncadd.remote.s32 $0x1  }
0xc2: {  	_ =	sfence.sel $0xFFFF  }
0xc3: {  	[dreg:$0x0] =	wrdreg $0xFFFFFFFF;
	(pc) =	sbr.abs _section_cstart, $3  }
0xc4: {  	[dreg:$0x1] =	wrdreg $0xFFFFFFFF  }
0xc5: {  	_ =	task.clear_ibuf [dreg:s9], $0x2FFFF;
	_ =	strace $0x9FFFFFFF  }
0xc6: {  	(tm) =	ssettm $0x7FFFFFFF  }
0xc7: {  	_ =	shalt  }
tec
execute0_lowered:
.L_overlay_start_1:
0x0: {  	(tag) =	ssettag $0x1  }
0x1: {  	s5 =	rddreg [dreg:$0x0]  }
0x2: {  	s6 =	rddreg [dreg:$0x1]  }
0x3: {  	s1 =	rddreg [dreg:$0x2]  }
0x4: {  	s8 =	rddreg [dreg:$0x3]  }
0x5: {  	s0 =	rddreg [dreg:$0x4];
	s3 =	simm.s32 $0x0;
	s4 =	srdreg.scid  }
0x6: {  	s2 =	stileid.u32;
	s11 =	simm.s32 $0x80;
	s12 =	simm.s32 $0x100  }
0x7: {  	s13 =	simm.s32 $0x900;
	s14 =	simm.s32 $0x1100;
	s15 =	simm.s32 $0x1900  }
0x8: {  	s16 =	simm.s32 $0x2100;
	s17 =	simm.s32 $0x2900;
	s18 =	simm.s32 $0x3100  }
0x9: {  	s19 =	simm.s32 $0x3900;
	s20 =	simm.s32 $0x4100;
	s21 =	simm.s32 $0x4900  }
0xa: {  	s22 =	simm.s32 $0x5100;
	s23 =	simm.s32 $0x5900;
	s24 =	simm.s32 $0x6100  }
0xb: {  	s25 =	simm.s32 $0x6900;
	s26 =	simm.s32 $0x7100;
	s28 =	simm.s32 $0x7900  }
0xc: {  	s29 =	simm.s32 $0x1;
	s30 =	simm.s32 $0x2;
	s4 =	sand.u32 $0x1, s4  }
0xd: {  	[smem:$0x7FF] =	sst s3;
	s9 =	sshll.u32 s2, $0x4;
	s7 =	ssub.s32 $0x2, s4  }
0xe: {  	s4 =	sshll.u32 s4, $0x3;
	_ =	strace $0x80000047;
	s10 =	sshrl.u32 s7, $0x1  }
0xf: {  	v2 =	vlaneseq.u32;
	s9 =	sor.u32 s4, s9;
	s4 =	sadd.s32 $0x2A00, s8;
	s8 =	sadd.s32 $0x2B00, s8  }
0x10: {  	vm0 =	vmmov $0xffff;
	v1 =	vshrl.u32 v2, $0x3;
	s10 =	ssub.s32 s7, s10;
	s5 =	sadd.s32 s5, s9;
	s6 =	sadd.s32 s6, s9  }
0x11: {  	v0 =	vand.u32 $0x7, v2;
	v2 =	vor.u32 $0x8, v2;
	v1 =	vmul.u32 $0x8, v1;
	s7 =	sadd.s32 $0x100, s1;
	s9 =	smax.u32 s10, $0x1;
	s10 =	simm.s32 $0x3  }
.LBB2_1:
0x12: {  	[tilespmem:s3], [sflag:$0x3] =	stream.linear.gather [hbm4b:s5+s3], $0x40, $0x38;
	[tilespmem:$0x8100] =	vst v63  }
0x13: {  	_ =	swait.ge [sflag:s10], $0x40  }
0x14: {  	[sflag:s10] =	ssyncset.done $0x0  }
0x15: {  	[sflag:s10] =	ssyncadd.s32 $0xFFFFFFC0  }
0x16: {  	[tilespmem:s11], [sflag:$0x3] =	stream.linear.gather [hbm4b:s6+s3], $0x40, $0x38;
	[tilespmem:$0x8100] =	vst v63  }
0x17: {  	_ =	swait.ge [sflag:s10], $0x40  }
0x18: {  	[sflag:s10] =	ssyncset.done $0x0  }
0x19: {  	[sflag:s10] =	ssyncadd.s32 $0xFFFFFFC0  }
0x1a: {  	v3 =	vld [tilespmem:$0x0];
	_ =	sdelay $0x4  }
0x1b: {  	v4 =	vshll.u32 v3, $0x2  }
0x1c: {  	v3 =	vand.u32 $0x7, v3;
	v4 =	vand.u32 $0xFFFFFFE0, v4  }
0x1d: {  	v3 =	vor.u32 v3, v4  }
0x1e: {  	v4 =	vperm.xlane v3, v0;
	_ =	sdelay $0x1  }
0x1f: {  	v4 =	vadd.s32 v1, v4;
	_ =	sdelay $0x1  }
0x20: {  	v3 =	vperm.xlane v3, v2;
	_ =	sdelay $0x1  }
0x21: {  	v3 =	vadd.s32 v1, v3  }
0x22: {  	[tilespmem:s12], [sflag:$0x1] =	stream.indirect_vreg.gather [hbm4b:s1+s3], $0x80, v4, vm0, $0xb8;
	[tilespmem:$0x8100] =	vst v63  }
0x23: {  	_ = 	snop  }
0x24: {  	[tilespmem:s13], [sflag:$0x1] =	stream.indirect_vreg.gather [hbm4b:s7+s3], $0x80, v4, vm0, $0xb8;
	[tilespmem:$0x8100] =	vst v63  }
0x25: {  	_ = 	snop  }
0x26: {  	[tilespmem:s14], [sflag:$0x1] =	stream.indirect_vreg.gather [hbm4b:s1+s3], $0x80, v3, vm0, $0xb8;
	[tilespmem:$0x8100] =	vst v63  }
0x27: {  	_ = 	snop  }
0x28: {  	[tilespmem:s15], [sflag:$0x1] =	stream.indirect_vreg.gather [hbm4b:s7+s3], $0x80, v3, vm0, $0xb8;
	[tilespmem:$0x8100] =	vst v63  }
0x29: {  	v3 =	vld [tilespmem:$0x10];
	_ =	sdelay $0x4  }
0x2a: {  	v57 =	vshll.u32 v3, $0x2  }
0x2b: {  	v3 =	vand.u32 $0x7, v3;
	v4 =	vand.u32 $0xFFFFFFE0, v57  }
0x2c: {  	v3 =	vor.u32 v3, v4  }
0x2d: {  	v4 =	vperm.xlane v3, v0;
	_ =	sdelay $0x1  }
0x2e: {  	v4 =	vadd.s32 v1, v4;
	_ =	sdelay $0x1  }
0x2f: {  	v3 =	vperm.xlane v3, v2;
	_ =	sdelay $0x1  }
0x30: {  	v3 =	vadd.s32 v1, v3  }
0x31: {  	[tilespmem:s16], [sflag:$0x1] =	stream.indirect_vreg.gather [hbm4b:s1+s3], $0x80, v4, vm0, $0xb8;
	[tilespmem:$0x8100] =	vst v63  }
0x32: {  	_ = 	snop  }
0x33: {  	[tilespmem:s17], [sflag:$0x1] =	stream.indirect_vreg.gather [hbm4b:s7+s3], $0x80, v4, vm0, $0xb8;
	[tilespmem:$0x8100] =	vst v63  }
0x34: {  	_ = 	snop  }
0x35: {  	[tilespmem:s18], [sflag:$0x1] =	stream.indirect_vreg.gather [hbm4b:s1+s3], $0x80, v3, vm0, $0xb8;
	[tilespmem:$0x8100] =	vst v63  }
0x36: {  	_ = 	snop  }
0x37: {  	[tilespmem:s19], [sflag:$0x1] =	stream.indirect_vreg.gather [hbm4b:s7+s3], $0x80, v3, vm0, $0xb8;
	[tilespmem:$0x8100] =	vst v63  }
0x38: {  	v3 =	vld [tilespmem:$0x20];
	_ =	sdelay $0x4  }
0x39: {  	v58 =	vshll.u32 v3, $0x2  }
0x3a: {  	v3 =	vand.u32 $0x7, v3;
	v4 =	vand.u32 $0xFFFFFFE0, v58  }
0x3b: {  	v3 =	vor.u32 v3, v4  }
0x3c: {  	v4 =	vperm.xlane v3, v0;
	_ =	sdelay $0x1  }
0x3d: {  	v4 =	vadd.s32 v1, v4;
	_ =	sdelay $0x1  }
0x3e: {  	v3 =	vperm.xlane v3, v2;
	_ =	sdelay $0x1  }
0x3f: {  	v3 =	vadd.s32 v1, v3  }
0x40: {  	[tilespmem:s20], [sflag:$0x1] =	stream.indirect_vreg.gather [hbm4b:s1+s3], $0x80, v4, vm0, $0xb8;
	[tilespmem:$0x8100] =	vst v63  }
0x41: {  	_ = 	snop  }
0x42: {  	[tilespmem:s21], [sflag:$0x1] =	stream.indirect_vreg.gather [hbm4b:s7+s3], $0x80, v4, vm0, $0xb8;
	[tilespmem:$0x8100] =	vst v63  }
0x43: {  	_ = 	snop  }
0x44: {  	[tilespmem:s22], [sflag:$0x1] =	stream.indirect_vreg.gather [hbm4b:s1+s3], $0x80, v3, vm0, $0xb8;
	[tilespmem:$0x8100] =	vst v63  }
0x45: {  	_ = 	snop  }
0x46: {  	[tilespmem:s23], [sflag:$0x1] =	stream.indirect_vreg.gather [hbm4b:s7+s3], $0x80, v3, vm0, $0xb8;
	[tilespmem:$0x8100] =	vst v63  }
0x47: {  	v3 =	vld [tilespmem:$0x30];
	_ =	sdelay $0x4  }
0x48: {  	v59 =	vshll.u32 v3, $0x2  }
0x49: {  	v3 =	vand.u32 $0x7, v3;
	v4 =	vand.u32 $0xFFFFFFE0, v59  }
0x4a: {  	v3 =	vor.u32 v3, v4  }
0x4b: {  	v4 =	vperm.xlane v3, v0;
	_ =	sdelay $0x1  }
0x4c: {  	v4 =	vadd.s32 v1, v4;
	_ =	sdelay $0x1  }
0x4d: {  	v3 =	vperm.xlane v3, v2;
	_ =	sdelay $0x1  }
0x4e: {  	v3 =	vadd.s32 v1, v3  }
0x4f: {  	[tilespmem:s24], [sflag:$0x1] =	stream.indirect_vreg.gather [hbm4b:s1+s3], $0x80, v4, vm0, $0xb8;
	[tilespmem:$0x8100] =	vst v63  }
0x50: {  	_ = 	snop  }
0x51: {  	[tilespmem:s25], [sflag:$0x1] =	stream.indirect_vreg.gather [hbm4b:s7+s3], $0x80, v4, vm0, $0xb8;
	[tilespmem:$0x8100] =	vst v63  }
0x52: {  	_ = 	snop  }
0x53: {  	[tilespmem:s26], [sflag:$0x1] =	stream.indirect_vreg.gather [hbm4b:s1+s3], $0x80, v3, vm0, $0xb8;
	[tilespmem:$0x8100] =	vst v63  }
0x54: {  	_ = 	snop  }
0x55: {  	[tilespmem:s28], [sflag:$0x1] =	stream.indirect_vreg.gather [hbm4b:s7+s3], $0x80, v3, vm0, $0xb8;
	[tilespmem:$0x8100] =	vst v63  }
0x56: {  	_ =	swait.ge [sflag:s29], $0x8000  }
0x57: {  	[sflag:s29] =	ssyncset.done $0x0  }
0x58: {  	[sflag:s29] =	ssyncadd.s32 $0xFFFF8000  }
0x59: {  	v3 =	vld [tilespmem:$0x80];
	_ =	sdelay $0x4  }
0x5a: {  	v60 =	vshll.u32 v3, $0x2  }
0x5b: {  	v3 =	vand.u32 $0x7, v3;
	v4 =	vand.u32 $0xFFFFFFE0, v60  }
0x5c: {  	v3 =	vor.u32 v3, v4  }
0x5d: {  	v4 =	vperm.xlane v3, v0;
	_ =	sdelay $0x1  }
0x5e: {  	v4 =	vadd.s32 v1, v4;
	_ =	sdelay $0x1  }
0x5f: {  	v3 =	vperm.xlane v3, v2;
	_ =	sdelay $0x1  }
0x60: {  	v3 =	vadd.s32 v1, v3  }
0x61: {  	[hbm4b:s4+s3] =	stream.indirect_vreg.scatter [tilespmem:s12], [sflag:$0x2], $0x80, v4, vm0, $0xb8;
	[tilespmem:$0x8100] =	vst v63  }
0x62: {  	_ = 	snop  }
0x63: {  	[hbm4b:s8+s3] =	stream.indirect_vreg.scatter [tilespmem:s13], [sflag:$0x2], $0x80, v4, vm0, $0xb8;
	[tilespmem:$0x8100] =	vst v63  }
0x64: {  	_ = 	snop  }
0x65: {  	[hbm4b:s4+s3] =	stream.indirect_vreg.scatter [tilespmem:s14], [sflag:$0x2], $0x80, v3, vm0, $0xb8;
	[tilespmem:$0x8100] =	vst v63  }
0x66: {  	_ = 	snop  }
0x67: {  	[hbm4b:s8+s3] =	stream.indirect_vreg.scatter [tilespmem:s15], [sflag:$0x2], $0x80, v3, vm0, $0xb8;
	[tilespmem:$0x8100] =	vst v63  }
0x68: {  	v3 =	vld [tilespmem:$0x90];
	_ =	sdelay $0x4  }
0x69: {  	v61 =	vshll.u32 v3, $0x2  }
0x6a: {  	v3 =	vand.u32 $0x7, v3;
	v4 =	vand.u32 $0xFFFFFFE0, v61  }
0x6b: {  	v3 =	vor.u32 v3, v4  }
0x6c: {  	v4 =	vperm.xlane v3, v0;
	_ =	sdelay $0x1  }
0x6d: {  	v4 =	vadd.s32 v1, v4;
	_ =	sdelay $0x1  }
0x6e: {  	v3 =	vperm.xlane v3, v2;
	_ =	sdelay $0x1  }
0x6f: {  	v3 =	vadd.s32 v1, v3  }
0x70: {  	[hbm4b:s4+s3] =	stream.indirect_vreg.scatter [tilespmem:s16], [sflag:$0x2], $0x80, v4, vm0, $0xb8;
	[tilespmem:$0x8100] =	vst v63  }
0x71: {  	_ = 	snop  }
0x72: {  	[hbm4b:s8+s3] =	stream.indirect_vreg.scatter [tilespmem:s17], [sflag:$0x2], $0x80, v4, vm0, $0xb8;
	[tilespmem:$0x8100] =	vst v63  }
0x73: {  	_ = 	snop  }
0x74: {  	[hbm4b:s4+s3] =	stream.indirect_vreg.scatter [tilespmem:s18], [sflag:$0x2], $0x80, v3, vm0, $0xb8;
	[tilespmem:$0x8100] =	vst v63  }
0x75: {  	_ = 	snop  }
0x76: {  	[hbm4b:s8+s3] =	stream.indirect_vreg.scatter [tilespmem:s19], [sflag:$0x2], $0x80, v3, vm0, $0xb8;
	[tilespmem:$0x8100] =	vst v63  }
0x77: {  	v3 =	vld [tilespmem:$0xA0];
	_ =	sdelay $0x4  }
0x78: {  	v62 =	vshll.u32 v3, $0x2  }
0x79: {  	v3 =	vand.u32 $0x7, v3;
	v4 =	vand.u32 $0xFFFFFFE0, v62  }
0x7a: {  	v3 =	vor.u32 v3, v4  }
0x7b: {  	v4 =	vperm.xlane v3, v0;
	_ =	sdelay $0x1  }
0x7c: {  	v4 =	vadd.s32 v1, v4;
	_ =	sdelay $0x1  }
0x7d: {  	v3 =	vperm.xlane v3, v2;
	_ =	sdelay $0x1  }
0x7e: {  	v3 =	vadd.s32 v1, v3  }
0x7f: {  	[hbm4b:s4+s3] =	stream.indirect_vreg.scatter [tilespmem:s20], [sflag:$0x2], $0x80, v4, vm0, $0xb8;
	[tilespmem:$0x8100] =	vst v63  }
0x80: {  	_ = 	snop  }
0x81: {  	[hbm4b:s8+s3] =	stream.indirect_vreg.scatter [tilespmem:s21], [sflag:$0x2], $0x80, v4, vm0, $0xb8;
	[tilespmem:$0x8100] =	vst v63  }
0x82: {  	_ = 	snop  }
0x83: {  	[hbm4b:s4+s3] =	stream.indirect_vreg.scatter [tilespmem:s22], [sflag:$0x2], $0x80, v3, vm0, $0xb8;
	[tilespmem:$0x8100] =	vst v63  }
0x84: {  	_ = 	snop  }
0x85: {  	[hbm4b:s8+s3] =	stream.indirect_vreg.scatter [tilespmem:s23], [sflag:$0x2], $0x80, v3, vm0, $0xb8;
	[tilespmem:$0x8100] =	vst v63  }
0x86: {  	v3 =	vld [tilespmem:$0xB0];
	_ =	sdelay $0x4  }
0x87: {  	v63 =	vshll.u32 v3, $0x2  }
0x88: {  	v3 =	vand.u32 $0x7, v3;
	v4 =	vand.u32 $0xFFFFFFE0, v63  }
0x89: {  	v3 =	vor.u32 v3, v4  }
0x8a: {  	v4 =	vperm.xlane v3, v0;
	_ =	sdelay $0x1  }
0x8b: {  	v4 =	vadd.s32 v1, v4;
	_ =	sdelay $0x1  }
0x8c: {  	v3 =	vperm.xlane v3, v2;
	_ =	sdelay $0x1  }
0x8d: {  	v3 =	vadd.s32 v1, v3  }
0x8e: {  	[hbm4b:s4+s3] =	stream.indirect_vreg.scatter [tilespmem:s24], [sflag:$0x2], $0x80, v4, vm0, $0xb8;
	[tilespmem:$0x8100] =	vst v63  }
0x8f: {  	_ = 	snop  }
0x90: {  	[hbm4b:s8+s3] =	stream.indirect_vreg.scatter [tilespmem:s25], [sflag:$0x2], $0x80, v4, vm0, $0xb8;
	[tilespmem:$0x8100] =	vst v63  }
0x91: {  	p0 =	sne.s32 s9, $0x1  }
0x92: {  	[hbm4b:s4+s3] =	stream.indirect_vreg.scatter [tilespmem:s26], [sflag:$0x2], $0x80, v3, vm0, $0xb8;
	[tilespmem:$0x8100] =	vst v63  }
.Ltmp0:
0x93: {  	_ = 	snop;
	(pc) =	sbr.rel @p0 .LBB2_1-.Ltmp0, $4  }
0x94: {  	[hbm4b:s8+s3] =	stream.indirect_vreg.scatter [tilespmem:s28], [sflag:$0x2], $0x80, v3, vm0, $0xb8;
	[tilespmem:$0x8100] =	vst v63  }
0x95: {  	_ =	swait.ge [sflag:s30], $0x8000  }
0x96: {  	[sflag:s30] =	ssyncset.done $0x0  }
0x97: {  	s9 =	sadd.s32 $0xFFFFFFFF, s9;
	[sflag:s30] =	ssyncadd.s32 $0xFFFF8000  }
0x98: {  	_ =	sfence.sel $0x180000  }
0x99: {  	[bflag:$0x0] =	sbarrier.arrive $0xFFFF  }
0x9a: {  	p0 =	sne.s32 s2, $0x0;
	_ =	strace $0x90000047  }
0x9b: {  	s0 =	sadd.s32 @!p0 $0x100000, s0;
	[bflag:$0x2] =	sbarrier.arrive $0xFFFF  }
0x9c: {  	[sflag:s0] =	ssyncadd.tile.s32 @!p0 $0x1;
	_ =	shalt  }
.Lfunc_end2:
_tile_overlayer_lowered:
.L_overlay_start_2:
0x9d: {  	(tag) =	ssettag $0x2  }
0x9e: {  	s0 =	rddreg [dreg:$0x0];
	s2 =	stileid.u32  }
0x9f: {  	s1 =	rddreg [dreg:$0x1];
	p0 =	sne.s32 s2, $0x0  }
0xa0: {  	s3 =	rddreg [dreg:$0x2];
	[bflag:$0x3] =	sbarrier.arrive $0xFFFF;
	s2 =	simm.s32 @!p0 $0x1C03  }
0xa1: {  	[timem:s3], [sflag:s2] =	dma.local @!p0 [hbm:s0], s1  }
0xa2: {  	s0 =	simm.s32 @!p0 $0x3  }
0xa3: {  	_ =	swait.ge @!p0 [sflag:s0], s1  }
0xa4: {  	s1 =	ssub.s32 @!p0 $0x0, s1;
	[sflag:s0] =	ssyncset.done @!p0 $0x0  }
0xa5: {  	[sflag:s0] =	ssyncadd.s32 @!p0 s1  }
0xa6: {  	[bflag:$0x3] =	sbarrier.arrive $0xFFFF  }
0xa7: {  	_ =	shalt  }

</sc_bundles>
